<compile_context>
chip_gen: v7x
topology: tpu7x:2x2x1
jax: 0.10.2.dev20260603
libtpu: 0.0.44.dev20260713+nightly
codegen_flags: <defaults>
</compile_context>

<pallas_src>
import dataclasses
import functools

import jax
import jax.numpy as jnp
from jax import lax
from jax.experimental import pallas as pl
from jax.experimental.pallas import tpu as pltpu
from jax.experimental.pallas import tpu_sc as plsc

N = 10000
E = 320000
FIN = 128
H = 256
OUT = 2

NP = 10240
CH = 128
EC = E // CH
G = 1
SCN = EC // G
NSUB = 16
NCORE = 2
BN = 1024
NB = NP // BN

_mesh = plsc.VectorSubcoreMesh(core_axis_name="c", subcore_axis_name="s")

_sc_params = pltpu.CompilerParams()
if "needs_layout_passes" in pltpu.CompilerParams.__dataclass_fields__:
    _sc_params = dataclasses.replace(_sc_params, needs_layout_passes=False)


def _zero_vmem2d(buf, rows):
    z = jnp.zeros((16,), jnp.float32)

    @pl.loop(0, rows)
    def _(e):
        for j in range(8):
            buf[e, pl.ds(16 * j, 16)] = z


def _rsqrt16(d):
    i = plsc.bitcast(d, jnp.int32)
    i = 0x5F3759DF - lax.shift_right_arithmetic(i, 1)
    y = plsc.bitcast(i, jnp.float32)
    for _ in range(3):
        y = y * (1.5 - 0.5 * d * y * y)
    return y



def _prep_body(row_hbm, col_hbm, ew_hbm, norm_hbm, selfw_hbm,
               deg_sp, zbuf, col0, col1, ewb0, ewb1, row0, row1,
               nb0, nb1, swbuf, degbuf, dinvbuf,
               lsem0, lsem1, ssem0, ssem1, wsem0, wsem1):
    s = lax.axis_index("s")
    c = lax.axis_index("c")
    colb = (col0, col1)
    ewb = (ewb0, ewb1)
    rowb = (row0, row1)
    nb = (nb0, nb1)
    lsem = (lsem0, lsem1)
    ssem = (ssem0, ssem1)
    wsem = (wsem0, wsem1)

    @pl.loop(0, 40)
    def _(i):
        zbuf[pl.ds(16 * i, 16)] = jnp.zeros((16,), jnp.float32)

    pltpu.sync_copy(zbuf, deg_sp.at[pl.ds(s * 640, 640)])
    plsc.subcore_barrier()

    DB = 4
    DSC = EC // DB

    def d_t(i):
        return s + 16 * i

    def dload_issue(i, p):
        @pl.when(d_t(i) < DSC)
        def _():
            pltpu.make_async_copy(
                col_hbm.at[pl.ds(DB * d_t(i), DB)], colb[p], lsem[p]).start()
            pltpu.make_async_copy(
                ew_hbm.at[pl.ds(DB * d_t(i), DB)], ewb[p], lsem[p]).start()

    def dload_wait(i, p):
        @pl.when(d_t(i) < DSC)
        def _():
            pltpu.make_async_copy(
                col_hbm.at[pl.ds(DB * d_t(i), DB)], colb[p], lsem[p]).wait()
            pltpu.make_async_copy(
                ew_hbm.at[pl.ds(DB * d_t(i), DB)], ewb[p], lsem[p]).wait()

    def dscat_issue(i, p):
        @pl.when(d_t(i) < DSC)
        def _():
            for g in range(DB):
                pltpu.async_copy(ewb[p].at[g], deg_sp.at[colb[p].at[g]],
                                 ssem[p], add=True)

    def dscat_wait(i, p):
        @pl.when((i >= 0) & (d_t(i) < DSC))
        def _():
            for g in range(DB):
                pltpu.make_async_copy(ewb[p].at[g], deg_sp.at[colb[0].at[g]],
                                      ssem[p]).wait()

    dload_issue(0, 0)

    @pl.loop(0, 21)
    def _(blk):
        for u in range(2):
            i = blk * 2 + u
            p = u % 2
            dscat_wait(i - 1, 1 - p)
            dload_issue(i + 1, 1 - p)
            dload_wait(i, p)
            dscat_issue(i, p)

    plsc.subcore_barrier()

    pltpu.sync_copy(deg_sp, degbuf)

    @pl.loop(0, NP // 16)
    def _(i):
        d = degbuf[pl.ds(16 * i, 16)] + 1.0
        dinvbuf[pl.ds(16 * i, 16)] = _rsqrt16(d)

    @pl.when(c == 0)
    def _():
        for m in range(5):
            r = s * 5 + m
            for j in range(8):
                v = dinvbuf[pl.ds(r * 128 + 16 * j, 16)]
                swbuf[0, pl.ds(16 * j, 16)] = v * v
            pltpu.sync_copy(swbuf, selfw_hbm.at[pl.ds(r, 1)])

    NBC = 2
    NSC = (EC // 2) // NBC

    def n_base(i):
        return c * (EC // 2) + NBC * (s + 16 * i)

    def nload_issue(i, p):
        @pl.when(s + 16 * i < NSC)
        def _():
            b = n_base(i)
            pltpu.make_async_copy(
                row_hbm.at[pl.ds(b, NBC)], rowb[p], lsem[p]).start()
            pltpu.make_async_copy(
                col_hbm.at[pl.ds(b, NBC)], colb[p].at[pl.ds(0, NBC)],
                lsem[p]).start()
            pltpu.make_async_copy(
                ew_hbm.at[pl.ds(b, NBC)], ewb[p].at[pl.ds(0, NBC)],
                lsem[p]).start()

    def nload_wait(i, p):
        @pl.when(s + 16 * i < NSC)
        def _():
            b = n_base(i)
            pltpu.make_async_copy(
                row_hbm.at[pl.ds(b, NBC)], rowb[p], lsem[p]).wait()
            pltpu.make_async_copy(
                col_hbm.at[pl.ds(b, NBC)], colb[p].at[pl.ds(0, NBC)],
                lsem[p]).wait()
            pltpu.make_async_copy(
                ew_hbm.at[pl.ds(b, NBC)], ewb[p].at[pl.ds(0, NBC)],
                lsem[p]).wait()

    def nwrite_issue(i, p):
        @pl.when(s + 16 * i < NSC)
        def _():
            pltpu.async_copy(nb[p], norm_hbm.at[pl.ds(n_base(i), NBC)],
                             wsem[p])

    def nwrite_wait(i, p):
        @pl.when((i >= 0) & (s + 16 * i < NSC))
        def _():
            pltpu.make_async_copy(nb[p], norm_hbm.at[pl.ds(0, NBC)],
                                  wsem[p]).wait()

    def ncompute(i, p):
        @pl.when(s + 16 * i < NSC)
        def _():
            for g in range(NBC):
                for j in range(8):
                    sl = pl.ds(16 * j, 16)
                    dr = plsc.load_gather(dinvbuf, [rowb[p][g, sl]])
                    dc = plsc.load_gather(dinvbuf, [colb[p][g, sl]])
                    nb[p][g, sl] = dr * ewb[p][g, sl] * dc

    nload_issue(0, 0)

    @pl.loop(0, 21)
    def _(blk):
        for u in range(2):
            i = blk * 2 + u
            p = u % 2
            nwrite_wait(i - 2, p)
            nload_wait(i, p)
            nload_issue(i + 1, 1 - p)
            ncompute(i, p)
            nwrite_issue(i, p)


@jax.jit
def _prep(row2d, col2d, ew2d):
    return pl.kernel(
        _prep_body,
        out_type=(jax.ShapeDtypeStruct((EC, CH), jnp.float32),
                  jax.ShapeDtypeStruct((NP // CH, CH), jnp.float32)),
        mesh=_mesh,
        scratch_types=[
            pltpu.VMEM_SHARED((NP,), jnp.float32),
            pltpu.VMEM((640,), jnp.float32),
            pltpu.VMEM((4, CH), jnp.int32),
            pltpu.VMEM((4, CH), jnp.int32),
            pltpu.VMEM((4, CH), jnp.float32),
            pltpu.VMEM((4, CH), jnp.float32),
            pltpu.VMEM((2, CH), jnp.int32),
            pltpu.VMEM((2, CH), jnp.int32),
            pltpu.VMEM((2, CH), jnp.float32),
            pltpu.VMEM((2, CH), jnp.float32),
            pltpu.VMEM((1, CH), jnp.float32),
            pltpu.VMEM((NP,), jnp.float32),
            pltpu.VMEM((NP,), jnp.float32),
            pltpu.SemaphoreType.DMA,
            pltpu.SemaphoreType.DMA,
            pltpu.SemaphoreType.DMA,
            pltpu.SemaphoreType.DMA,
            pltpu.SemaphoreType.DMA,
            pltpu.SemaphoreType.DMA,
        ],
        compiler_params=_sc_params,
    )(row2d, col2d, ew2d)



def _layer_body(xw_hbm, rn_hbm, col_hbm, selfw_hbm, b_hbm,
                h_hbm, acc_sp, rows0, rows1,
                rn0, rn1, rn2, col0, col1, col2,
                swbuf, bbuf,
                rnsem0, rnsem1, rnsem2, csem0, csem1, csem2,
                gsem0, gsem1, ssem0, ssem1):
    s = lax.axis_index("s")
    c = lax.axis_index("c")
    rows = (rows0, rows1)
    rnb = (rn0, rn1, rn2)
    colb = (col0, col1, col2)
    rnsem = (rnsem0, rnsem1, rnsem2)
    csem = (csem0, csem1, csem2)
    gsem = (gsem0, gsem1)
    ssem = (ssem0, ssem1)

    _zero_vmem2d(rows0, CH)
    for m in range(5):
        pltpu.sync_copy(rows0, acc_sp.at[pl.ds(s * 640 + m * 128, 128)])
    pltpu.sync_copy(b_hbm.at[pl.ds(c, 1)], bbuf)
    plsc.subcore_barrier()

    def t_of(i):
        return s + 16 * i

    def rn_issue(i, e3):
        @pl.when(t_of(i) < SCN)
        def _():
            pltpu.make_async_copy(
                rn_hbm.at[pl.ds(G * t_of(i), G)], rnb[e3], rnsem[e3]).start()

    def col_issue(i, e3):
        @pl.when(t_of(i) < SCN)
        def _():
            pltpu.make_async_copy(
                col_hbm.at[pl.ds(G * t_of(i), G)], colb[e3], csem[e3]).start()

    def rn_wait(i, e3):
        @pl.when(t_of(i) < SCN)
        def _():
            pltpu.make_async_copy(
                rn_hbm.at[pl.ds(G * t_of(i), G)], rnb[e3], rnsem[e3]).wait()

    def gather_issue(i, e3, p2):
        @pl.when(t_of(i) < SCN)
        def _():
            for g in range(G):
                pltpu.make_async_copy(
                    xw_hbm.at[c].at[rnb[e3].at[g, 0]],
                    rows[p2].at[pl.ds(CH * g, CH)], gsem[p2]).start()

    def gather_wait(i, p2):
        @pl.when(t_of(i) < SCN)
        def _():
            for g in range(G):
                pltpu.make_async_copy(
                    xw_hbm.at[c].at[rnb[0].at[g, 0]],
                    rows[p2].at[pl.ds(CH * g, CH)], gsem[p2]).wait()

    def scatter_issue(i, e3, p2):
        @pl.when(t_of(i) < SCN)
        def _():
            pltpu.make_async_copy(
                col_hbm.at[pl.ds(G * t_of(i), G)], colb[e3], csem[e3]).wait()
            for g in range(G):
                pltpu.async_copy(
                    rows[p2].at[pl.ds(CH * g, CH)],
                    acc_sp.at[colb[e3].at[g]], ssem[p2], add=True)

    def scatter_wait(i, p2):
        @pl.when((i >= 0) & (t_of(i) < SCN))
        def _():
            for g in range(G):
                pltpu.make_async_copy(
                    rows[p2].at[pl.ds(CH * g, CH)],
                    acc_sp.at[colb[0].at[g]], ssem[p2]).wait()

    def scale(e3, p2):
        @pl.loop(0, 8)
        def _(sub):
            nvec = plsc.bitcast(rnb[e3][0, 1, pl.ds(16 * sub, 16)],
                                jnp.float32)
            for l in range(16):
                ns = nvec[l]
                e = 16 * sub + l
                for j in range(8):
                    sl = pl.ds(16 * j, 16)
                    rows[p2][e, sl] = rows[p2][e, sl] * ns

    for ii in range(3):
        rn_issue(ii, ii)
    for ii in range(2):
        col_issue(ii, ii)
    rn_wait(0, 0)
    gather_issue(0, 0, 0)

    @pl.loop(0, 27)
    def _(blk):
        for u in range(6):
            i = blk * 6 + u
            p2 = u % 2
            e3 = u % 3
            gather_wait(i, p2)
            scatter_wait(i - 1, 1 - p2)
            col_issue(i + 2, (e3 + 2) % 3)
            rn_wait(i + 1, (e3 + 1) % 3)
            gather_issue(i + 1, (e3 + 1) % 3, 1 - p2)
            scale(e3, p2)
            scatter_issue(i, e3, p2)
            rn_issue(i + 3, e3)

    plsc.subcore_barrier()

    for m in range(5):
        r0 = s * 640 + m * 128
        pltpu.sync_copy(acc_sp.at[pl.ds(r0, 128)], rows0)
        pltpu.sync_copy(xw_hbm.at[c].at[pl.ds(r0, 128)], rows1)
        pltpu.sync_copy(selfw_hbm.at[pl.ds(s * 5 + m, 1)], swbuf)

        @pl.loop(0, CH // 16)
        def _(g):
            swv = swbuf[0, pl.ds(16 * g, 16)]
            for l in range(16):
                sw = swv[l]
                e = 16 * g + l
                for j in range(8):
                    sl = pl.ds(16 * j, 16)
                    v = rows0[e, sl] + sw * rows1[e, sl] + bbuf[0, sl]
                    rows0[e, sl] = jnp.maximum(v, 0.0)

        pltpu.sync_copy(rows0, h_hbm.at[c].at[pl.ds(r0, 128)])


@jax.jit
def _layer(xw, rn, col2d, selfw, b2d):
    return pl.kernel(
        _layer_body,
        out_type=jax.ShapeDtypeStruct((NCORE, NP, 128), jnp.float32),
        mesh=_mesh,
        scratch_types=[
            pltpu.VMEM_SHARED((NP, 128), jnp.float32),
            pltpu.VMEM((G * CH, 128), jnp.float32),
            pltpu.VMEM((G * CH, 128), jnp.float32),
            pltpu.VMEM((G, 2, CH), jnp.int32),
            pltpu.VMEM((G, 2, CH), jnp.int32),
            pltpu.VMEM((G, 2, CH), jnp.int32),
            pltpu.VMEM((G, CH), jnp.int32),
            pltpu.VMEM((G, CH), jnp.int32),
            pltpu.VMEM((G, CH), jnp.int32),
            pltpu.VMEM((1, CH), jnp.float32),
            pltpu.VMEM((1, 128), jnp.float32),
            pltpu.SemaphoreType.DMA,
            pltpu.SemaphoreType.DMA,
            pltpu.SemaphoreType.DMA,
            pltpu.SemaphoreType.DMA,
            pltpu.SemaphoreType.DMA,
            pltpu.SemaphoreType.DMA,
            pltpu.SemaphoreType.DMA,
            pltpu.SemaphoreType.DMA,
            pltpu.SemaphoreType.DMA,
            pltpu.SemaphoreType.DMA,
        ],
        compiler_params=_sc_params,
    )(xw, rn, col2d, selfw, b2d)



def _mm_split_body(a_ref, w_ref, o_ref):
    k = pl.program_id(2)

    @pl.when(k == 0)
    def _():
        o_ref[...] = jnp.zeros_like(o_ref)

    o_ref[0] += jnp.dot(a_ref[0], w_ref[0, 0],
                        preferred_element_type=jnp.float32)


@jax.jit
def _mm_split(parts, w4):
    kin = parts.shape[0]
    return pl.pallas_call(
        _mm_split_body,
        grid=(NB, NCORE, kin),
        in_specs=[
            pl.BlockSpec((1, BN, 128), lambda i, c, k: (k, i, 0)),
            pl.BlockSpec((1, 1, 128, 128), lambda i, c, k: (k, c, 0, 0)),
        ],
        out_specs=pl.BlockSpec((1, BN, 128), lambda i, c, k: (c, i, 0)),
        out_shape=jax.ShapeDtypeStruct((NCORE, NP, 128), jnp.float32),
    )(parts, w4)


def _mm_head_body(p_ref, w_ref, b_ref, o_ref):
    k = pl.program_id(1)

    @pl.when(k == 0)
    def _():
        o_ref[...] = jnp.broadcast_to(b_ref[...], o_ref.shape)

    o_ref[...] += jnp.dot(p_ref[0], w_ref[0],
                          preferred_element_type=jnp.float32)


@jax.jit
def _mm_head(parts, w, b):
    return pl.pallas_call(
        _mm_head_body,
        grid=(NB, 4),
        in_specs=[
            pl.BlockSpec((1, BN, 128), lambda i, k: (k, i, 0)),
            pl.BlockSpec((1, 128, 128), lambda i, k: (k, 0, 0)),
            pl.BlockSpec((1, 128), lambda i, k: (0, 0)),
        ],
        out_specs=pl.BlockSpec((BN, 128), lambda i, k: (i, 0)),
        out_shape=jax.ShapeDtypeStruct((NP, 128), jnp.float32),
    )(parts, w, b)



def kernel(x, edge_index, edge_weight, W1, b1, W2, b2, W3, b3, Wfc, bfc):
    row2d = edge_index[0].reshape(EC, CH)
    col2d = edge_index[1].reshape(EC, CH)
    ew2d = edge_weight.reshape(EC, CH)

    norm2d, selfw = _prep(row2d, col2d, ew2d)
    rn = jnp.stack(
        [row2d, jax.lax.bitcast_convert_type(norm2d, jnp.int32)], axis=1)

    xp = jnp.zeros((1, NP, FIN), jnp.float32).at[0, :N, :].set(x)
    xw1 = _mm_split(xp, W1.reshape(1, 128, 2, 128).transpose(0, 2, 1, 3))
    h1 = _layer(xw1, rn, col2d, selfw, b1.reshape(2, 128))

    xw2 = _mm_split(h1, W2.reshape(2, 128, 2, 128).transpose(0, 2, 1, 3))
    h2 = _layer(xw2, rn, col2d, selfw, b2.reshape(2, 128))

    xw3 = _mm_split(h2, W3.reshape(2, 128, 2, 128).transpose(0, 2, 1, 3))
    h3 = _layer(xw3, rn, col2d, selfw, b3.reshape(2, 128))

    parts = jnp.concatenate([h2, h3], axis=0)
    wfc = jnp.zeros((4, 128, 128), jnp.float32).at[:, :, :OUT].set(
        Wfc.reshape(4, 128, OUT))
    bfc_pad = jnp.zeros((1, 128), jnp.float32).at[0, :OUT].set(bfc)
    out_pad = _mm_head(parts, wfc, bfc_pad)
    return out_pad[:N, :OUT]

# --- scband reference (transcript-rebuilt; emitter-appended) ---
"""Pipeline reference for scband-tactical-refiner-82308753260857 (READ-ONLY COPY).

The authoritative reference and input builder live on the scoring server;
editing this copy changes nothing except your own understanding.
"""

import jax, jax.numpy as jnp
import numpy as np

N, E, FIN, H, OUT = 10000, 320000, 128, 256, 2


def setup_inputs(seed: int = 0) -> dict:
    key = jax.random.key(seed)
    ks = jax.random.split(key, 12)
    x = jax.random.normal(ks[0], (N, FIN), dtype=jnp.float32)
    edge_index = jax.random.randint(ks[1], (2, E), 0, N, dtype=jnp.int32)
    edge_weight = jax.random.uniform(ks[2], (E,), dtype=jnp.float32)
    W1 = jax.random.normal(ks[3], (FIN, H), dtype=jnp.float32) * (1.0 / np.sqrt(FIN))
    b1 = jnp.zeros((H,), dtype=jnp.float32)
    W2 = jax.random.normal(ks[4], (H, H), dtype=jnp.float32) * (1.0 / np.sqrt(H))
    b2 = jnp.zeros((H,), dtype=jnp.float32)
    W3 = jax.random.normal(ks[5], (H, H), dtype=jnp.float32) * (1.0 / np.sqrt(H))
    b3 = jnp.zeros((H,), dtype=jnp.float32)
    Wfc = jax.random.normal(ks[6], (2 * H, OUT), dtype=jnp.float32) * (1.0 / np.sqrt(2 * H))
    bfc = jnp.zeros((OUT,), dtype=jnp.float32)
    return {"x": x, "edge_index": edge_index, "edge_weight": edge_weight,
            "W1": W1, "b1": b1, "W2": W2, "b2": b2, "W3": W3, "b3": b3,
            "Wfc": Wfc, "bfc": bfc}


def _gcn_conv(x, edge_index, edge_weight, W, b):
    # Faithful PyG GCNConv: lin -> gcn_norm (add self-loops, sym norm) -> scatter-add -> bias
    n = x.shape[0]
    row, col = edge_index[0], edge_index[1]
    loop = jnp.arange(n, dtype=edge_index.dtype)
    row2 = jnp.concatenate([row, loop])
    col2 = jnp.concatenate([col, loop])
    ew = jnp.concatenate([edge_weight, jnp.ones((n,), dtype=x.dtype)])
    deg = jnp.zeros((n,), dtype=x.dtype).at[col2].add(ew)
    dinv = jnp.where(deg > 0, deg ** -0.5, 0.0)
    norm = dinv[row2] * ew * dinv[col2]
    xw = x @ W
    out = jnp.zeros((n, W.shape[1]), dtype=x.dtype).at[col2].add(norm[:, None] * xw[row2])
    return out + b


def reference(x, edge_index, edge_weight, W1, b1, W2, b2, W3, b3, Wfc, bfc):
    h = jax.nn.relu(_gcn_conv(x, edge_index, edge_weight, W1, b1))
    movement = jax.nn.relu(_gcn_conv(h, edge_index, edge_weight, W2, b2))
    tactical = jax.nn.relu(_gcn_conv(movement, edge_index, edge_weight, W3, b3))
    combined = jnp.concatenate([movement, tactical], axis=1)
    return combined @ Wfc + bfc

if __name__ == "__main__":
    import jax
    _d = setup_inputs()
    print(jax.jit(kernel)(*tuple(_d.values())))

</pallas_src>

<mosaic_0001>
#map = affine_map<(d0, d1) -> (0, 0)>
module attributes {stable_mosaic.version = 14 : i64} {
  func.func @_prep_body(%arg0: i32, %arg1: i32, %arg2: memref<2500x128xi32, #tpu.memory_space<hbm>>, %arg3: memref<2500x128xi32, #tpu.memory_space<hbm>>, %arg4: memref<2500x128xf32, #tpu.memory_space<hbm>>, %arg5: memref<2500x128xf32, #tpu.memory_space<hbm>>, %arg6: memref<80x128xf32, #tpu.memory_space<hbm>>, %arg7: memref<10240xf32, #tpu.memory_space<vmem_shared>>, %arg8: memref<640xf32, #tpu.memory_space<vmem>>, %arg9: memref<4x128xi32, #tpu.memory_space<vmem>>, %arg10: memref<4x128xi32, #tpu.memory_space<vmem>>, %arg11: memref<4x128xf32, #tpu.memory_space<vmem>>, %arg12: memref<4x128xf32, #tpu.memory_space<vmem>>, %arg13: memref<2x128xi32, #tpu.memory_space<vmem>>, %arg14: memref<2x128xi32, #tpu.memory_space<vmem>>, %arg15: memref<2x128xf32, #tpu.memory_space<vmem>>, %arg16: memref<2x128xf32, #tpu.memory_space<vmem>>, %arg17: memref<1x128xf32, #tpu.memory_space<vmem>>, %arg18: memref<10240xf32, #tpu.memory_space<vmem>>, %arg19: memref<10240xf32, #tpu.memory_space<vmem>>, %arg20: memref<!tpu.dma_semaphore, #tpu.memory_space<semaphore_mem>>, %arg21: memref<!tpu.dma_semaphore, #tpu.memory_space<semaphore_mem>>, %arg22: memref<!tpu.dma_semaphore, #tpu.memory_space<semaphore_mem>>, %arg23: memref<!tpu.dma_semaphore, #tpu.memory_space<semaphore_mem>>, %arg24: memref<!tpu.dma_semaphore, #tpu.memory_space<semaphore_mem>>, %arg25: memref<!tpu.dma_semaphore, #tpu.memory_space<semaphore_mem>>) attributes {dimension_semantics = [#tpu.dimension_semantics<core_parallel>, #tpu.dimension_semantics<subcore_parallel>], iteration_bounds = array<i64: 2, 16>, scalar_prefetch = 0 : i64, scratch_operands = 19 : i64, tpu.core_type = #tpu.core_type<sc_vector_subcore>, window_params = [{transform_indices = #map}, {transform_indices = #map}, {transform_indices = #map}, {transform_indices = #map}, {transform_indices = #map}]} {
    %scan3A = arith.constant 0 : i32
    %scan3A_0 = arith.constant 40 : i32
    %scan3A_1 = arith.addi %scan3A, %scan3A_0 : i32
    %scan3A_2 = arith.constant 1 : i32
    scf.for %scan3A_35 = %scan3A to %scan3A_1 step %scan3A_2  : i32 {
      %mul3A_36 = arith.constant 1 : i32
      %mul3A_37 = arith.muli %scan3A_35, %mul3A_36 : i32
      %add3A_38 = arith.constant 0 : i32
      %add3A_39 = arith.addi %add3A_38, %mul3A_37 : i32
      %broadcast_in_dim3A = arith.constant 0.000000e+00 : f32
      %broadcast_in_dim3A_40 = vector.broadcast %broadcast_in_dim3A : f32 to vector<16xf32>
      %mul3A_41 = arith.constant 16 : i32
      %mul3A_42 = arith.muli %mul3A_41, %add3A_39 : i32
      %swap3A = arith.index_cast %mul3A_42 : i32 to index
      %swap3A_43 = tpu.vector_load %arg8[%swap3A] {strides = array<i32>} : memref<640xf32, #tpu.memory_space<vmem>>, vector<16xf32>,
      tpu.vector_store %arg8[%swap3A], %broadcast_in_dim3A_40 {strides = array<i32>} : memref<640xf32, #tpu.memory_space<vmem>>, vector<16xf32>,
    }
    %scan3A_3 = arith.constant 40 : i32
    %mul3A = arith.constant 640 : i32
    %mul3A_4 = arith.muli %arg1, %mul3A : i32
    "tpu.region"() ({
      %run_scoped3A = tpu.sem_alloc : memref<!tpu.dma_semaphore, #tpu.memory_space<semaphore_mem>>
      %dma_start3A = tpu.memref_slice %arg7[%mul3A_4] : memref<10240xf32, #tpu.memory_space<vmem_shared>> -> memref<640xf32, #tpu.memory_space<vmem_shared>>
      %dma_start3A_35 = tpu.memref_slice %arg7[%mul3A_4] : memref<10240xf32, #tpu.memory_space<vmem_shared>> -> memref<640xf32, #tpu.memory_space<vmem_shared>>
      tpu.enqueue_dma source(%arg8 : memref<640xf32, #tpu.memory_space<vmem>>) target(%dma_start3A_35 : memref<640xf32, #tpu.memory_space<vmem_shared>>) target_semaphore(%run_scoped3A : memref<!tpu.dma_semaphore, #tpu.memory_space<semaphore_mem>>)
      %dma_wait3A = tpu.memref_slice %arg7[%mul3A_4] : memref<10240xf32, #tpu.memory_space<vmem_shared>> -> memref<640xf32, #tpu.memory_space<vmem_shared>>
      %dma_wait3A_36 = tpu.memref_slice %arg7[%mul3A_4] : memref<10240xf32, #tpu.memory_space<vmem_shared>> -> memref<640xf32, #tpu.memory_space<vmem_shared>>
      tpu.wait_dma2 semaphore(%run_scoped3A : memref<!tpu.dma_semaphore, #tpu.memory_space<semaphore_mem>>) src(%arg8 : memref<640xf32, #tpu.memory_space<vmem>>) dst(%dma_wait3A_36 : memref<640xf32, #tpu.memory_space<vmem_shared>>)
      tpu.yield
    }) : () -> ()
    %barrier3A = arith.constant 0 : index
    tpu.barrier barrier_id(%barrier3A)
    %add3A = arith.constant 0 : i32
    %add3A_5 = arith.addi %arg1, %add3A : i32
    %lt3A = arith.constant 625 : i32
    %lt3A_6 = arith.cmpi slt, %add3A_5, %lt3A : i32
    %convert_element_type3A = arith.extui %lt3A_6 : i1 to i32
    %cond3A = arith.constant 0 : i32
    %cond3A_7 = arith.cmpi ne, %convert_element_type3A, %cond3A : i32
    scf.if %cond3A_7 {
      %add3A_35 = arith.constant 0 : i32
      %add3A_36 = arith.addi %arg1, %add3A_35 : i32
      %mul3A_37 = arith.constant 4 : i32
      %mul3A_38 = arith.muli %mul3A_37, %add3A_36 : i32
      %dma_start3A = arith.constant 0 : i32
      %dma_start3A_39 = tpu.memref_slice %arg3[%mul3A_38, %dma_start3A] : memref<2500x128xi32, #tpu.memory_space<hbm>> -> memref<4x128xi32, #tpu.memory_space<hbm>>
      %dma_start3A_40 = arith.constant 0 : i32
      %dma_start3A_41 = tpu.memref_slice %arg3[%mul3A_38, %dma_start3A_40] : memref<2500x128xi32, #tpu.memory_space<hbm>> -> memref<4x128xi32, #tpu.memory_space<hbm>>
      tpu.enqueue_dma source(%dma_start3A_41 : memref<4x128xi32, #tpu.memory_space<hbm>>) target(%arg9 : memref<4x128xi32, #tpu.memory_space<vmem>>) target_semaphore(%arg20 : memref<!tpu.dma_semaphore, #tpu.memory_space<semaphore_mem>>)
      %add3A_42 = arith.constant 0 : i32
      %add3A_43 = arith.addi %arg1, %add3A_42 : i32
      %mul3A_44 = arith.constant 4 : i32
      %mul3A_45 = arith.muli %mul3A_44, %add3A_43 : i32
      %dma_start3A_46 = arith.constant 0 : i32
      %dma_start3A_47 = tpu.memref_slice %arg4[%mul3A_45, %dma_start3A_46] : memref<2500x128xf32, #tpu.memory_space<hbm>> -> memref<4x128xf32, #tpu.memory_space<hbm>>
      %dma_start3A_48 = arith.constant 0 : i32
      %dma_start3A_49 = tpu.memref_slice %arg4[%mul3A_45, %dma_start3A_48] : memref<2500x128xf32, #tpu.memory_space<hbm>> -> memref<4x128xf32, #tpu.memory_space<hbm>>
      tpu.enqueue_dma source(%dma_start3A_49 : memref<4x128xf32, #tpu.memory_space<hbm>>) target(%arg11 : memref<4x128xf32, #tpu.memory_space<vmem>>) target_semaphore(%arg20 : memref<!tpu.dma_semaphore, #tpu.memory_space<semaphore_mem>>)
    } else {
    }
    %scan3A_8 = arith.constant 0 : i32
    %scan3A_9 = arith.constant 21 : i32
    %scan3A_10 = arith.addi %scan3A_8, %scan3A_9 : i32
    %scan3A_11 = arith.constant 1 : i32
    scf.for %scan3A_35 = %scan3A_8 to %scan3A_10 step %scan3A_11  : i32 {
      %mul3A_36 = arith.constant 1 : i32
      %mul3A_37 = arith.muli %scan3A_35, %mul3A_36 : i32
      %add3A_38 = arith.constant 0 : i32
      %add3A_39 = arith.addi %add3A_38, %mul3A_37 : i32
      %mul3A_40 = arith.constant 2 : i32
      %mul3A_41 = arith.muli %add3A_39, %mul3A_40 : i32
      %add3A_42 = arith.constant 0 : i32
      %add3A_43 = arith.addi %mul3A_41, %add3A_42 : i32
      %sub3A = arith.constant 1 : i32
      %sub3A_44 = arith.subi %add3A_43, %sub3A : i32
      %ge3A = arith.constant 0 : i32
      %ge3A_45 = arith.cmpi sge, %sub3A_44, %ge3A : i32
      %mul3A_46 = arith.constant 16 : i32
      %mul3A_47 = arith.muli %mul3A_46, %sub3A_44 : i32
      %add3A_48 = arith.addi %arg1, %mul3A_47 : i32
      %lt3A_49 = arith.constant 625 : i32
      %lt3A_50 = arith.cmpi slt, %add3A_48, %lt3A_49 : i32
      %and3A = arith.andi %ge3A_45, %lt3A_50 : i1
      %convert_element_type3A_51 = arith.extui %and3A : i1 to i32
      %cond3A_52 = arith.constant 0 : i32
      %cond3A_53 = arith.cmpi ne, %convert_element_type3A_51, %cond3A_52 : i32
      scf.if %cond3A_53 {
        %dma_wait3A = arith.constant 0 : i32
        %dma_wait3A_123 = arith.constant 0 : i32
        %dma_wait3A_124 = arith.constant 0 : i32
        %dma_wait3A_125 = tpu.memref_slice %arg12[%dma_wait3A, %dma_wait3A_124] : memref<4x128xf32, #tpu.memory_space<vmem>> -> memref<1x128xf32, #tpu.memory_space<vmem>>
        %dma_wait3A_126 = tpu.memref_squeeze %dma_wait3A_125 : memref<1x128xf32, #tpu.memory_space<vmem>> -> memref<128xf32, #tpu.memory_space<vmem>>
        %dma_wait3A_127 = arith.constant 0 : i32
        %dma_wait3A_128 = tpu.memref_slice %arg9[%dma_wait3A_123, %dma_wait3A_127] : memref<4x128xi32, #tpu.memory_space<vmem>> -> memref<1x128xi32, #tpu.memory_space<vmem>>
        %dma_wait3A_129 = tpu.memref_squeeze %dma_wait3A_128 : memref<1x128xi32, #tpu.memory_space<vmem>> -> memref<128xi32, #tpu.memory_space<vmem>>
        %dma_wait3A_130 = arith.constant 0 : i32
        %dma_wait3A_131 = tpu.memref_slice %arg7[%dma_wait3A_130] : memref<10240xf32, #tpu.memory_space<vmem_shared>> -> memref<10240xf32, #tpu.memory_space<vmem_shared>>
        tpu.wait_indirect_dma semaphore(%arg23 : memref<!tpu.dma_semaphore, #tpu.memory_space<semaphore_mem>>) src(%dma_wait3A_126 : memref<128xf32, #tpu.memory_space<vmem>>) dst(%dma_wait3A_131 : memref<10240xf32, #tpu.memory_space<vmem_shared>>)
        %dma_wait3A_132 = arith.constant 1 : i32
        %dma_wait3A_133 = arith.constant 1 : i32
        %dma_wait3A_134 = arith.constant 0 : i32
        %dma_wait3A_135 = tpu.memref_slice %arg12[%dma_wait3A_132, %dma_wait3A_134] : memref<4x128xf32, #tpu.memory_space<vmem>> -> memref<1x128xf32, #tpu.memory_space<vmem>>
        %dma_wait3A_136 = tpu.memref_squeeze %dma_wait3A_135 : memref<1x128xf32, #tpu.memory_space<vmem>> -> memref<128xf32, #tpu.memory_space<vmem>>
        %dma_wait3A_137 = arith.constant 0 : i32
        %dma_wait3A_138 = tpu.memref_slice %arg9[%dma_wait3A_133, %dma_wait3A_137] : memref<4x128xi32, #tpu.memory_space<vmem>> -> memref<1x128xi32, #tpu.memory_space<vmem>>
        %dma_wait3A_139 = tpu.memref_squeeze %dma_wait3A_138 : memref<1x128xi32, #tpu.memory_space<vmem>> -> memref<128xi32, #tpu.memory_space<vmem>>
        %dma_wait3A_140 = arith.constant 0 : i32
        %dma_wait3A_141 = tpu.memref_slice %arg7[%dma_wait3A_140] : memref<10240xf32, #tpu.memory_space<vmem_shared>> -> memref<10240xf32, #tpu.memory_space<vmem_shared>>
        tpu.wait_indirect_dma semaphore(%arg23 : memref<!tpu.dma_semaphore, #tpu.memory_space<semaphore_mem>>) src(%dma_wait3A_136 : memref<128xf32, #tpu.memory_space<vmem>>) dst(%dma_wait3A_141 : memref<10240xf32, #tpu.memory_space<vmem_shared>>)
        %dma_wait3A_142 = arith.constant 2 : i32
        %dma_wait3A_143 = arith.constant 2 : i32
        %dma_wait3A_144 = arith.constant 0 : i32
        %dma_wait3A_145 = tpu.memref_slice %arg12[%dma_wait3A_142, %dma_wait3A_144] : memref<4x128xf32, #tpu.memory_space<vmem>> -> memref<1x128xf32, #tpu.memory_space<vmem>>
        %dma_wait3A_146 = tpu.memref_squeeze %dma_wait3A_145 : memref<1x128xf32, #tpu.memory_space<vmem>> -> memref<128xf32, #tpu.memory_space<vmem>>
        %dma_wait3A_147 = arith.constant 0 : i32
        %dma_wait3A_148 = tpu.memref_slice %arg9[%dma_wait3A_143, %dma_wait3A_147] : memref<4x128xi32, #tpu.memory_space<vmem>> -> memref<1x128xi32, #tpu.memory_space<vmem>>
        %dma_wait3A_149 = tpu.memref_squeeze %dma_wait3A_148 : memref<1x128xi32, #tpu.memory_space<vmem>> -> memref<128xi32, #tpu.memory_space<vmem>>
        %dma_wait3A_150 = arith.constant 0 : i32
        %dma_wait3A_151 = tpu.memref_slice %arg7[%dma_wait3A_150] : memref<10240xf32, #tpu.memory_space<vmem_shared>> -> memref<10240xf32, #tpu.memory_space<vmem_shared>>
        tpu.wait_indirect_dma semaphore(%arg23 : memref<!tpu.dma_semaphore, #tpu.memory_space<semaphore_mem>>) src(%dma_wait3A_146 : memref<128xf32, #tpu.memory_space<vmem>>) dst(%dma_wait3A_151 : memref<10240xf32, #tpu.memory_space<vmem_shared>>)
        %dma_wait3A_152 = arith.constant 3 : i32
        %dma_wait3A_153 = arith.constant 3 : i32
        %dma_wait3A_154 = arith.constant 0 : i32
        %dma_wait3A_155 = tpu.memref_slice %arg12[%dma_wait3A_152, %dma_wait3A_154] : memref<4x128xf32, #tpu.memory_space<vmem>> -> memref<1x128xf32, #tpu.memory_space<vmem>>
        %dma_wait3A_156 = tpu.memref_squeeze %dma_wait3A_155 : memref<1x128xf32, #tpu.memory_space<vmem>> -> memref<128xf32, #tpu.memory_space<vmem>>
        %dma_wait3A_157 = arith.constant 0 : i32
        %dma_wait3A_158 = tpu.memref_slice %arg9[%dma_wait3A_153, %dma_wait3A_157] : memref<4x128xi32, #tpu.memory_space<vmem>> -> memref<1x128xi32, #tpu.memory_space<vmem>>
        %dma_wait3A_159 = tpu.memref_squeeze %dma_wait3A_158 : memref<1x128xi32, #tpu.memory_space<vmem>> -> memref<128xi32, #tpu.memory_space<vmem>>
        %dma_wait3A_160 = arith.constant 0 : i32
        %dma_wait3A_161 = tpu.memref_slice %arg7[%dma_wait3A_160] : memref<10240xf32, #tpu.memory_space<vmem_shared>> -> memref<10240xf32, #tpu.memory_space<vmem_shared>>
        tpu.wait_indirect_dma semaphore(%arg23 : memref<!tpu.dma_semaphore, #tpu.memory_space<semaphore_mem>>) src(%dma_wait3A_156 : memref<128xf32, #tpu.memory_space<vmem>>) dst(%dma_wait3A_161 : memref<10240xf32, #tpu.memory_space<vmem_shared>>)
      } else {
      }
      %add3A_54 = arith.constant 1 : i32
      %add3A_55 = arith.addi %add3A_43, %add3A_54 : i32
      %mul3A_56 = arith.constant 16 : i32
      %mul3A_57 = arith.muli %mul3A_56, %add3A_55 : i32
      %add3A_58 = arith.addi %arg1, %mul3A_57 : i32
      %lt3A_59 = arith.constant 625 : i32
      %lt3A_60 = arith.cmpi slt, %add3A_58, %lt3A_59 : i32
      %convert_element_type3A_61 = arith.extui %lt3A_60 : i1 to i32
      %cond3A_62 = arith.constant 0 : i32
      %cond3A_63 = arith.cmpi ne, %convert_element_type3A_61, %cond3A_62 : i32
      scf.if %cond3A_63 {
        %mul3A_123 = arith.constant 16 : i32
        %mul3A_124 = arith.muli %mul3A_123, %add3A_55 : i32
        %add3A_125 = arith.addi %arg1, %mul3A_124 : i32
        %mul3A_126 = arith.constant 4 : i32
        %mul3A_127 = arith.muli %mul3A_126, %add3A_125 : i32
        %dma_start3A = arith.constant 0 : i32
        %dma_start3A_128 = tpu.memref_slice %arg3[%mul3A_127, %dma_start3A] : memref<2500x128xi32, #tpu.memory_space<hbm>> -> memref<4x128xi32, #tpu.memory_space<hbm>>
        %dma_start3A_129 = arith.constant 0 : i32
        %dma_start3A_130 = tpu.memref_slice %arg3[%mul3A_127, %dma_start3A_129] : memref<2500x128xi32, #tpu.memory_space<hbm>> -> memref<4x128xi32, #tpu.memory_space<hbm>>
        tpu.enqueue_dma source(%dma_start3A_130 : memref<4x128xi32, #tpu.memory_space<hbm>>) target(%arg10 : memref<4x128xi32, #tpu.memory_space<vmem>>) target_semaphore(%arg21 : memref<!tpu.dma_semaphore, #tpu.memory_space<semaphore_mem>>)
        %mul3A_131 = arith.constant 16 : i32
        %mul3A_132 = arith.muli %mul3A_131, %add3A_55 : i32
        %add3A_133 = arith.addi %arg1, %mul3A_132 : i32
        %mul3A_134 = arith.constant 4 : i32
        %mul3A_135 = arith.muli %mul3A_134, %add3A_133 : i32
        %dma_start3A_136 = arith.constant 0 : i32
        %dma_start3A_137 = tpu.memref_slice %arg4[%mul3A_135, %dma_start3A_136] : memref<2500x128xf32, #tpu.memory_space<hbm>> -> memref<4x128xf32, #tpu.memory_space<hbm>>
        %dma_start3A_138 = arith.constant 0 : i32
        %dma_start3A_139 = tpu.memref_slice %arg4[%mul3A_135, %dma_start3A_138] : memref<2500x128xf32, #tpu.memory_space<hbm>> -> memref<4x128xf32, #tpu.memory_space<hbm>>
        tpu.enqueue_dma source(%dma_start3A_139 : memref<4x128xf32, #tpu.memory_space<hbm>>) target(%arg12 : memref<4x128xf32, #tpu.memory_space<vmem>>) target_semaphore(%arg21 : memref<!tpu.dma_semaphore, #tpu.memory_space<semaphore_mem>>)
      } else {
      }
      %mul3A_64 = arith.constant 16 : i32
      %mul3A_65 = arith.muli %mul3A_64, %add3A_43 : i32
      %add3A_66 = arith.addi %arg1, %mul3A_65 : i32
      %lt3A_67 = arith.constant 625 : i32
      %lt3A_68 = arith.cmpi slt, %add3A_66, %lt3A_67 : i32
      %convert_element_type3A_69 = arith.extui %lt3A_68 : i1 to i32
      %cond3A_70 = arith.constant 0 : i32
      %cond3A_71 = arith.cmpi ne, %convert_element_type3A_69, %cond3A_70 : i32
      scf.if %cond3A_71 {
        %mul3A_123 = arith.constant 16 : i32
        %mul3A_124 = arith.muli %mul3A_123, %add3A_43 : i32
        %add3A_125 = arith.addi %arg1, %mul3A_124 : i32
        %mul3A_126 = arith.constant 4 : i32
        %mul3A_127 = arith.muli %mul3A_126, %add3A_125 : i32
        %dma_wait3A = arith.constant 0 : i32
        %dma_wait3A_128 = tpu.memref_slice %arg3[%mul3A_127, %dma_wait3A] : memref<2500x128xi32, #tpu.memory_space<hbm>> -> memref<4x128xi32, #tpu.memory_space<hbm>>
        %dma_wait3A_129 = arith.constant 0 : i32
        %dma_wait3A_130 = tpu.memref_slice %arg3[%mul3A_127, %dma_wait3A_129] : memref<2500x128xi32, #tpu.memory_space<hbm>> -> memref<4x128xi32, #tpu.memory_space<hbm>>
        tpu.wait_dma2 semaphore(%arg20 : memref<!tpu.dma_semaphore, #tpu.memory_space<semaphore_mem>>) src(%dma_wait3A_130 : memref<4x128xi32, #tpu.memory_space<hbm>>) dst(%arg9 : memref<4x128xi32, #tpu.memory_space<vmem>>)
        %mul3A_131 = arith.constant 16 : i32
        %mul3A_132 = arith.muli %mul3A_131, %add3A_43 : i32
        %add3A_133 = arith.addi %arg1, %mul3A_132 : i32
        %mul3A_134 = arith.constant 4 : i32
        %mul3A_135 = arith.muli %mul3A_134, %add3A_133 : i32
        %dma_wait3A_136 = arith.constant 0 : i32
        %dma_wait3A_137 = tpu.memref_slice %arg4[%mul3A_135, %dma_wait3A_136] : memref<2500x128xf32, #tpu.memory_space<hbm>> -> memref<4x128xf32, #tpu.memory_space<hbm>>
        %dma_wait3A_138 = arith.constant 0 : i32
        %dma_wait3A_139 = tpu.memref_slice %arg4[%mul3A_135, %dma_wait3A_138] : memref<2500x128xf32, #tpu.memory_space<hbm>> -> memref<4x128xf32, #tpu.memory_space<hbm>>
        tpu.wait_dma2 semaphore(%arg20 : memref<!tpu.dma_semaphore, #tpu.memory_space<semaphore_mem>>) src(%dma_wait3A_139 : memref<4x128xf32, #tpu.memory_space<hbm>>) dst(%arg11 : memref<4x128xf32, #tpu.memory_space<vmem>>)
      } else {
      }
      %mul3A_72 = arith.constant 16 : i32
      %mul3A_73 = arith.muli %mul3A_72, %add3A_43 : i32
      %add3A_74 = arith.addi %arg1, %mul3A_73 : i32
      %lt3A_75 = arith.constant 625 : i32
      %lt3A_76 = arith.cmpi slt, %add3A_74, %lt3A_75 : i32
      %convert_element_type3A_77 = arith.extui %lt3A_76 : i1 to i32
      %cond3A_78 = arith.constant 0 : i32
      %cond3A_79 = arith.cmpi ne, %convert_element_type3A_77, %cond3A_78 : i32
      scf.if %cond3A_79 {
        %dma_start3A = arith.constant 0 : i32
        %dma_start3A_123 = arith.constant 0 : i32
        %dma_start3A_124 = arith.constant 0 : i32
        %dma_start3A_125 = tpu.memref_slice %arg11[%dma_start3A, %dma_start3A_124] : memref<4x128xf32, #tpu.memory_space<vmem>> -> memref<1x128xf32, #tpu.memory_space<vmem>>
        %dma_start3A_126 = tpu.memref_squeeze %dma_start3A_125 : memref<1x128xf32, #tpu.memory_space<vmem>> -> memref<128xf32, #tpu.memory_space<vmem>>
        %dma_start3A_127 = arith.constant 0 : i32
        %dma_start3A_128 = tpu.memref_slice %arg9[%dma_start3A_123, %dma_start3A_127] : memref<4x128xi32, #tpu.memory_space<vmem>> -> memref<1x128xi32, #tpu.memory_space<vmem>>
        %dma_start3A_129 = tpu.memref_squeeze %dma_start3A_128 : memref<1x128xi32, #tpu.memory_space<vmem>> -> memref<128xi32, #tpu.memory_space<vmem>>
        %dma_start3A_130 = arith.constant 0 : i32
        %dma_start3A_131 = tpu.memref_slice %arg7[%dma_start3A_130] : memref<10240xf32, #tpu.memory_space<vmem_shared>> -> memref<10240xf32, #tpu.memory_space<vmem_shared>>
        tpu.enqueue_indirect_dma source(%dma_start3A_126 : memref<128xf32, #tpu.memory_space<vmem>>) target(%dma_start3A_131 : memref<10240xf32, #tpu.memory_space<vmem_shared>>) offsets(%dma_start3A_129 : memref<128xi32, #tpu.memory_space<vmem>>) semaphore(%arg22 : memref<!tpu.dma_semaphore, #tpu.memory_space<semaphore_mem>>) {add = true}
        %dma_start3A_132 = arith.constant 1 : i32
        %dma_start3A_133 = arith.constant 1 : i32
        %dma_start3A_134 = arith.constant 0 : i32
        %dma_start3A_135 = tpu.memref_slice %arg11[%dma_start3A_132, %dma_start3A_134] : memref<4x128xf32, #tpu.memory_space<vmem>> -> memref<1x128xf32, #tpu.memory_space<vmem>>
        %dma_start3A_136 = tpu.memref_squeeze %dma_start3A_135 : memref<1x128xf32, #tpu.memory_space<vmem>> -> memref<128xf32, #tpu.memory_space<vmem>>
        %dma_start3A_137 = arith.constant 0 : i32
        %dma_start3A_138 = tpu.memref_slice %arg9[%dma_start3A_133, %dma_start3A_137] : memref<4x128xi32, #tpu.memory_space<vmem>> -> memref<1x128xi32, #tpu.memory_space<vmem>>
        %dma_start3A_139 = tpu.memref_squeeze %dma_start3A_138 : memref<1x128xi32, #tpu.memory_space<vmem>> -> memref<128xi32, #tpu.memory_space<vmem>>
        %dma_start3A_140 = arith.constant 0 : i32
        %dma_start3A_141 = tpu.memref_slice %arg7[%dma_start3A_140] : memref<10240xf32, #tpu.memory_space<vmem_shared>> -> memref<10240xf32, #tpu.memory_space<vmem_shared>>
        tpu.enqueue_indirect_dma source(%dma_start3A_136 : memref<128xf32, #tpu.memory_space<vmem>>) target(%dma_start3A_141 : memref<10240xf32, #tpu.memory_space<vmem_shared>>) offsets(%dma_start3A_139 : memref<128xi32, #tpu.memory_space<vmem>>) semaphore(%arg22 : memref<!tpu.dma_semaphore, #tpu.memory_space<semaphore_mem>>) {add = true}
        %dma_start3A_142 = arith.constant 2 : i32
        %dma_start3A_143 = arith.constant 2 : i32
        %dma_start3A_144 = arith.constant 0 : i32
        %dma_start3A_145 = tpu.memref_slice %arg11[%dma_start3A_142, %dma_start3A_144] : memref<4x128xf32, #tpu.memory_space<vmem>> -> memref<1x128xf32, #tpu.memory_space<vmem>>
        %dma_start3A_146 = tpu.memref_squeeze %dma_start3A_145 : memref<1x128xf32, #tpu.memory_space<vmem>> -> memref<128xf32, #tpu.memory_space<vmem>>
        %dma_start3A_147 = arith.constant 0 : i32
        %dma_start3A_148 = tpu.memref_slice %arg9[%dma_start3A_143, %dma_start3A_147] : memref<4x128xi32, #tpu.memory_space<vmem>> -> memref<1x128xi32, #tpu.memory_space<vmem>>
        %dma_start3A_149 = tpu.memref_squeeze %dma_start3A_148 : memref<1x128xi32, #tpu.memory_space<vmem>> -> memref<128xi32, #tpu.memory_space<vmem>>
        %dma_start3A_150 = arith.constant 0 : i32
        %dma_start3A_151 = tpu.memref_slice %arg7[%dma_start3A_150] : memref<10240xf32, #tpu.memory_space<vmem_shared>> -> memref<10240xf32, #tpu.memory_space<vmem_shared>>
        tpu.enqueue_indirect_dma source(%dma_start3A_146 : memref<128xf32, #tpu.memory_space<vmem>>) target(%dma_start3A_151 : memref<10240xf32, #tpu.memory_space<vmem_shared>>) offsets(%dma_start3A_149 : memref<128xi32, #tpu.memory_space<vmem>>) semaphore(%arg22 : memref<!tpu.dma_semaphore, #tpu.memory_space<semaphore_mem>>) {add = true}
        %dma_start3A_152 = arith.constant 3 : i32
        %dma_start3A_153 = arith.constant 3 : i32
        %dma_start3A_154 = arith.constant 0 : i32
        %dma_start3A_155 = tpu.memref_slice %arg11[%dma_start3A_152, %dma_start3A_154] : memref<4x128xf32, #tpu.memory_space<vmem>> -> memref<1x128xf32, #tpu.memory_space<vmem>>
        %dma_start3A_156 = tpu.memref_squeeze %dma_start3A_155 : memref<1x128xf32, #tpu.memory_space<vmem>> -> memref<128xf32, #tpu.memory_space<vmem>>
        %dma_start3A_157 = arith.constant 0 : i32
        %dma_start3A_158 = tpu.memref_slice %arg9[%dma_start3A_153, %dma_start3A_157] : memref<4x128xi32, #tpu.memory_space<vmem>> -> memref<1x128xi32, #tpu.memory_space<vmem>>
        %dma_start3A_159 = tpu.memref_squeeze %dma_start3A_158 : memref<1x128xi32, #tpu.memory_space<vmem>> -> memref<128xi32, #tpu.memory_space<vmem>>
        %dma_start3A_160 = arith.constant 0 : i32
        %dma_start3A_161 = tpu.memref_slice %arg7[%dma_start3A_160] : memref<10240xf32, #tpu.memory_space<vmem_shared>> -> memref<10240xf32, #tpu.memory_space<vmem_shared>>
        tpu.enqueue_indirect_dma source(%dma_start3A_156 : memref<128xf32, #tpu.memory_space<vmem>>) target(%dma_start3A_161 : memref<10240xf32, #tpu.memory_space<vmem_shared>>) offsets(%dma_start3A_159 : memref<128xi32, #tpu.memory_space<vmem>>) semaphore(%arg22 : memref<!tpu.dma_semaphore, #tpu.memory_space<semaphore_mem>>) {add = true}
      } else {
      }
      %mul3A_80 = arith.constant 2 : i32
      %mul3A_81 = arith.muli %add3A_39, %mul3A_80 : i32
      %add3A_82 = arith.constant 1 : i32
      %add3A_83 = arith.addi %mul3A_81, %add3A_82 : i32
      %sub3A_84 = arith.constant 1 : i32
      %sub3A_85 = arith.subi %add3A_83, %sub3A_84 : i32
      %ge3A_86 = arith.constant 0 : i32
      %ge3A_87 = arith.cmpi sge, %sub3A_85, %ge3A_86 : i32
      %mul3A_88 = arith.constant 16 : i32
      %mul3A_89 = arith.muli %mul3A_88, %sub3A_85 : i32
      %add3A_90 = arith.addi %arg1, %mul3A_89 : i32
      %lt3A_91 = arith.constant 625 : i32
      %lt3A_92 = arith.cmpi slt, %add3A_90, %lt3A_91 : i32
      %and3A_93 = arith.andi %ge3A_87, %lt3A_92 : i1
      %convert_element_type3A_94 = arith.extui %and3A_93 : i1 to i32
      %cond3A_95 = arith.constant 0 : i32
      %cond3A_96 = arith.cmpi ne, %convert_element_type3A_94, %cond3A_95 : i32
      scf.if %cond3A_96 {
        %dma_wait3A = arith.constant 0 : i32
        %dma_wait3A_123 = arith.constant 0 : i32
        %dma_wait3A_124 = arith.constant 0 : i32
        %dma_wait3A_125 = tpu.memref_slice %arg11[%dma_wait3A, %dma_wait3A_124] : memref<4x128xf32, #tpu.memory_space<vmem>> -> memref<1x128xf32, #tpu.memory_space<vmem>>
        %dma_wait3A_126 = tpu.memref_squeeze %dma_wait3A_125 : memref<1x128xf32, #tpu.memory_space<vmem>> -> memref<128xf32, #tpu.memory_space<vmem>>
        %dma_wait3A_127 = arith.constant 0 : i32
        %dma_wait3A_128 = tpu.memref_slice %arg9[%dma_wait3A_123, %dma_wait3A_127] : memref<4x128xi32, #tpu.memory_space<vmem>> -> memref<1x128xi32, #tpu.memory_space<vmem>>
        %dma_wait3A_129 = tpu.memref_squeeze %dma_wait3A_128 : memref<1x128xi32, #tpu.memory_space<vmem>> -> memref<128xi32, #tpu.memory_space<vmem>>
        %dma_wait3A_130 = arith.constant 0 : i32
        %dma_wait3A_131 = tpu.memref_slice %arg7[%dma_wait3A_130] : memref<10240xf32, #tpu.memory_space<vmem_shared>> -> memref<10240xf32, #tpu.memory_space<vmem_shared>>
        tpu.wait_indirect_dma semaphore(%arg22 : memref<!tpu.dma_semaphore, #tpu.memory_space<semaphore_mem>>) src(%dma_wait3A_126 : memref<128xf32, #tpu.memory_space<vmem>>) dst(%dma_wait3A_131 : memref<10240xf32, #tpu.memory_space<vmem_shared>>)
        %dma_wait3A_132 = arith.constant 1 : i32
        %dma_wait3A_133 = arith.constant 1 : i32
        %dma_wait3A_134 = arith.constant 0 : i32
        %dma_wait3A_135 = tpu.memref_slice %arg11[%dma_wait3A_132, %dma_wait3A_134] : memref<4x128xf32, #tpu.memory_space<vmem>> -> memref<1x128xf32, #tpu.memory_space<vmem>>
        %dma_wait3A_136 = tpu.memref_squeeze %dma_wait3A_135 : memref<1x128xf32, #tpu.memory_space<vmem>> -> memref<128xf32, #tpu.memory_space<vmem>>
        %dma_wait3A_137 = arith.constant 0 : i32
        %dma_wait3A_138 = tpu.memref_slice %arg9[%dma_wait3A_133, %dma_wait3A_137] : memref<4x128xi32, #tpu.memory_space<vmem>> -> memref<1x128xi32, #tpu.memory_space<vmem>>
        %dma_wait3A_139 = tpu.memref_squeeze %dma_wait3A_138 : memref<1x128xi32, #tpu.memory_space<vmem>> -> memref<128xi32, #tpu.memory_space<vmem>>
        %dma_wait3A_140 = arith.constant 0 : i32
        %dma_wait3A_141 = tpu.memref_slice %arg7[%dma_wait3A_140] : memref<10240xf32, #tpu.memory_space<vmem_shared>> -> memref<10240xf32, #tpu.memory_space<vmem_shared>>
        tpu.wait_indirect_dma semaphore(%arg22 : memref<!tpu.dma_semaphore, #tpu.memory_space<semaphore_mem>>) src(%dma_wait3A_136 : memref<128xf32, #tpu.memory_space<vmem>>) dst(%dma_wait3A_141 : memref<10240xf32, #tpu.memory_space<vmem_shared>>)
        %dma_wait3A_142 = arith.constant 2 : i32
        %dma_wait3A_143 = arith.constant 2 : i32
        %dma_wait3A_144 = arith.constant 0 : i32
        %dma_wait3A_145 = tpu.memref_slice %arg11[%dma_wait3A_142, %dma_wait3A_144] : memref<4x128xf32, #tpu.memory_space<vmem>> -> memref<1x128xf32, #tpu.memory_space<vmem>>
        %dma_wait3A_146 = tpu.memref_squeeze %dma_wait3A_145 : memref<1x128xf32, #tpu.memory_space<vmem>> -> memref<128xf32, #tpu.memory_space<vmem>>
        %dma_wait3A_147 = arith.constant 0 : i32
        %dma_wait3A_148 = tpu.memref_slice %arg9[%dma_wait3A_143, %dma_wait3A_147] : memref<4x128xi32, #tpu.memory_space<vmem>> -> memref<1x128xi32, #tpu.memory_space<vmem>>
        %dma_wait3A_149 = tpu.memref_squeeze %dma_wait3A_148 : memref<1x128xi32, #tpu.memory_space<vmem>> -> memref<128xi32, #tpu.memory_space<vmem>>
        %dma_wait3A_150 = arith.constant 0 : i32
        %dma_wait3A_151 = tpu.memref_slice %arg7[%dma_wait3A_150] : memref<10240xf32, #tpu.memory_space<vmem_shared>> -> memref<10240xf32, #tpu.memory_space<vmem_shared>>
        tpu.wait_indirect_dma semaphore(%arg22 : memref<!tpu.dma_semaphore, #tpu.memory_space<semaphore_mem>>) src(%dma_wait3A_146 : memref<128xf32, #tpu.memory_space<vmem>>) dst(%dma_wait3A_151 : memref<10240xf32, #tpu.memory_space<vmem_shared>>)
        %dma_wait3A_152 = arith.constant 3 : i32
        %dma_wait3A_153 = arith.constant 3 : i32
        %dma_wait3A_154 = arith.constant 0 : i32
        %dma_wait3A_155 = tpu.memref_slice %arg11[%dma_wait3A_152, %dma_wait3A_154] : memref<4x128xf32, #tpu.memory_space<vmem>> -> memref<1x128xf32, #tpu.memory_space<vmem>>
        %dma_wait3A_156 = tpu.memref_squeeze %dma_wait3A_155 : memref<1x128xf32, #tpu.memory_space<vmem>> -> memref<128xf32, #tpu.memory_space<vmem>>
        %dma_wait3A_157 = arith.constant 0 : i32
        %dma_wait3A_158 = tpu.memref_slice %arg9[%dma_wait3A_153, %dma_wait3A_157] : memref<4x128xi32, #tpu.memory_space<vmem>> -> memref<1x128xi32, #tpu.memory_space<vmem>>
        %dma_wait3A_159 = tpu.memref_squeeze %dma_wait3A_158 : memref<1x128xi32, #tpu.memory_space<vmem>> -> memref<128xi32, #tpu.memory_space<vmem>>
        %dma_wait3A_160 = arith.constant 0 : i32
        %dma_wait3A_161 = tpu.memref_slice %arg7[%dma_wait3A_160] : memref<10240xf32, #tpu.memory_space<vmem_shared>> -> memref<10240xf32, #tpu.memory_space<vmem_shared>>
        tpu.wait_indirect_dma semaphore(%arg22 : memref<!tpu.dma_semaphore, #tpu.memory_space<semaphore_mem>>) src(%dma_wait3A_156 : memref<128xf32, #tpu.memory_space<vmem>>) dst(%dma_wait3A_161 : memref<10240xf32, #tpu.memory_space<vmem_shared>>)
      } else {
      }
      %add3A_97 = arith.constant 1 : i32
      %add3A_98 = arith.addi %add3A_83, %add3A_97 : i32
      %mul3A_99 = arith.constant 16 : i32
      %mul3A_100 = arith.muli %mul3A_99, %add3A_98 : i32
      %add3A_101 = arith.addi %arg1, %mul3A_100 : i32
      %lt3A_102 = arith.constant 625 : i32
      %lt3A_103 = arith.cmpi slt, %add3A_101, %lt3A_102 : i32
      %convert_element_type3A_104 = arith.extui %lt3A_103 : i1 to i32
      %cond3A_105 = arith.constant 0 : i32
      %cond3A_106 = arith.cmpi ne, %convert_element_type3A_104, %cond3A_105 : i32
      scf.if %cond3A_106 {
        %mul3A_123 = arith.constant 16 : i32
        %mul3A_124 = arith.muli %mul3A_123, %add3A_98 : i32
        %add3A_125 = arith.addi %arg1, %mul3A_124 : i32
        %mul3A_126 = arith.constant 4 : i32
        %mul3A_127 = arith.muli %mul3A_126, %add3A_125 : i32
        %dma_start3A = arith.constant 0 : i32
        %dma_start3A_128 = tpu.memref_slice %arg3[%mul3A_127, %dma_start3A] : memref<2500x128xi32, #tpu.memory_space<hbm>> -> memref<4x128xi32, #tpu.memory_space<hbm>>
        %dma_start3A_129 = arith.constant 0 : i32
        %dma_start3A_130 = tpu.memref_slice %arg3[%mul3A_127, %dma_start3A_129] : memref<2500x128xi32, #tpu.memory_space<hbm>> -> memref<4x128xi32, #tpu.memory_space<hbm>>
        tpu.enqueue_dma source(%dma_start3A_130 : memref<4x128xi32, #tpu.memory_space<hbm>>) target(%arg9 : memref<4x128xi32, #tpu.memory_space<vmem>>) target_semaphore(%arg20 : memref<!tpu.dma_semaphore, #tpu.memory_space<semaphore_mem>>)
        %mul3A_131 = arith.constant 16 : i32
        %mul3A_132 = arith.muli %mul3A_131, %add3A_98 : i32
        %add3A_133 = arith.addi %arg1, %mul3A_132 : i32
        %mul3A_134 = arith.constant 4 : i32
        %mul3A_135 = arith.muli %mul3A_134, %add3A_133 : i32
        %dma_start3A_136 = arith.constant 0 : i32
        %dma_start3A_137 = tpu.memref_slice %arg4[%mul3A_135, %dma_start3A_136] : memref<2500x128xf32, #tpu.memory_space<hbm>> -> memref<4x128xf32, #tpu.memory_space<hbm>>
        %dma_start3A_138 = arith.constant 0 : i32
        %dma_start3A_139 = tpu.memref_slice %arg4[%mul3A_135, %dma_start3A_138] : memref<2500x128xf32, #tpu.memory_space<hbm>> -> memref<4x128xf32, #tpu.memory_space<hbm>>
        tpu.enqueue_dma source(%dma_start3A_139 : memref<4x128xf32, #tpu.memory_space<hbm>>) target(%arg11 : memref<4x128xf32, #tpu.memory_space<vmem>>) target_semaphore(%arg20 : memref<!tpu.dma_semaphore, #tpu.memory_space<semaphore_mem>>)
      } else {
      }
      %mul3A_107 = arith.constant 16 : i32
      %mul3A_108 = arith.muli %mul3A_107, %add3A_83 : i32
      %add3A_109 = arith.addi %arg1, %mul3A_108 : i32
      %lt3A_110 = arith.constant 625 : i32
      %lt3A_111 = arith.cmpi slt, %add3A_109, %lt3A_110 : i32
      %convert_element_type3A_112 = arith.extui %lt3A_111 : i1 to i32
      %cond3A_113 = arith.constant 0 : i32
      %cond3A_114 = arith.cmpi ne, %convert_element_type3A_112, %cond3A_113 : i32
      scf.if %cond3A_114 {
        %mul3A_123 = arith.constant 16 : i32
        %mul3A_124 = arith.muli %mul3A_123, %add3A_83 : i32
        %add3A_125 = arith.addi %arg1, %mul3A_124 : i32
        %mul3A_126 = arith.constant 4 : i32
        %mul3A_127 = arith.muli %mul3A_126, %add3A_125 : i32
        %dma_wait3A = arith.constant 0 : i32
        %dma_wait3A_128 = tpu.memref_slice %arg3[%mul3A_127, %dma_wait3A] : memref<2500x128xi32, #tpu.memory_space<hbm>> -> memref<4x128xi32, #tpu.memory_space<hbm>>
        %dma_wait3A_129 = arith.constant 0 : i32
        %dma_wait3A_130 = tpu.memref_slice %arg3[%mul3A_127, %dma_wait3A_129] : memref<2500x128xi32, #tpu.memory_space<hbm>> -> memref<4x128xi32, #tpu.memory_space<hbm>>
        tpu.wait_dma2 semaphore(%arg21 : memref<!tpu.dma_semaphore, #tpu.memory_space<semaphore_mem>>) src(%dma_wait3A_130 : memref<4x128xi32, #tpu.memory_space<hbm>>) dst(%arg10 : memref<4x128xi32, #tpu.memory_space<vmem>>)
        %mul3A_131 = arith.constant 16 : i32
        %mul3A_132 = arith.muli %mul3A_131, %add3A_83 : i32
        %add3A_133 = arith.addi %arg1, %mul3A_132 : i32
        %mul3A_134 = arith.constant 4 : i32
        %mul3A_135 = arith.muli %mul3A_134, %add3A_133 : i32
        %dma_wait3A_136 = arith.constant 0 : i32
        %dma_wait3A_137 = tpu.memref_slice %arg4[%mul3A_135, %dma_wait3A_136] : memref<2500x128xf32, #tpu.memory_space<hbm>> -> memref<4x128xf32, #tpu.memory_space<hbm>>
        %dma_wait3A_138 = arith.constant 0 : i32
        %dma_wait3A_139 = tpu.memref_slice %arg4[%mul3A_135, %dma_wait3A_138] : memref<2500x128xf32, #tpu.memory_space<hbm>> -> memref<4x128xf32, #tpu.memory_space<hbm>>
        tpu.wait_dma2 semaphore(%arg21 : memref<!tpu.dma_semaphore, #tpu.memory_space<semaphore_mem>>) src(%dma_wait3A_139 : memref<4x128xf32, #tpu.memory_space<hbm>>) dst(%arg12 : memref<4x128xf32, #tpu.memory_space<vmem>>)
      } else {
      }
      %mul3A_115 = arith.constant 16 : i32
      %mul3A_116 = arith.muli %mul3A_115, %add3A_83 : i32
      %add3A_117 = arith.addi %arg1, %mul3A_116 : i32
      %lt3A_118 = arith.constant 625 : i32
      %lt3A_119 = arith.cmpi slt, %add3A_117, %lt3A_118 : i32
      %convert_element_type3A_120 = arith.extui %lt3A_119 : i1 to i32
      %cond3A_121 = arith.constant 0 : i32
      %cond3A_122 = arith.cmpi ne, %convert_element_type3A_120, %cond3A_121 : i32
      scf.if %cond3A_122 {
        %dma_start3A = arith.constant 0 : i32
        %dma_start3A_123 = arith.constant 0 : i32
        %dma_start3A_124 = arith.constant 0 : i32
        %dma_start3A_125 = tpu.memref_slice %arg12[%dma_start3A, %dma_start3A_124] : memref<4x128xf32, #tpu.memory_space<vmem>> -> memref<1x128xf32, #tpu.memory_space<vmem>>
        %dma_start3A_126 = tpu.memref_squeeze %dma_start3A_125 : memref<1x128xf32, #tpu.memory_space<vmem>> -> memref<128xf32, #tpu.memory_space<vmem>>
        %dma_start3A_127 = arith.constant 0 : i32
        %dma_start3A_128 = tpu.memref_slice %arg10[%dma_start3A_123, %dma_start3A_127] : memref<4x128xi32, #tpu.memory_space<vmem>> -> memref<1x128xi32, #tpu.memory_space<vmem>>
        %dma_start3A_129 = tpu.memref_squeeze %dma_start3A_128 : memref<1x128xi32, #tpu.memory_space<vmem>> -> memref<128xi32, #tpu.memory_space<vmem>>
        %dma_start3A_130 = arith.constant 0 : i32
        %dma_start3A_131 = tpu.memref_slice %arg7[%dma_start3A_130] : memref<10240xf32, #tpu.memory_space<vmem_shared>> -> memref<10240xf32, #tpu.memory_space<vmem_shared>>
        tpu.enqueue_indirect_dma source(%dma_start3A_126 : memref<128xf32, #tpu.memory_space<vmem>>) target(%dma_start3A_131 : memref<10240xf32, #tpu.memory_space<vmem_shared>>) offsets(%dma_start3A_129 : memref<128xi32, #tpu.memory_space<vmem>>) semaphore(%arg23 : memref<!tpu.dma_semaphore, #tpu.memory_space<semaphore_mem>>) {add = true}
        %dma_start3A_132 = arith.constant 1 : i32
        %dma_start3A_133 = arith.constant 1 : i32
        %dma_start3A_134 = arith.constant 0 : i32
        %dma_start3A_135 = tpu.memref_slice %arg12[%dma_start3A_132, %dma_start3A_134] : memref<4x128xf32, #tpu.memory_space<vmem>> -> memref<1x128xf32, #tpu.memory_space<vmem>>
        %dma_start3A_136 = tpu.memref_squeeze %dma_start3A_135 : memref<1x128xf32, #tpu.memory_space<vmem>> -> memref<128xf32, #tpu.memory_space<vmem>>
        %dma_start3A_137 = arith.constant 0 : i32
        %dma_start3A_138 = tpu.memref_slice %arg10[%dma_start3A_133, %dma_start3A_137] : memref<4x128xi32, #tpu.memory_space<vmem>> -> memref<1x128xi32, #tpu.memory_space<vmem>>
        %dma_start3A_139 = tpu.memref_squeeze %dma_start3A_138 : memref<1x128xi32, #tpu.memory_space<vmem>> -> memref<128xi32, #tpu.memory_space<vmem>>
        %dma_start3A_140 = arith.constant 0 : i32
        %dma_start3A_141 = tpu.memref_slice %arg7[%dma_start3A_140] : memref<10240xf32, #tpu.memory_space<vmem_shared>> -> memref<10240xf32, #tpu.memory_space<vmem_shared>>
        tpu.enqueue_indirect_dma source(%dma_start3A_136 : memref<128xf32, #tpu.memory_space<vmem>>) target(%dma_start3A_141 : memref<10240xf32, #tpu.memory_space<vmem_shared>>) offsets(%dma_start3A_139 : memref<128xi32, #tpu.memory_space<vmem>>) semaphore(%arg23 : memref<!tpu.dma_semaphore, #tpu.memory_space<semaphore_mem>>) {add = true}
        %dma_start3A_142 = arith.constant 2 : i32
        %dma_start3A_143 = arith.constant 2 : i32
        %dma_start3A_144 = arith.constant 0 : i32
        %dma_start3A_145 = tpu.memref_slice %arg12[%dma_start3A_142, %dma_start3A_144] : memref<4x128xf32, #tpu.memory_space<vmem>> -> memref<1x128xf32, #tpu.memory_space<vmem>>
        %dma_start3A_146 = tpu.memref_squeeze %dma_start3A_145 : memref<1x128xf32, #tpu.memory_space<vmem>> -> memref<128xf32, #tpu.memory_space<vmem>>
        %dma_start3A_147 = arith.constant 0 : i32
        %dma_start3A_148 = tpu.memref_slice %arg10[%dma_start3A_143, %dma_start3A_147] : memref<4x128xi32, #tpu.memory_space<vmem>> -> memref<1x128xi32, #tpu.memory_space<vmem>>
        %dma_start3A_149 = tpu.memref_squeeze %dma_start3A_148 : memref<1x128xi32, #tpu.memory_space<vmem>> -> memref<128xi32, #tpu.memory_space<vmem>>
        %dma_start3A_150 = arith.constant 0 : i32
        %dma_start3A_151 = tpu.memref_slice %arg7[%dma_start3A_150] : memref<10240xf32, #tpu.memory_space<vmem_shared>> -> memref<10240xf32, #tpu.memory_space<vmem_shared>>
        tpu.enqueue_indirect_dma source(%dma_start3A_146 : memref<128xf32, #tpu.memory_space<vmem>>) target(%dma_start3A_151 : memref<10240xf32, #tpu.memory_space<vmem_shared>>) offsets(%dma_start3A_149 : memref<128xi32, #tpu.memory_space<vmem>>) semaphore(%arg23 : memref<!tpu.dma_semaphore, #tpu.memory_space<semaphore_mem>>) {add = true}
        %dma_start3A_152 = arith.constant 3 : i32
        %dma_start3A_153 = arith.constant 3 : i32
        %dma_start3A_154 = arith.constant 0 : i32
        %dma_start3A_155 = tpu.memref_slice %arg12[%dma_start3A_152, %dma_start3A_154] : memref<4x128xf32, #tpu.memory_space<vmem>> -> memref<1x128xf32, #tpu.memory_space<vmem>>
        %dma_start3A_156 = tpu.memref_squeeze %dma_start3A_155 : memref<1x128xf32, #tpu.memory_space<vmem>> -> memref<128xf32, #tpu.memory_space<vmem>>
        %dma_start3A_157 = arith.constant 0 : i32
        %dma_start3A_158 = tpu.memref_slice %arg10[%dma_start3A_153, %dma_start3A_157] : memref<4x128xi32, #tpu.memory_space<vmem>> -> memref<1x128xi32, #tpu.memory_space<vmem>>
        %dma_start3A_159 = tpu.memref_squeeze %dma_start3A_158 : memref<1x128xi32, #tpu.memory_space<vmem>> -> memref<128xi32, #tpu.memory_space<vmem>>
        %dma_start3A_160 = arith.constant 0 : i32
        %dma_start3A_161 = tpu.memref_slice %arg7[%dma_start3A_160] : memref<10240xf32, #tpu.memory_space<vmem_shared>> -> memref<10240xf32, #tpu.memory_space<vmem_shared>>
        tpu.enqueue_indirect_dma source(%dma_start3A_156 : memref<128xf32, #tpu.memory_space<vmem>>) target(%dma_start3A_161 : memref<10240xf32, #tpu.memory_space<vmem_shared>>) offsets(%dma_start3A_159 : memref<128xi32, #tpu.memory_space<vmem>>) semaphore(%arg23 : memref<!tpu.dma_semaphore, #tpu.memory_space<semaphore_mem>>) {add = true}
      } else {
      }
    }
    %scan3A_12 = arith.constant 21 : i32
    %barrier3A_13 = arith.constant 0 : index
    tpu.barrier barrier_id(%barrier3A_13)
    "tpu.region"() ({
      %run_scoped3A = tpu.sem_alloc : memref<!tpu.dma_semaphore, #tpu.memory_space<semaphore_mem>>
      tpu.enqueue_dma source(%arg7 : memref<10240xf32, #tpu.memory_space<vmem_shared>>) target(%arg18 : memref<10240xf32, #tpu.memory_space<vmem>>) target_semaphore(%run_scoped3A : memref<!tpu.dma_semaphore, #tpu.memory_space<semaphore_mem>>)
      tpu.wait_dma2 semaphore(%run_scoped3A : memref<!tpu.dma_semaphore, #tpu.memory_space<semaphore_mem>>) src(%arg7 : memref<10240xf32, #tpu.memory_space<vmem_shared>>) dst(%arg18 : memref<10240xf32, #tpu.memory_space<vmem>>)
      tpu.yield
    }) : () -> ()
    %scan3A_14 = arith.constant 0 : i32
    %scan3A_15 = arith.constant 640 : i32
    %scan3A_16 = arith.addi %scan3A_14, %scan3A_15 : i32
    %scan3A_17 = arith.constant 1 : i32
    scf.for %scan3A_35 = %scan3A_14 to %scan3A_16 step %scan3A_17  : i32 {
      %mul3A_36 = arith.constant 1 : i32
      %mul3A_37 = arith.muli %scan3A_35, %mul3A_36 : i32
      %add3A_38 = arith.constant 0 : i32
      %add3A_39 = arith.addi %add3A_38, %mul3A_37 : i32
      %mul3A_40 = arith.constant 16 : i32
      %mul3A_41 = arith.muli %mul3A_40, %add3A_39 : i32
      %get3A = arith.index_cast %mul3A_41 : i32 to index
      %get3A_42 = tpu.vector_load %arg18[%get3A] {strides = array<i32>} : memref<10240xf32, #tpu.memory_space<vmem>>, vector<16xf32>,
      %add3A_43 = arith.constant 1.000000e+00 : f32
      %add3A_44 = vector.broadcast %add3A_43 : f32 to vector<16xf32>
      %add3A_45 = arith.addf %get3A_42, %add3A_44 : vector<16xf32>
      %bitcast3A = vector.bitcast %add3A_45 : vector<16xf32> to vector<16xi32>
      %shift_right_arithmetic3A = arith.constant 1 : i32
      %shift_right_arithmetic3A_46 = vector.broadcast %shift_right_arithmetic3A : i32 to vector<16xi32>
      %shift_right_arithmetic3A_47 = arith.shrsi %bitcast3A, %shift_right_arithmetic3A_46 : vector<16xi32>
      %sub3A = arith.constant 1597463007 : i32
      %sub3A_48 = vector.broadcast %sub3A : i32 to vector<16xi32>
      %sub3A_49 = arith.subi %sub3A_48, %shift_right_arithmetic3A_47 : vector<16xi32>
      %bitcast3A_50 = vector.bitcast %sub3A_49 : vector<16xi32> to vector<16xf32>
      %mul3A_51 = arith.constant 5.000000e-01 : f32
      %mul3A_52 = vector.broadcast %mul3A_51 : f32 to vector<16xf32>
      %mul3A_53 = arith.mulf %mul3A_52, %add3A_45 : vector<16xf32>
      %mul3A_54 = arith.mulf %mul3A_53, %bitcast3A_50 : vector<16xf32>
      %mul3A_55 = arith.mulf %mul3A_54, %bitcast3A_50 : vector<16xf32>
      %sub3A_56 = arith.constant 1.500000e+00 : f32
      %sub3A_57 = vector.broadcast %sub3A_56 : f32 to vector<16xf32>
      %sub3A_58 = arith.subf %sub3A_57, %mul3A_55 : vector<16xf32>
      %mul3A_59 = arith.mulf %bitcast3A_50, %sub3A_58 : vector<16xf32>
      %mul3A_60 = arith.constant 5.000000e-01 : f32
      %mul3A_61 = vector.broadcast %mul3A_60 : f32 to vector<16xf32>
      %mul3A_62 = arith.mulf %mul3A_61, %add3A_45 : vector<16xf32>
      %mul3A_63 = arith.mulf %mul3A_62, %mul3A_59 : vector<16xf32>
      %mul3A_64 = arith.mulf %mul3A_63, %mul3A_59 : vector<16xf32>
      %sub3A_65 = arith.constant 1.500000e+00 : f32
      %sub3A_66 = vector.broadcast %sub3A_65 : f32 to vector<16xf32>
      %sub3A_67 = arith.subf %sub3A_66, %mul3A_64 : vector<16xf32>
      %mul3A_68 = arith.mulf %mul3A_59, %sub3A_67 : vector<16xf32>
      %mul3A_69 = arith.constant 5.000000e-01 : f32
      %mul3A_70 = vector.broadcast %mul3A_69 : f32 to vector<16xf32>
      %mul3A_71 = arith.mulf %mul3A_70, %add3A_45 : vector<16xf32>
      %mul3A_72 = arith.mulf %mul3A_71, %mul3A_68 : vector<16xf32>
      %mul3A_73 = arith.mulf %mul3A_72, %mul3A_68 : vector<16xf32>
      %sub3A_74 = arith.constant 1.500000e+00 : f32
      %sub3A_75 = vector.broadcast %sub3A_74 : f32 to vector<16xf32>
      %sub3A_76 = arith.subf %sub3A_75, %mul3A_73 : vector<16xf32>
      %mul3A_77 = arith.mulf %mul3A_68, %sub3A_76 : vector<16xf32>
      %mul3A_78 = arith.constant 16 : i32
      %mul3A_79 = arith.muli %mul3A_78, %add3A_39 : i32
      %swap3A = arith.index_cast %mul3A_79 : i32 to index
      %swap3A_80 = tpu.vector_load %arg19[%swap3A] {strides = array<i32>} : memref<10240xf32, #tpu.memory_space<vmem>>, vector<16xf32>,
      tpu.vector_store %arg19[%swap3A], %mul3A_77 {strides = array<i32>} : memref<10240xf32, #tpu.memory_space<vmem>>, vector<16xf32>,
    }
    %scan3A_18 = arith.constant 640 : i32
    %eq3A = arith.constant 0 : i32
    %eq3A_19 = arith.cmpi eq, %arg0, %eq3A : i32
    %convert_element_type3A_20 = arith.extui %eq3A_19 : i1 to i32
    %cond3A_21 = arith.constant 0 : i32
    %cond3A_22 = arith.cmpi ne, %convert_element_type3A_20, %cond3A_21 : i32
    scf.if %cond3A_22 {
      %mul3A_35 = arith.constant 5 : i32
      %mul3A_36 = arith.muli %arg1, %mul3A_35 : i32
      %add3A_37 = arith.constant 0 : i32
      %add3A_38 = arith.addi %mul3A_36, %add3A_37 : i32
      %mul3A_39 = arith.constant 128 : i32
      %mul3A_40 = arith.muli %add3A_38, %mul3A_39 : i32
      %add3A_41 = arith.constant 0 : i32
      %add3A_42 = arith.addi %mul3A_40, %add3A_41 : i32
      %get3A = arith.index_cast %add3A_42 : i32 to index
      %get3A_43 = tpu.vector_load %arg19[%get3A] {strides = array<i32>} : memref<10240xf32, #tpu.memory_space<vmem>>, vector<16xf32>,
      %mul3A_44 = arith.mulf %get3A_43, %get3A_43 : vector<16xf32>
      %swap3A = arith.constant 0 : i32
      %swap3A_45 = arith.index_cast %swap3A : i32 to index
      %swap3A_46 = arith.constant 0 : index
      %swap3A_47 = tpu.vector_load %arg17[%swap3A_45, %swap3A_46] {strides = array<i32>} : memref<1x128xf32, #tpu.memory_space<vmem>>, vector<16xf32>,
      tpu.vector_store %arg17[%swap3A_45, %swap3A_46], %mul3A_44 {strides = array<i32>} : memref<1x128xf32, #tpu.memory_space<vmem>>, vector<16xf32>,
      %mul3A_48 = arith.constant 128 : i32
      %mul3A_49 = arith.muli %add3A_38, %mul3A_48 : i32
      %add3A_50 = arith.constant 16 : i32
      %add3A_51 = arith.addi %mul3A_49, %add3A_50 : i32
      %get3A_52 = arith.index_cast %add3A_51 : i32 to index
      %get3A_53 = tpu.vector_load %arg19[%get3A_52] {strides = array<i32>} : memref<10240xf32, #tpu.memory_space<vmem>>, vector<16xf32>,
      %mul3A_54 = arith.mulf %get3A_53, %get3A_53 : vector<16xf32>
      %swap3A_55 = arith.constant 0 : i32
      %swap3A_56 = arith.index_cast %swap3A_55 : i32 to index
      %swap3A_57 = arith.constant 16 : index
      %swap3A_58 = tpu.vector_load %arg17[%swap3A_56, %swap3A_57] {strides = array<i32>} : memref<1x128xf32, #tpu.memory_space<vmem>>, vector<16xf32>,
      tpu.vector_store %arg17[%swap3A_56, %swap3A_57], %mul3A_54 {strides = array<i32>} : memref<1x128xf32, #tpu.memory_space<vmem>>, vector<16xf32>,
      %mul3A_59 = arith.constant 128 : i32
      %mul3A_60 = arith.muli %add3A_38, %mul3A_59 : i32
      %add3A_61 = arith.constant 32 : i32
      %add3A_62 = arith.addi %mul3A_60, %add3A_61 : i32
      %get3A_63 = arith.index_cast %add3A_62 : i32 to index
      %get3A_64 = tpu.vector_load %arg19[%get3A_63] {strides = array<i32>} : memref<10240xf32, #tpu.memory_space<vmem>>, vector<16xf32>,
      %mul3A_65 = arith.mulf %get3A_64, %get3A_64 : vector<16xf32>
      %swap3A_66 = arith.constant 0 : i32
      %swap3A_67 = arith.index_cast %swap3A_66 : i32 to index
      %swap3A_68 = arith.constant 32 : index
      %swap3A_69 = tpu.vector_load %arg17[%swap3A_67, %swap3A_68] {strides = array<i32>} : memref<1x128xf32, #tpu.memory_space<vmem>>, vector<16xf32>,
      tpu.vector_store %arg17[%swap3A_67, %swap3A_68], %mul3A_65 {strides = array<i32>} : memref<1x128xf32, #tpu.memory_space<vmem>>, vector<16xf32>,
      %mul3A_70 = arith.constant 128 : i32
      %mul3A_71 = arith.muli %add3A_38, %mul3A_70 : i32
      %add3A_72 = arith.constant 48 : i32
      %add3A_73 = arith.addi %mul3A_71, %add3A_72 : i32
      %get3A_74 = arith.index_cast %add3A_73 : i32 to index
      %get3A_75 = tpu.vector_load %arg19[%get3A_74] {strides = array<i32>} : memref<10240xf32, #tpu.memory_space<vmem>>, vector<16xf32>,
      %mul3A_76 = arith.mulf %get3A_75, %get3A_75 : vector<16xf32>
      %swap3A_77 = arith.constant 0 : i32
      %swap3A_78 = arith.index_cast %swap3A_77 : i32 to index
      %swap3A_79 = arith.constant 48 : index
      %swap3A_80 = tpu.vector_load %arg17[%swap3A_78, %swap3A_79] {strides = array<i32>} : memref<1x128xf32, #tpu.memory_space<vmem>>, vector<16xf32>,
      tpu.vector_store %arg17[%swap3A_78, %swap3A_79], %mul3A_76 {strides = array<i32>} : memref<1x128xf32, #tpu.memory_space<vmem>>, vector<16xf32>,
      %mul3A_81 = arith.constant 128 : i32
      %mul3A_82 = arith.muli %add3A_38, %mul3A_81 : i32
      %add3A_83 = arith.constant 64 : i32
      %add3A_84 = arith.addi %mul3A_82, %add3A_83 : i32
      %get3A_85 = arith.index_cast %add3A_84 : i32 to index
      %get3A_86 = tpu.vector_load %arg19[%get3A_85] {strides = array<i32>} : memref<10240xf32, #tpu.memory_space<vmem>>, vector<16xf32>,
      %mul3A_87 = arith.mulf %get3A_86, %get3A_86 : vector<16xf32>
      %swap3A_88 = arith.constant 0 : i32
      %swap3A_89 = arith.index_cast %swap3A_88 : i32 to index
      %swap3A_90 = arith.constant 64 : index
      %swap3A_91 = tpu.vector_load %arg17[%swap3A_89, %swap3A_90] {strides = array<i32>} : memref<1x128xf32, #tpu.memory_space<vmem>>, vector<16xf32>,
      tpu.vector_store %arg17[%swap3A_89, %swap3A_90], %mul3A_87 {strides = array<i32>} : memref<1x128xf32, #tpu.memory_space<vmem>>, vector<16xf32>,
      %mul3A_92 = arith.constant 128 : i32
      %mul3A_93 = arith.muli %add3A_38, %mul3A_92 : i32
      %add3A_94 = arith.constant 80 : i32
      %add3A_95 = arith.addi %mul3A_93, %add3A_94 : i32
      %get3A_96 = arith.index_cast %add3A_95 : i32 to index
      %get3A_97 = tpu.vector_load %arg19[%get3A_96] {strides = array<i32>} : memref<10240xf32, #tpu.memory_space<vmem>>, vector<16xf32>,
      %mul3A_98 = arith.mulf %get3A_97, %get3A_97 : vector<16xf32>
      %swap3A_99 = arith.constant 0 : i32
      %swap3A_100 = arith.index_cast %swap3A_99 : i32 to index
      %swap3A_101 = arith.constant 80 : index
      %swap3A_102 = tpu.vector_load %arg17[%swap3A_100, %swap3A_101] {strides = array<i32>} : memref<1x128xf32, #tpu.memory_space<vmem>>, vector<16xf32>,
      tpu.vector_store %arg17[%swap3A_100, %swap3A_101], %mul3A_98 {strides = array<i32>} : memref<1x128xf32, #tpu.memory_space<vmem>>, vector<16xf32>,
      %mul3A_103 = arith.constant 128 : i32
      %mul3A_104 = arith.muli %add3A_38, %mul3A_103 : i32
      %add3A_105 = arith.constant 96 : i32
      %add3A_106 = arith.addi %mul3A_104, %add3A_105 : i32
      %get3A_107 = arith.index_cast %add3A_106 : i32 to index
      %get3A_108 = tpu.vector_load %arg19[%get3A_107] {strides = array<i32>} : memref<10240xf32, #tpu.memory_space<vmem>>, vector<16xf32>,
      %mul3A_109 = arith.mulf %get3A_108, %get3A_108 : vector<16xf32>
      %swap3A_110 = arith.constant 0 : i32
      %swap3A_111 = arith.index_cast %swap3A_110 : i32 to index
      %swap3A_112 = arith.constant 96 : index
      %swap3A_113 = tpu.vector_load %arg17[%swap3A_111, %swap3A_112] {strides = array<i32>} : memref<1x128xf32, #tpu.memory_space<vmem>>, vector<16xf32>,
      tpu.vector_store %arg17[%swap3A_111, %swap3A_112], %mul3A_109 {strides = array<i32>} : memref<1x128xf32, #tpu.memory_space<vmem>>, vector<16xf32>,
      %mul3A_114 = arith.constant 128 : i32
      %mul3A_115 = arith.muli %add3A_38, %mul3A_114 : i32
      %add3A_116 = arith.constant 112 : i32
      %add3A_117 = arith.addi %mul3A_115, %add3A_116 : i32
      %get3A_118 = arith.index_cast %add3A_117 : i32 to index
      %get3A_119 = tpu.vector_load %arg19[%get3A_118] {strides = array<i32>} : memref<10240xf32, #tpu.memory_space<vmem>>, vector<16xf32>,
      %mul3A_120 = arith.mulf %get3A_119, %get3A_119 : vector<16xf32>
      %swap3A_121 = arith.constant 0 : i32
      %swap3A_122 = arith.index_cast %swap3A_121 : i32 to index
      %swap3A_123 = arith.constant 112 : index
      %swap3A_124 = tpu.vector_load %arg17[%swap3A_122, %swap3A_123] {strides = array<i32>} : memref<1x128xf32, #tpu.memory_space<vmem>>, vector<16xf32>,
      tpu.vector_store %arg17[%swap3A_122, %swap3A_123], %mul3A_120 {strides = array<i32>} : memref<1x128xf32, #tpu.memory_space<vmem>>, vector<16xf32>,
      "tpu.region"() ({
        %run_scoped3A = tpu.sem_alloc : memref<!tpu.dma_semaphore, #tpu.memory_space<semaphore_mem>>
        %dma_start3A = arith.constant 0 : i32
        %dma_start3A_493 = tpu.memref_slice %arg6[%add3A_38, %dma_start3A] : memref<80x128xf32, #tpu.memory_space<hbm>> -> memref<1x128xf32, #tpu.memory_space<hbm>>
        %dma_start3A_494 = arith.constant 0 : i32
        %dma_start3A_495 = tpu.memref_slice %arg6[%add3A_38, %dma_start3A_494] : memref<80x128xf32, #tpu.memory_space<hbm>> -> memref<1x128xf32, #tpu.memory_space<hbm>>
        tpu.enqueue_dma source(%arg17 : memref<1x128xf32, #tpu.memory_space<vmem>>) target(%dma_start3A_495 : memref<1x128xf32, #tpu.memory_space<hbm>>) target_semaphore(%run_scoped3A : memref<!tpu.dma_semaphore, #tpu.memory_space<semaphore_mem>>)
        %dma_wait3A = arith.constant 0 : i32
        %dma_wait3A_496 = tpu.memref_slice %arg6[%add3A_38, %dma_wait3A] : memref<80x128xf32, #tpu.memory_space<hbm>> -> memref<1x128xf32, #tpu.memory_space<hbm>>
        %dma_wait3A_497 = arith.constant 0 : i32
        %dma_wait3A_498 = tpu.memref_slice %arg6[%add3A_38, %dma_wait3A_497] : memref<80x128xf32, #tpu.memory_space<hbm>> -> memref<1x128xf32, #tpu.memory_space<hbm>>
        tpu.wait_dma2 semaphore(%run_scoped3A : memref<!tpu.dma_semaphore, #tpu.memory_space<semaphore_mem>>) src(%arg17 : memref<1x128xf32, #tpu.memory_space<vmem>>) dst(%dma_wait3A_498 : memref<1x128xf32, #tpu.memory_space<hbm>>)
        tpu.yield
      }) : () -> ()
      %mul3A_125 = arith.constant 5 : i32
      %mul3A_126 = arith.muli %arg1, %mul3A_125 : i32
      %add3A_127 = arith.constant 1 : i32
      %add3A_128 = arith.addi %mul3A_126, %add3A_127 : i32
      %mul3A_129 = arith.constant 128 : i32
      %mul3A_130 = arith.muli %add3A_128, %mul3A_129 : i32
      %add3A_131 = arith.constant 0 : i32
      %add3A_132 = arith.addi %mul3A_130, %add3A_131 : i32
      %get3A_133 = arith.index_cast %add3A_132 : i32 to index
      %get3A_134 = tpu.vector_load %arg19[%get3A_133] {strides = array<i32>} : memref<10240xf32, #tpu.memory_space<vmem>>, vector<16xf32>,
      %mul3A_135 = arith.mulf %get3A_134, %get3A_134 : vector<16xf32>
      %swap3A_136 = arith.constant 0 : i32
      %swap3A_137 = arith.index_cast %swap3A_136 : i32 to index
      %swap3A_138 = arith.constant 0 : index
      %swap3A_139 = tpu.vector_load %arg17[%swap3A_137, %swap3A_138] {strides = array<i32>} : memref<1x128xf32, #tpu.memory_space<vmem>>, vector<16xf32>,
      tpu.vector_store %arg17[%swap3A_137, %swap3A_138], %mul3A_135 {strides = array<i32>} : memref<1x128xf32, #tpu.memory_space<vmem>>, vector<16xf32>,
      %mul3A_140 = arith.constant 128 : i32
      %mul3A_141 = arith.muli %add3A_128, %mul3A_140 : i32
      %add3A_142 = arith.constant 16 : i32
      %add3A_143 = arith.addi %mul3A_141, %add3A_142 : i32
      %get3A_144 = arith.index_cast %add3A_143 : i32 to index
      %get3A_145 = tpu.vector_load %arg19[%get3A_144] {strides = array<i32>} : memref<10240xf32, #tpu.memory_space<vmem>>, vector<16xf32>,
      %mul3A_146 = arith.mulf %get3A_145, %get3A_145 : vector<16xf32>
      %swap3A_147 = arith.constant 0 : i32
      %swap3A_148 = arith.index_cast %swap3A_147 : i32 to index
      %swap3A_149 = arith.constant 16 : index
      %swap3A_150 = tpu.vector_load %arg17[%swap3A_148, %swap3A_149] {strides = array<i32>} : memref<1x128xf32, #tpu.memory_space<vmem>>, vector<16xf32>,
      tpu.vector_store %arg17[%swap3A_148, %swap3A_149], %mul3A_146 {strides = array<i32>} : memref<1x128xf32, #tpu.memory_space<vmem>>, vector<16xf32>,
      %mul3A_151 = arith.constant 128 : i32
      %mul3A_152 = arith.muli %add3A_128, %mul3A_151 : i32
      %add3A_153 = arith.constant 32 : i32
      %add3A_154 = arith.addi %mul3A_152, %add3A_153 : i32
      %get3A_155 = arith.index_cast %add3A_154 : i32 to index
      %get3A_156 = tpu.vector_load %arg19[%get3A_155] {strides = array<i32>} : memref<10240xf32, #tpu.memory_space<vmem>>, vector<16xf32>,
      %mul3A_157 = arith.mulf %get3A_156, %get3A_156 : vector<16xf32>
      %swap3A_158 = arith.constant 0 : i32
      %swap3A_159 = arith.index_cast %swap3A_158 : i32 to index
      %swap3A_160 = arith.constant 32 : index
      %swap3A_161 = tpu.vector_load %arg17[%swap3A_159, %swap3A_160] {strides = array<i32>} : memref<1x128xf32, #tpu.memory_space<vmem>>, vector<16xf32>,
      tpu.vector_store %arg17[%swap3A_159, %swap3A_160], %mul3A_157 {strides = array<i32>} : memref<1x128xf32, #tpu.memory_space<vmem>>, vector<16xf32>,
      %mul3A_162 = arith.constant 128 : i32
      %mul3A_163 = arith.muli %add3A_128, %mul3A_162 : i32
      %add3A_164 = arith.constant 48 : i32
      %add3A_165 = arith.addi %mul3A_163, %add3A_164 : i32
      %get3A_166 = arith.index_cast %add3A_165 : i32 to index
      %get3A_167 = tpu.vector_load %arg19[%get3A_166] {strides = array<i32>} : memref<10240xf32, #tpu.memory_space<vmem>>, vector<16xf32>,
      %mul3A_168 = arith.mulf %get3A_167, %get3A_167 : vector<16xf32>
      %swap3A_169 = arith.constant 0 : i32
      %swap3A_170 = arith.index_cast %swap3A_169 : i32 to index
      %swap3A_171 = arith.constant 48 : index
      %swap3A_172 = tpu.vector_load %arg17[%swap3A_170, %swap3A_171] {strides = array<i32>} : memref<1x128xf32, #tpu.memory_space<vmem>>, vector<16xf32>,
      tpu.vector_store %arg17[%swap3A_170, %swap3A_171], %mul3A_168 {strides = array<i32>} : memref<1x128xf32, #tpu.memory_space<vmem>>, vector<16xf32>,
      %mul3A_173 = arith.constant 128 : i32
      %mul3A_174 = arith.muli %add3A_128, %mul3A_173 : i32
      %add3A_175 = arith.constant 64 : i32
      %add3A_176 = arith.addi %mul3A_174, %add3A_175 : i32
      %get3A_177 = arith.index_cast %add3A_176 : i32 to index
      %get3A_178 = tpu.vector_load %arg19[%get3A_177] {strides = array<i32>} : memref<10240xf32, #tpu.memory_space<vmem>>, vector<16xf32>,
      %mul3A_179 = arith.mulf %get3A_178, %get3A_178 : vector<16xf32>
      %swap3A_180 = arith.constant 0 : i32
      %swap3A_181 = arith.index_cast %swap3A_180 : i32 to index
      %swap3A_182 = arith.constant 64 : index
      %swap3A_183 = tpu.vector_load %arg17[%swap3A_181, %swap3A_182] {strides = array<i32>} : memref<1x128xf32, #tpu.memory_space<vmem>>, vector<16xf32>,
      tpu.vector_store %arg17[%swap3A_181, %swap3A_182], %mul3A_179 {strides = array<i32>} : memref<1x128xf32, #tpu.memory_space<vmem>>, vector<16xf32>,
      %mul3A_184 = arith.constant 128 : i32
      %mul3A_185 = arith.muli %add3A_128, %mul3A_184 : i32
      %add3A_186 = arith.constant 80 : i32
      %add3A_187 = arith.addi %mul3A_185, %add3A_186 : i32
      %get3A_188 = arith.index_cast %add3A_187 : i32 to index
      %get3A_189 = tpu.vector_load %arg19[%get3A_188] {strides = array<i32>} : memref<10240xf32, #tpu.memory_space<vmem>>, vector<16xf32>,
      %mul3A_190 = arith.mulf %get3A_189, %get3A_189 : vector<16xf32>
      %swap3A_191 = arith.constant 0 : i32
      %swap3A_192 = arith.index_cast %swap3A_191 : i32 to index
      %swap3A_193 = arith.constant 80 : index
      %swap3A_194 = tpu.vector_load %arg17[%swap3A_192, %swap3A_193] {strides = array<i32>} : memref<1x128xf32, #tpu.memory_space<vmem>>, vector<16xf32>,
      tpu.vector_store %arg17[%swap3A_192, %swap3A_193], %mul3A_190 {strides = array<i32>} : memref<1x128xf32, #tpu.memory_space<vmem>>, vector<16xf32>,
      %mul3A_195 = arith.constant 128 : i32
      %mul3A_196 = arith.muli %add3A_128, %mul3A_195 : i32
      %add3A_197 = arith.constant 96 : i32
      %add3A_198 = arith.addi %mul3A_196, %add3A_197 : i32
      %get3A_199 = arith.index_cast %add3A_198 : i32 to index
      %get3A_200 = tpu.vector_load %arg19[%get3A_199] {strides = array<i32>} : memref<10240xf32, #tpu.memory_space<vmem>>, vector<16xf32>,
      %mul3A_201 = arith.mulf %get3A_200, %get3A_200 : vector<16xf32>
      %swap3A_202 = arith.constant 0 : i32
      %swap3A_203 = arith.index_cast %swap3A_202 : i32 to index
      %swap3A_204 = arith.constant 96 : index
      %swap3A_205 = tpu.vector_load %arg17[%swap3A_203, %swap3A_204] {strides = array<i32>} : memref<1x128xf32, #tpu.memory_space<vmem>>, vector<16xf32>,
      tpu.vector_store %arg17[%swap3A_203, %swap3A_204], %mul3A_201 {strides = array<i32>} : memref<1x128xf32, #tpu.memory_space<vmem>>, vector<16xf32>,
      %mul3A_206 = arith.constant 128 : i32
      %mul3A_207 = arith.muli %add3A_128, %mul3A_206 : i32
      %add3A_208 = arith.constant 112 : i32
      %add3A_209 = arith.addi %mul3A_207, %add3A_208 : i32
      %get3A_210 = arith.index_cast %add3A_209 : i32 to index
      %get3A_211 = tpu.vector_load %arg19[%get3A_210] {strides = array<i32>} : memref<10240xf32, #tpu.memory_space<vmem>>, vector<16xf32>,
      %mul3A_212 = arith.mulf %get3A_211, %get3A_211 : vector<16xf32>
      %swap3A_213 = arith.constant 0 : i32
      %swap3A_214 = arith.index_cast %swap3A_213 : i32 to index
      %swap3A_215 = arith.constant 112 : index
      %swap3A_216 = tpu.vector_load %arg17[%swap3A_214, %swap3A_215] {strides = array<i32>} : memref<1x128xf32, #tpu.memory_space<vmem>>, vector<16xf32>,
      tpu.vector_store %arg17[%swap3A_214, %swap3A_215], %mul3A_212 {strides = array<i32>} : memref<1x128xf32, #tpu.memory_space<vmem>>, vector<16xf32>,
      "tpu.region"() ({
        %run_scoped3A = tpu.sem_alloc : memref<!tpu.dma_semaphore, #tpu.memory_space<semaphore_mem>>
        %dma_start3A = arith.constant 0 : i32
        %dma_start3A_493 = tpu.memref_slice %arg6[%add3A_128, %dma_start3A] : memref<80x128xf32, #tpu.memory_space<hbm>> -> memref<1x128xf32, #tpu.memory_space<hbm>>
        %dma_start3A_494 = arith.constant 0 : i32
        %dma_start3A_495 = tpu.memref_slice %arg6[%add3A_128, %dma_start3A_494] : memref<80x128xf32, #tpu.memory_space<hbm>> -> memref<1x128xf32, #tpu.memory_space<hbm>>
        tpu.enqueue_dma source(%arg17 : memref<1x128xf32, #tpu.memory_space<vmem>>) target(%dma_start3A_495 : memref<1x128xf32, #tpu.memory_space<hbm>>) target_semaphore(%run_scoped3A : memref<!tpu.dma_semaphore, #tpu.memory_space<semaphore_mem>>)
        %dma_wait3A = arith.constant 0 : i32
        %dma_wait3A_496 = tpu.memref_slice %arg6[%add3A_128, %dma_wait3A] : memref<80x128xf32, #tpu.memory_space<hbm>> -> memref<1x128xf32, #tpu.memory_space<hbm>>
        %dma_wait3A_497 = arith.constant 0 : i32
        %dma_wait3A_498 = tpu.memref_slice %arg6[%add3A_128, %dma_wait3A_497] : memref<80x128xf32, #tpu.memory_space<hbm>> -> memref<1x128xf32, #tpu.memory_space<hbm>>
        tpu.wait_dma2 semaphore(%run_scoped3A : memref<!tpu.dma_semaphore, #tpu.memory_space<semaphore_mem>>) src(%arg17 : memref<1x128xf32, #tpu.memory_space<vmem>>) dst(%dma_wait3A_498 : memref<1x128xf32, #tpu.memory_space<hbm>>)
        tpu.yield
      }) : () -> ()
      %mul3A_217 = arith.constant 5 : i32
      %mul3A_218 = arith.muli %arg1, %mul3A_217 : i32
      %add3A_219 = arith.constant 2 : i32
      %add3A_220 = arith.addi %mul3A_218, %add3A_219 : i32
      %mul3A_221 = arith.constant 128 : i32
      %mul3A_222 = arith.muli %add3A_220, %mul3A_221 : i32
      %add3A_223 = arith.constant 0 : i32
      %add3A_224 = arith.addi %mul3A_222, %add3A_223 : i32
      %get3A_225 = arith.index_cast %add3A_224 : i32 to index
      %get3A_226 = tpu.vector_load %arg19[%get3A_225] {strides = array<i32>} : memref<10240xf32, #tpu.memory_space<vmem>>, vector<16xf32>,
      %mul3A_227 = arith.mulf %get3A_226, %get3A_226 : vector<16xf32>
      %swap3A_228 = arith.constant 0 : i32
      %swap3A_229 = arith.index_cast %swap3A_228 : i32 to index
      %swap3A_230 = arith.constant 0 : index
      %swap3A_231 = tpu.vector_load %arg17[%swap3A_229, %swap3A_230] {strides = array<i32>} : memref<1x128xf32, #tpu.memory_space<vmem>>, vector<16xf32>,
      tpu.vector_store %arg17[%swap3A_229, %swap3A_230], %mul3A_227 {strides = array<i32>} : memref<1x128xf32, #tpu.memory_space<vmem>>, vector<16xf32>,
      %mul3A_232 = arith.constant 128 : i32
      %mul3A_233 = arith.muli %add3A_220, %mul3A_232 : i32
      %add3A_234 = arith.constant 16 : i32
      %add3A_235 = arith.addi %mul3A_233, %add3A_234 : i32
      %get3A_236 = arith.index_cast %add3A_235 : i32 to index
      %get3A_237 = tpu.vector_load %arg19[%get3A_236] {strides = array<i32>} : memref<10240xf32, #tpu.memory_space<vmem>>, vector<16xf32>,
      %mul3A_238 = arith.mulf %get3A_237, %get3A_237 : vector<16xf32>
      %swap3A_239 = arith.constant 0 : i32
      %swap3A_240 = arith.index_cast %swap3A_239 : i32 to index
      %swap3A_241 = arith.constant 16 : index
      %swap3A_242 = tpu.vector_load %arg17[%swap3A_240, %swap3A_241] {strides = array<i32>} : memref<1x128xf32, #tpu.memory_space<vmem>>, vector<16xf32>,
      tpu.vector_store %arg17[%swap3A_240, %swap3A_241], %mul3A_238 {strides = array<i32>} : memref<1x128xf32, #tpu.memory_space<vmem>>, vector<16xf32>,
      %mul3A_243 = arith.constant 128 : i32
      %mul3A_244 = arith.muli %add3A_220, %mul3A_243 : i32
      %add3A_245 = arith.constant 32 : i32
      %add3A_246 = arith.addi %mul3A_244, %add3A_245 : i32
      %get3A_247 = arith.index_cast %add3A_246 : i32 to index
      %get3A_248 = tpu.vector_load %arg19[%get3A_247] {strides = array<i32>} : memref<10240xf32, #tpu.memory_space<vmem>>, vector<16xf32>,
      %mul3A_249 = arith.mulf %get3A_248, %get3A_248 : vector<16xf32>
      %swap3A_250 = arith.constant 0 : i32
      %swap3A_251 = arith.index_cast %swap3A_250 : i32 to index
      %swap3A_252 = arith.constant 32 : index
      %swap3A_253 = tpu.vector_load %arg17[%swap3A_251, %swap3A_252] {strides = array<i32>} : memref<1x128xf32, #tpu.memory_space<vmem>>, vector<16xf32>,
      tpu.vector_store %arg17[%swap3A_251, %swap3A_252], %mul3A_249 {strides = array<i32>} : memref<1x128xf32, #tpu.memory_space<vmem>>, vector<16xf32>,
      %mul3A_254 = arith.constant 128 : i32
      %mul3A_255 = arith.muli %add3A_220, %mul3A_254 : i32
      %add3A_256 = arith.constant 48 : i32
      %add3A_257 = arith.addi %mul3A_255, %add3A_256 : i32
      %get3A_258 = arith.index_cast %add3A_257 : i32 to index
      %get3A_259 = tpu.vector_load %arg19[%get3A_258] {strides = array<i32>} : memref<10240xf32, #tpu.memory_space<vmem>>, vector<16xf32>,
      %mul3A_260 = arith.mulf %get3A_259, %get3A_259 : vector<16xf32>
      %swap3A_261 = arith.constant 0 : i32
      %swap3A_262 = arith.index_cast %swap3A_261 : i32 to index
      %swap3A_263 = arith.constant 48 : index
      %swap3A_264 = tpu.vector_load %arg17[%swap3A_262, %swap3A_263] {strides = array<i32>} : memref<1x128xf32, #tpu.memory_space<vmem>>, vector<16xf32>,
      tpu.vector_store %arg17[%swap3A_262, %swap3A_263], %mul3A_260 {strides = array<i32>} : memref<1x128xf32, #tpu.memory_space<vmem>>, vector<16xf32>,
      %mul3A_265 = arith.constant 128 : i32
      %mul3A_266 = arith.muli %add3A_220, %mul3A_265 : i32
      %add3A_267 = arith.constant 64 : i32
      %add3A_268 = arith.addi %mul3A_266, %add3A_267 : i32
      %get3A_269 = arith.index_cast %add3A_268 : i32 to index
      %get3A_270 = tpu.vector_load %arg19[%get3A_269] {strides = array<i32>} : memref<10240xf32, #tpu.memory_space<vmem>>, vector<16xf32>,
      %mul3A_271 = arith.mulf %get3A_270, %get3A_270 : vector<16xf32>
      %swap3A_272 = arith.constant 0 : i32
      %swap3A_273 = arith.index_cast %swap3A_272 : i32 to index
      %swap3A_274 = arith.constant 64 : index
      %swap3A_275 = tpu.vector_load %arg17[%swap3A_273, %swap3A_274] {strides = array<i32>} : memref<1x128xf32, #tpu.memory_space<vmem>>, vector<16xf32>,
      tpu.vector_store %arg17[%swap3A_273, %swap3A_274], %mul3A_271 {strides = array<i32>} : memref<1x128xf32, #tpu.memory_space<vmem>>, vector<16xf32>,
      %mul3A_276 = arith.constant 128 : i32
      %mul3A_277 = arith.muli %add3A_220, %mul3A_276 : i32
      %add3A_278 = arith.constant 80 : i32
      %add3A_279 = arith.addi %mul3A_277, %add3A_278 : i32
      %get3A_280 = arith.index_cast %add3A_279 : i32 to index
      %get3A_281 = tpu.vector_load %arg19[%get3A_280] {strides = array<i32>} : memref<10240xf32, #tpu.memory_space<vmem>>, vector<16xf32>,
      %mul3A_282 = arith.mulf %get3A_281, %get3A_281 : vector<16xf32>
      %swap3A_283 = arith.constant 0 : i32
      %swap3A_284 = arith.index_cast %swap3A_283 : i32 to index
      %swap3A_285 = arith.constant 80 : index
      %swap3A_286 = tpu.vector_load %arg17[%swap3A_284, %swap3A_285] {strides = array<i32>} : memref<1x128xf32, #tpu.memory_space<vmem>>, vector<16xf32>,
      tpu.vector_store %arg17[%swap3A_284, %swap3A_285], %mul3A_282 {strides = array<i32>} : memref<1x128xf32, #tpu.memory_space<vmem>>, vector<16xf32>,
      %mul3A_287 = arith.constant 128 : i32
      %mul3A_288 = arith.muli %add3A_220, %mul3A_287 : i32
      %add3A_289 = arith.constant 96 : i32
      %add3A_290 = arith.addi %mul3A_288, %add3A_289 : i32
      %get3A_291 = arith.index_cast %add3A_290 : i32 to index
      %get3A_292 = tpu.vector_load %arg19[%get3A_291] {strides = array<i32>} : memref<10240xf32, #tpu.memory_space<vmem>>, vector<16xf32>,
      %mul3A_293 = arith.mulf %get3A_292, %get3A_292 : vector<16xf32>
      %swap3A_294 = arith.constant 0 : i32
      %swap3A_295 = arith.index_cast %swap3A_294 : i32 to index
      %swap3A_296 = arith.constant 96 : index
      %swap3A_297 = tpu.vector_load %arg17[%swap3A_295, %swap3A_296] {strides = array<i32>} : memref<1x128xf32, #tpu.memory_space<vmem>>, vector<16xf32>,
      tpu.vector_store %arg17[%swap3A_295, %swap3A_296], %mul3A_293 {strides = array<i32>} : memref<1x128xf32, #tpu.memory_space<vmem>>, vector<16xf32>,
      %mul3A_298 = arith.constant 128 : i32
      %mul3A_299 = arith.muli %add3A_220, %mul3A_298 : i32
      %add3A_300 = arith.constant 112 : i32
      %add3A_301 = arith.addi %mul3A_299, %add3A_300 : i32
      %get3A_302 = arith.index_cast %add3A_301 : i32 to index
      %get3A_303 = tpu.vector_load %arg19[%get3A_302] {strides = array<i32>} : memref<10240xf32, #tpu.memory_space<vmem>>, vector<16xf32>,
      %mul3A_304 = arith.mulf %get3A_303, %get3A_303 : vector<16xf32>
      %swap3A_305 = arith.constant 0 : i32
      %swap3A_306 = arith.index_cast %swap3A_305 : i32 to index
      %swap3A_307 = arith.constant 112 : index
      %swap3A_308 = tpu.vector_load %arg17[%swap3A_306, %swap3A_307] {strides = array<i32>} : memref<1x128xf32, #tpu.memory_space<vmem>>, vector<16xf32>,
      tpu.vector_store %arg17[%swap3A_306, %swap3A_307], %mul3A_304 {strides = array<i32>} : memref<1x128xf32, #tpu.memory_space<vmem>>, vector<16xf32>,
      "tpu.region"() ({
        %run_scoped3A = tpu.sem_alloc : memref<!tpu.dma_semaphore, #tpu.memory_space<semaphore_mem>>
        %dma_start3A = arith.constant 0 : i32
        %dma_start3A_493 = tpu.memref_slice %arg6[%add3A_220, %dma_start3A] : memref<80x128xf32, #tpu.memory_space<hbm>> -> memref<1x128xf32, #tpu.memory_space<hbm>>
        %dma_start3A_494 = arith.constant 0 : i32
        %dma_start3A_495 = tpu.memref_slice %arg6[%add3A_220, %dma_start3A_494] : memref<80x128xf32, #tpu.memory_space<hbm>> -> memref<1x128xf32, #tpu.memory_space<hbm>>
        tpu.enqueue_dma source(%arg17 : memref<1x128xf32, #tpu.memory_space<vmem>>) target(%dma_start3A_495 : memref<1x128xf32, #tpu.memory_space<hbm>>) target_semaphore(%run_scoped3A : memref<!tpu.dma_semaphore, #tpu.memory_space<semaphore_mem>>)
        %dma_wait3A = arith.constant 0 : i32
        %dma_wait3A_496 = tpu.memref_slice %arg6[%add3A_220, %dma_wait3A] : memref<80x128xf32, #tpu.memory_space<hbm>> -> memref<1x128xf32, #tpu.memory_space<hbm>>
        %dma_wait3A_497 = arith.constant 0 : i32
        %dma_wait3A_498 = tpu.memref_slice %arg6[%add3A_220, %dma_wait3A_497] : memref<80x128xf32, #tpu.memory_space<hbm>> -> memref<1x128xf32, #tpu.memory_space<hbm>>
        tpu.wait_dma2 semaphore(%run_scoped3A : memref<!tpu.dma_semaphore, #tpu.memory_space<semaphore_mem>>) src(%arg17 : memref<1x128xf32, #tpu.memory_space<vmem>>) dst(%dma_wait3A_498 : memref<1x128xf32, #tpu.memory_space<hbm>>)
        tpu.yield
      }) : () -> ()
      %mul3A_309 = arith.constant 5 : i32
      %mul3A_310 = arith.muli %arg1, %mul3A_309 : i32
      %add3A_311 = arith.constant 3 : i32
      %add3A_312 = arith.addi %mul3A_310, %add3A_311 : i32
      %mul3A_313 = arith.constant 128 : i32
      %mul3A_314 = arith.muli %add3A_312, %mul3A_313 : i32
      %add3A_315 = arith.constant 0 : i32
      %add3A_316 = arith.addi %mul3A_314, %add3A_315 : i32
      %get3A_317 = arith.index_cast %add3A_316 : i32 to index
      %get3A_318 = tpu.vector_load %arg19[%get3A_317] {strides = array<i32>} : memref<10240xf32, #tpu.memory_space<vmem>>, vector<16xf32>,
      %mul3A_319 = arith.mulf %get3A_318, %get3A_318 : vector<16xf32>
      %swap3A_320 = arith.constant 0 : i32
      %swap3A_321 = arith.index_cast %swap3A_320 : i32 to index
      %swap3A_322 = arith.constant 0 : index
      %swap3A_323 = tpu.vector_load %arg17[%swap3A_321, %swap3A_322] {strides = array<i32>} : memref<1x128xf32, #tpu.memory_space<vmem>>, vector<16xf32>,
      tpu.vector_store %arg17[%swap3A_321, %swap3A_322], %mul3A_319 {strides = array<i32>} : memref<1x128xf32, #tpu.memory_space<vmem>>, vector<16xf32>,
      %mul3A_324 = arith.constant 128 : i32
      %mul3A_325 = arith.muli %add3A_312, %mul3A_324 : i32
      %add3A_326 = arith.constant 16 : i32
      %add3A_327 = arith.addi %mul3A_325, %add3A_326 : i32
      %get3A_328 = arith.index_cast %add3A_327 : i32 to index
      %get3A_329 = tpu.vector_load %arg19[%get3A_328] {strides = array<i32>} : memref<10240xf32, #tpu.memory_space<vmem>>, vector<16xf32>,
      %mul3A_330 = arith.mulf %get3A_329, %get3A_329 : vector<16xf32>
      %swap3A_331 = arith.constant 0 : i32
      %swap3A_332 = arith.index_cast %swap3A_331 : i32 to index
      %swap3A_333 = arith.constant 16 : index
      %swap3A_334 = tpu.vector_load %arg17[%swap3A_332, %swap3A_333] {strides = array<i32>} : memref<1x128xf32, #tpu.memory_space<vmem>>, vector<16xf32>,
      tpu.vector_store %arg17[%swap3A_332, %swap3A_333], %mul3A_330 {strides = array<i32>} : memref<1x128xf32, #tpu.memory_space<vmem>>, vector<16xf32>,
      %mul3A_335 = arith.constant 128 : i32
      %mul3A_336 = arith.muli %add3A_312, %mul3A_335 : i32
      %add3A_337 = arith.constant 32 : i32
      %add3A_338 = arith.addi %mul3A_336, %add3A_337 : i32
      %get3A_339 = arith.index_cast %add3A_338 : i32 to index
      %get3A_340 = tpu.vector_load %arg19[%get3A_339] {strides = array<i32>} : memref<10240xf32, #tpu.memory_space<vmem>>, vector<16xf32>,
      %mul3A_341 = arith.mulf %get3A_340, %get3A_340 : vector<16xf32>
      %swap3A_342 = arith.constant 0 : i32
      %swap3A_343 = arith.index_cast %swap3A_342 : i32 to index
      %swap3A_344 = arith.constant 32 : index
      %swap3A_345 = tpu.vector_load %arg17[%swap3A_343, %swap3A_344] {strides = array<i32>} : memref<1x128xf32, #tpu.memory_space<vmem>>, vector<16xf32>,
      tpu.vector_store %arg17[%swap3A_343, %swap3A_344], %mul3A_341 {strides = array<i32>} : memref<1x128xf32, #tpu.memory_space<vmem>>, vector<16xf32>,
      %mul3A_346 = arith.constant 128 : i32
      %mul3A_347 = arith.muli %add3A_312, %mul3A_346 : i32
      %add3A_348 = arith.constant 48 : i32
      %add3A_349 = arith.addi %mul3A_347, %add3A_348 : i32
      %get3A_350 = arith.index_cast %add3A_349 : i32 to index
      %get3A_351 = tpu.vector_load %arg19[%get3A_350] {strides = array<i32>} : memref<10240xf32, #tpu.memory_space<vmem>>, vector<16xf32>,
      %mul3A_352 = arith.mulf %get3A_351, %get3A_351 : vector<16xf32>
      %swap3A_353 = arith.constant 0 : i32
      %swap3A_354 = arith.index_cast %swap3A_353 : i32 to index
      %swap3A_355 = arith.constant 48 : index
      %swap3A_356 = tpu.vector_load %arg17[%swap3A_354, %swap3A_355] {strides = array<i32>} : memref<1x128xf32, #tpu.memory_space<vmem>>, vector<16xf32>,
      tpu.vector_store %arg17[%swap3A_354, %swap3A_355], %mul3A_352 {strides = array<i32>} : memref<1x128xf32, #tpu.memory_space<vmem>>, vector<16xf32>,
      %mul3A_357 = arith.constant 128 : i32
      %mul3A_358 = arith.muli %add3A_312, %mul3A_357 : i32
      %add3A_359 = arith.constant 64 : i32
      %add3A_360 = arith.addi %mul3A_358, %add3A_359 : i32
      %get3A_361 = arith.index_cast %add3A_360 : i32 to index
      %get3A_362 = tpu.vector_load %arg19[%get3A_361] {strides = array<i32>} : memref<10240xf32, #tpu.memory_space<vmem>>, vector<16xf32>,
      %mul3A_363 = arith.mulf %get3A_362, %get3A_362 : vector<16xf32>
      %swap3A_364 = arith.constant 0 : i32
      %swap3A_365 = arith.index_cast %swap3A_364 : i32 to index
      %swap3A_366 = arith.constant 64 : index
      %swap3A_367 = tpu.vector_load %arg17[%swap3A_365, %swap3A_366] {strides = array<i32>} : memref<1x128xf32, #tpu.memory_space<vmem>>, vector<16xf32>,
      tpu.vector_store %arg17[%swap3A_365, %swap3A_366], %mul3A_363 {strides = array<i32>} : memref<1x128xf32, #tpu.memory_space<vmem>>, vector<16xf32>,
      %mul3A_368 = arith.constant 128 : i32
      %mul3A_369 = arith.muli %add3A_312, %mul3A_368 : i32
      %add3A_370 = arith.constant 80 : i32
      %add3A_371 = arith.addi %mul3A_369, %add3A_370 : i32
      %get3A_372 = arith.index_cast %add3A_371 : i32 to index
      %get3A_373 = tpu.vector_load %arg19[%get3A_372] {strides = array<i32>} : memref<10240xf32, #tpu.memory_space<vmem>>, vector<16xf32>,
      %mul3A_374 = arith.mulf %get3A_373, %get3A_373 : vector<16xf32>
      %swap3A_375 = arith.constant 0 : i32
      %swap3A_376 = arith.index_cast %swap3A_375 : i32 to index
      %swap3A_377 = arith.constant 80 : index
      %swap3A_378 = tpu.vector_load %arg17[%swap3A_376, %swap3A_377] {strides = array<i32>} : memref<1x128xf32, #tpu.memory_space<vmem>>, vector<16xf32>,
      tpu.vector_store %arg17[%swap3A_376, %swap3A_377], %mul3A_374 {strides = array<i32>} : memref<1x128xf32, #tpu.memory_space<vmem>>, vector<16xf32>,
      %mul3A_379 = arith.constant 128 : i32
      %mul3A_380 = arith.muli %add3A_312, %mul3A_379 : i32
      %add3A_381 = arith.constant 96 : i32
      %add3A_382 = arith.addi %mul3A_380, %add3A_381 : i32
      %get3A_383 = arith.index_cast %add3A_382 : i32 to index
      %get3A_384 = tpu.vector_load %arg19[%get3A_383] {strides = array<i32>} : memref<10240xf32, #tpu.memory_space<vmem>>, vector<16xf32>,
      %mul3A_385 = arith.mulf %get3A_384, %get3A_384 : vector<16xf32>
      %swap3A_386 = arith.constant 0 : i32
      %swap3A_387 = arith.index_cast %swap3A_386 : i32 to index
      %swap3A_388 = arith.constant 96 : index
      %swap3A_389 = tpu.vector_load %arg17[%swap3A_387, %swap3A_388] {strides = array<i32>} : memref<1x128xf32, #tpu.memory_space<vmem>>, vector<16xf32>,
      tpu.vector_store %arg17[%swap3A_387, %swap3A_388], %mul3A_385 {strides = array<i32>} : memref<1x128xf32, #tpu.memory_space<vmem>>, vector<16xf32>,
      %mul3A_390 = arith.constant 128 : i32
      %mul3A_391 = arith.muli %add3A_312, %mul3A_390 : i32
      %add3A_392 = arith.constant 112 : i32
      %add3A_393 = arith.addi %mul3A_391, %add3A_392 : i32
      %get3A_394 = arith.index_cast %add3A_393 : i32 to index
      %get3A_395 = tpu.vector_load %arg19[%get3A_394] {strides = array<i32>} : memref<10240xf32, #tpu.memory_space<vmem>>, vector<16xf32>,
      %mul3A_396 = arith.mulf %get3A_395, %get3A_395 : vector<16xf32>
      %swap3A_397 = arith.constant 0 : i32
      %swap3A_398 = arith.index_cast %swap3A_397 : i32 to index
      %swap3A_399 = arith.constant 112 : index
      %swap3A_400 = tpu.vector_load %arg17[%swap3A_398, %swap3A_399] {strides = array<i32>} : memref<1x128xf32, #tpu.memory_space<vmem>>, vector<16xf32>,
      tpu.vector_store %arg17[%swap3A_398, %swap3A_399], %mul3A_396 {strides = array<i32>} : memref<1x128xf32, #tpu.memory_space<vmem>>, vector<16xf32>,
      "tpu.region"() ({
        %run_scoped3A = tpu.sem_alloc : memref<!tpu.dma_semaphore, #tpu.memory_space<semaphore_mem>>
        %dma_start3A = arith.constant 0 : i32
        %dma_start3A_493 = tpu.memref_slice %arg6[%add3A_312, %dma_start3A] : memref<80x128xf32, #tpu.memory_space<hbm>> -> memref<1x128xf32, #tpu.memory_space<hbm>>
        %dma_start3A_494 = arith.constant 0 : i32
        %dma_start3A_495 = tpu.memref_slice %arg6[%add3A_312, %dma_start3A_494] : memref<80x128xf32, #tpu.memory_space<hbm>> -> memref<1x128xf32, #tpu.memory_space<hbm>>
        tpu.enqueue_dma source(%arg17 : memref<1x128xf32, #tpu.memory_space<vmem>>) target(%dma_start3A_495 : memref<1x128xf32, #tpu.memory_space<hbm>>) target_semaphore(%run_scoped3A : memref<!tpu.dma_semaphore, #tpu.memory_space<semaphore_mem>>)
        %dma_wait3A = arith.constant 0 : i32
        %dma_wait3A_496 = tpu.memref_slice %arg6[%add3A_312, %dma_wait3A] : memref<80x128xf32, #tpu.memory_space<hbm>> -> memref<1x128xf32, #tpu.memory_space<hbm>>
        %dma_wait3A_497 = arith.constant 0 : i32
        %dma_wait3A_498 = tpu.memref_slice %arg6[%add3A_312, %dma_wait3A_497] : memref<80x128xf32, #tpu.memory_space<hbm>> -> memref<1x128xf32, #tpu.memory_space<hbm>>
        tpu.wait_dma2 semaphore(%run_scoped3A : memref<!tpu.dma_semaphore, #tpu.memory_space<semaphore_mem>>) src(%arg17 : memref<1x128xf32, #tpu.memory_space<vmem>>) dst(%dma_wait3A_498 : memref<1x128xf32, #tpu.memory_space<hbm>>)
        tpu.yield
      }) : () -> ()
      %mul3A_401 = arith.constant 5 : i32
      %mul3A_402 = arith.muli %arg1, %mul3A_401 : i32
      %add3A_403 = arith.constant 4 : i32
      %add3A_404 = arith.addi %mul3A_402, %add3A_403 : i32
      %mul3A_405 = arith.constant 128 : i32
      %mul3A_406 = arith.muli %add3A_404, %mul3A_405 : i32
      %add3A_407 = arith.constant 0 : i32
      %add3A_408 = arith.addi %mul3A_406, %add3A_407 : i32
      %get3A_409 = arith.index_cast %add3A_408 : i32 to index
      %get3A_410 = tpu.vector_load %arg19[%get3A_409] {strides = array<i32>} : memref<10240xf32, #tpu.memory_space<vmem>>, vector<16xf32>,
      %mul3A_411 = arith.mulf %get3A_410, %get3A_410 : vector<16xf32>
      %swap3A_412 = arith.constant 0 : i32
      %swap3A_413 = arith.index_cast %swap3A_412 : i32 to index
      %swap3A_414 = arith.constant 0 : index
      %swap3A_415 = tpu.vector_load %arg17[%swap3A_413, %swap3A_414] {strides = array<i32>} : memref<1x128xf32, #tpu.memory_space<vmem>>, vector<16xf32>,
      tpu.vector_store %arg17[%swap3A_413, %swap3A_414], %mul3A_411 {strides = array<i32>} : memref<1x128xf32, #tpu.memory_space<vmem>>, vector<16xf32>,
      %mul3A_416 = arith.constant 128 : i32
      %mul3A_417 = arith.muli %add3A_404, %mul3A_416 : i32
      %add3A_418 = arith.constant 16 : i32
      %add3A_419 = arith.addi %mul3A_417, %add3A_418 : i32
      %get3A_420 = arith.index_cast %add3A_419 : i32 to index
      %get3A_421 = tpu.vector_load %arg19[%get3A_420] {strides = array<i32>} : memref<10240xf32, #tpu.memory_space<vmem>>, vector<16xf32>,
      %mul3A_422 = arith.mulf %get3A_421, %get3A_421 : vector<16xf32>
      %swap3A_423 = arith.constant 0 : i32
      %swap3A_424 = arith.index_cast %swap3A_423 : i32 to index
      %swap3A_425 = arith.constant 16 : index
      %swap3A_426 = tpu.vector_load %arg17[%swap3A_424, %swap3A_425] {strides = array<i32>} : memref<1x128xf32, #tpu.memory_space<vmem>>, vector<16xf32>,
      tpu.vector_store %arg17[%swap3A_424, %swap3A_425], %mul3A_422 {strides = array<i32>} : memref<1x128xf32, #tpu.memory_space<vmem>>, vector<16xf32>,
      %mul3A_427 = arith.constant 128 : i32
      %mul3A_428 = arith.muli %add3A_404, %mul3A_427 : i32
      %add3A_429 = arith.constant 32 : i32
      %add3A_430 = arith.addi %mul3A_428, %add3A_429 : i32
      %get3A_431 = arith.index_cast %add3A_430 : i32 to index
      %get3A_432 = tpu.vector_load %arg19[%get3A_431] {strides = array<i32>} : memref<10240xf32, #tpu.memory_space<vmem>>, vector<16xf32>,
      %mul3A_433 = arith.mulf %get3A_432, %get3A_432 : vector<16xf32>
      %swap3A_434 = arith.constant 0 : i32
      %swap3A_435 = arith.index_cast %swap3A_434 : i32 to index
      %swap3A_436 = arith.constant 32 : index
      %swap3A_437 = tpu.vector_load %arg17[%swap3A_435, %swap3A_436] {strides = array<i32>} : memref<1x128xf32, #tpu.memory_space<vmem>>, vector<16xf32>,
      tpu.vector_store %arg17[%swap3A_435, %swap3A_436], %mul3A_433 {strides = array<i32>} : memref<1x128xf32, #tpu.memory_space<vmem>>, vector<16xf32>,
      %mul3A_438 = arith.constant 128 : i32
      %mul3A_439 = arith.muli %add3A_404, %mul3A_438 : i32
      %add3A_440 = arith.constant 48 : i32
      %add3A_441 = arith.addi %mul3A_439, %add3A_440 : i32
      %get3A_442 = arith.index_cast %add3A_441 : i32 to index
      %get3A_443 = tpu.vector_load %arg19[%get3A_442] {strides = array<i32>} : memref<10240xf32, #tpu.memory_space<vmem>>, vector<16xf32>,
      %mul3A_444 = arith.mulf %get3A_443, %get3A_443 : vector<16xf32>
      %swap3A_445 = arith.constant 0 : i32
      %swap3A_446 = arith.index_cast %swap3A_445 : i32 to index
      %swap3A_447 = arith.constant 48 : index
      %swap3A_448 = tpu.vector_load %arg17[%swap3A_446, %swap3A_447] {strides = array<i32>} : memref<1x128xf32, #tpu.memory_space<vmem>>, vector<16xf32>,
      tpu.vector_store %arg17[%swap3A_446, %swap3A_447], %mul3A_444 {strides = array<i32>} : memref<1x128xf32, #tpu.memory_space<vmem>>, vector<16xf32>,
      %mul3A_449 = arith.constant 128 : i32
      %mul3A_450 = arith.muli %add3A_404, %mul3A_449 : i32
      %add3A_451 = arith.constant 64 : i32
      %add3A_452 = arith.addi %mul3A_450, %add3A_451 : i32
      %get3A_453 = arith.index_cast %add3A_452 : i32 to index
      %get3A_454 = tpu.vector_load %arg19[%get3A_453] {strides = array<i32>} : memref<10240xf32, #tpu.memory_space<vmem>>, vector<16xf32>,
      %mul3A_455 = arith.mulf %get3A_454, %get3A_454 : vector<16xf32>
      %swap3A_456 = arith.constant 0 : i32
      %swap3A_457 = arith.index_cast %swap3A_456 : i32 to index
      %swap3A_458 = arith.constant 64 : index
      %swap3A_459 = tpu.vector_load %arg17[%swap3A_457, %swap3A_458] {strides = array<i32>} : memref<1x128xf32, #tpu.memory_space<vmem>>, vector<16xf32>,
      tpu.vector_store %arg17[%swap3A_457, %swap3A_458], %mul3A_455 {strides = array<i32>} : memref<1x128xf32, #tpu.memory_space<vmem>>, vector<16xf32>,
      %mul3A_460 = arith.constant 128 : i32
      %mul3A_461 = arith.muli %add3A_404, %mul3A_460 : i32
      %add3A_462 = arith.constant 80 : i32
      %add3A_463 = arith.addi %mul3A_461, %add3A_462 : i32
      %get3A_464 = arith.index_cast %add3A_463 : i32 to index
      %get3A_465 = tpu.vector_load %arg19[%get3A_464] {strides = array<i32>} : memref<10240xf32, #tpu.memory_space<vmem>>, vector<16xf32>,
      %mul3A_466 = arith.mulf %get3A_465, %get3A_465 : vector<16xf32>
      %swap3A_467 = arith.constant 0 : i32
      %swap3A_468 = arith.index_cast %swap3A_467 : i32 to index
      %swap3A_469 = arith.constant 80 : index
      %swap3A_470 = tpu.vector_load %arg17[%swap3A_468, %swap3A_469] {strides = array<i32>} : memref<1x128xf32, #tpu.memory_space<vmem>>, vector<16xf32>,
      tpu.vector_store %arg17[%swap3A_468, %swap3A_469], %mul3A_466 {strides = array<i32>} : memref<1x128xf32, #tpu.memory_space<vmem>>, vector<16xf32>,
      %mul3A_471 = arith.constant 128 : i32
      %mul3A_472 = arith.muli %add3A_404, %mul3A_471 : i32
      %add3A_473 = arith.constant 96 : i32
      %add3A_474 = arith.addi %mul3A_472, %add3A_473 : i32
      %get3A_475 = arith.index_cast %add3A_474 : i32 to index
      %get3A_476 = tpu.vector_load %arg19[%get3A_475] {strides = array<i32>} : memref<10240xf32, #tpu.memory_space<vmem>>, vector<16xf32>,
      %mul3A_477 = arith.mulf %get3A_476, %get3A_476 : vector<16xf32>
      %swap3A_478 = arith.constant 0 : i32
      %swap3A_479 = arith.index_cast %swap3A_478 : i32 to index
      %swap3A_480 = arith.constant 96 : index
      %swap3A_481 = tpu.vector_load %arg17[%swap3A_479, %swap3A_480] {strides = array<i32>} : memref<1x128xf32, #tpu.memory_space<vmem>>, vector<16xf32>,
      tpu.vector_store %arg17[%swap3A_479, %swap3A_480], %mul3A_477 {strides = array<i32>} : memref<1x128xf32, #tpu.memory_space<vmem>>, vector<16xf32>,
      %mul3A_482 = arith.constant 128 : i32
      %mul3A_483 = arith.muli %add3A_404, %mul3A_482 : i32
      %add3A_484 = arith.constant 112 : i32
      %add3A_485 = arith.addi %mul3A_483, %add3A_484 : i32
      %get3A_486 = arith.index_cast %add3A_485 : i32 to index
      %get3A_487 = tpu.vector_load %arg19[%get3A_486] {strides = array<i32>} : memref<10240xf32, #tpu.memory_space<vmem>>, vector<16xf32>,
      %mul3A_488 = arith.mulf %get3A_487, %get3A_487 : vector<16xf32>
      %swap3A_489 = arith.constant 0 : i32
      %swap3A_490 = arith.index_cast %swap3A_489 : i32 to index
      %swap3A_491 = arith.constant 112 : index
      %swap3A_492 = tpu.vector_load %arg17[%swap3A_490, %swap3A_491] {strides = array<i32>} : memref<1x128xf32, #tpu.memory_space<vmem>>, vector<16xf32>,
      tpu.vector_store %arg17[%swap3A_490, %swap3A_491], %mul3A_488 {strides = array<i32>} : memref<1x128xf32, #tpu.memory_space<vmem>>, vector<16xf32>,
      "tpu.region"() ({
        %run_scoped3A = tpu.sem_alloc : memref<!tpu.dma_semaphore, #tpu.memory_space<semaphore_mem>>
        %dma_start3A = arith.constant 0 : i32
        %dma_start3A_493 = tpu.memref_slice %arg6[%add3A_404, %dma_start3A] : memref<80x128xf32, #tpu.memory_space<hbm>> -> memref<1x128xf32, #tpu.memory_space<hbm>>
        %dma_start3A_494 = arith.constant 0 : i32
        %dma_start3A_495 = tpu.memref_slice %arg6[%add3A_404, %dma_start3A_494] : memref<80x128xf32, #tpu.memory_space<hbm>> -> memref<1x128xf32, #tpu.memory_space<hbm>>
        tpu.enqueue_dma source(%arg17 : memref<1x128xf32, #tpu.memory_space<vmem>>) target(%dma_start3A_495 : memref<1x128xf32, #tpu.memory_space<hbm>>) target_semaphore(%run_scoped3A : memref<!tpu.dma_semaphore, #tpu.memory_space<semaphore_mem>>)
        %dma_wait3A = arith.constant 0 : i32
        %dma_wait3A_496 = tpu.memref_slice %arg6[%add3A_404, %dma_wait3A] : memref<80x128xf32, #tpu.memory_space<hbm>> -> memref<1x128xf32, #tpu.memory_space<hbm>>
        %dma_wait3A_497 = arith.constant 0 : i32
        %dma_wait3A_498 = tpu.memref_slice %arg6[%add3A_404, %dma_wait3A_497] : memref<80x128xf32, #tpu.memory_space<hbm>> -> memref<1x128xf32, #tpu.memory_space<hbm>>
        tpu.wait_dma2 semaphore(%run_scoped3A : memref<!tpu.dma_semaphore, #tpu.memory_space<semaphore_mem>>) src(%arg17 : memref<1x128xf32, #tpu.memory_space<vmem>>) dst(%dma_wait3A_498 : memref<1x128xf32, #tpu.memory_space<hbm>>)
        tpu.yield
      }) : () -> ()
    } else {
    }
    %add3A_23 = arith.constant 0 : i32
    %add3A_24 = arith.addi %arg1, %add3A_23 : i32
    %lt3A_25 = arith.constant 625 : i32
    %lt3A_26 = arith.cmpi slt, %add3A_24, %lt3A_25 : i32
    %convert_element_type3A_27 = arith.extui %lt3A_26 : i1 to i32
    %cond3A_28 = arith.constant 0 : i32
    %cond3A_29 = arith.cmpi ne, %convert_element_type3A_27, %cond3A_28 : i32
    scf.if %cond3A_29 {
      %mul3A_35 = arith.constant 1250 : i32
      %mul3A_36 = arith.muli %arg0, %mul3A_35 : i32
      %add3A_37 = arith.constant 0 : i32
      %add3A_38 = arith.addi %arg1, %add3A_37 : i32
      %mul3A_39 = arith.constant 2 : i32
      %mul3A_40 = arith.muli %mul3A_39, %add3A_38 : i32
      %add3A_41 = arith.addi %mul3A_36, %mul3A_40 : i32
      %dma_start3A = arith.constant 0 : i32
      %dma_start3A_42 = tpu.memref_slice %arg2[%add3A_41, %dma_start3A] : memref<2500x128xi32, #tpu.memory_space<hbm>> -> memref<2x128xi32, #tpu.memory_space<hbm>>
      %dma_start3A_43 = arith.constant 0 : i32
      %dma_start3A_44 = tpu.memref_slice %arg2[%add3A_41, %dma_start3A_43] : memref<2500x128xi32, #tpu.memory_space<hbm>> -> memref<2x128xi32, #tpu.memory_space<hbm>>
      tpu.enqueue_dma source(%dma_start3A_44 : memref<2x128xi32, #tpu.memory_space<hbm>>) target(%arg13 : memref<2x128xi32, #tpu.memory_space<vmem>>) target_semaphore(%arg20 : memref<!tpu.dma_semaphore, #tpu.memory_space<semaphore_mem>>)
      %dma_start3A_45 = arith.constant 0 : i32
      %dma_start3A_46 = arith.constant 0 : i32
      %dma_start3A_47 = tpu.memref_slice %arg9[%dma_start3A_45, %dma_start3A_46] : memref<4x128xi32, #tpu.memory_space<vmem>> -> memref<2x128xi32, #tpu.memory_space<vmem>>
      %dma_start3A_48 = arith.constant 0 : i32
      %dma_start3A_49 = tpu.memref_slice %arg3[%add3A_41, %dma_start3A_48] : memref<2500x128xi32, #tpu.memory_space<hbm>> -> memref<2x128xi32, #tpu.memory_space<hbm>>
      %dma_start3A_50 = arith.constant 0 : i32
      %dma_start3A_51 = arith.constant 0 : i32
      %dma_start3A_52 = tpu.memref_slice %arg9[%dma_start3A_50, %dma_start3A_51] : memref<4x128xi32, #tpu.memory_space<vmem>> -> memref<2x128xi32, #tpu.memory_space<vmem>>
      %dma_start3A_53 = arith.constant 0 : i32
      %dma_start3A_54 = tpu.memref_slice %arg3[%add3A_41, %dma_start3A_53] : memref<2500x128xi32, #tpu.memory_space<hbm>> -> memref<2x128xi32, #tpu.memory_space<hbm>>
      tpu.enqueue_dma source(%dma_start3A_54 : memref<2x128xi32, #tpu.memory_space<hbm>>) target(%dma_start3A_52 : memref<2x128xi32, #tpu.memory_space<vmem>>) target_semaphore(%arg20 : memref<!tpu.dma_semaphore, #tpu.memory_space<semaphore_mem>>)
      %dma_start3A_55 = arith.constant 0 : i32
      %dma_start3A_56 = arith.constant 0 : i32
      %dma_start3A_57 = tpu.memref_slice %arg11[%dma_start3A_55, %dma_start3A_56] : memref<4x128xf32, #tpu.memory_space<vmem>> -> memref<2x128xf32, #tpu.memory_space<vmem>>
      %dma_start3A_58 = arith.constant 0 : i32
      %dma_start3A_59 = tpu.memref_slice %arg4[%add3A_41, %dma_start3A_58] : memref<2500x128xf32, #tpu.memory_space<hbm>> -> memref<2x128xf32, #tpu.memory_space<hbm>>
      %dma_start3A_60 = arith.constant 0 : i32
      %dma_start3A_61 = arith.constant 0 : i32
      %dma_start3A_62 = tpu.memref_slice %arg11[%dma_start3A_60, %dma_start3A_61] : memref<4x128xf32, #tpu.memory_space<vmem>> -> memref<2x128xf32, #tpu.memory_space<vmem>>
      %dma_start3A_63 = arith.constant 0 : i32
      %dma_start3A_64 = tpu.memref_slice %arg4[%add3A_41, %dma_start3A_63] : memref<2500x128xf32, #tpu.memory_space<hbm>> -> memref<2x128xf32, #tpu.memory_space<hbm>>
      tpu.enqueue_dma source(%dma_start3A_64 : memref<2x128xf32, #tpu.memory_space<hbm>>) target(%dma_start3A_62 : memref<2x128xf32, #tpu.memory_space<vmem>>) target_semaphore(%arg20 : memref<!tpu.dma_semaphore, #tpu.memory_space<semaphore_mem>>)
    } else {
    }
    %scan3A_30 = arith.constant 0 : i32
    %scan3A_31 = arith.constant 21 : i32
    %scan3A_32 = arith.addi %scan3A_30, %scan3A_31 : i32
    %scan3A_33 = arith.constant 1 : i32
    scf.for %scan3A_35 = %scan3A_30 to %scan3A_32 step %scan3A_33  : i32 {
      %mul3A_36 = arith.constant 1 : i32
      %mul3A_37 = arith.muli %scan3A_35, %mul3A_36 : i32
      %add3A_38 = arith.constant 0 : i32
      %add3A_39 = arith.addi %add3A_38, %mul3A_37 : i32
      %mul3A_40 = arith.constant 2 : i32
      %mul3A_41 = arith.muli %add3A_39, %mul3A_40 : i32
      %add3A_42 = arith.constant 0 : i32
      %add3A_43 = arith.addi %mul3A_41, %add3A_42 : i32
      %sub3A = arith.constant 2 : i32
      %sub3A_44 = arith.subi %add3A_43, %sub3A : i32
      %ge3A = arith.constant 0 : i32
      %ge3A_45 = arith.cmpi sge, %sub3A_44, %ge3A : i32
      %mul3A_46 = arith.constant 16 : i32
      %mul3A_47 = arith.muli %mul3A_46, %sub3A_44 : i32
      %add3A_48 = arith.addi %arg1, %mul3A_47 : i32
      %lt3A_49 = arith.constant 625 : i32
      %lt3A_50 = arith.cmpi slt, %add3A_48, %lt3A_49 : i32
      %and3A = arith.andi %ge3A_45, %lt3A_50 : i1
      %convert_element_type3A_51 = arith.extui %and3A : i1 to i32
      %cond3A_52 = arith.constant 0 : i32
      %cond3A_53 = arith.cmpi ne, %convert_element_type3A_51, %cond3A_52 : i32
      scf.if %cond3A_53 {
        %dma_wait3A = arith.constant 0 : i32
        %dma_wait3A_139 = arith.constant 0 : i32
        %dma_wait3A_140 = tpu.memref_slice %arg5[%dma_wait3A, %dma_wait3A_139] : memref<2500x128xf32, #tpu.memory_space<hbm>> -> memref<2x128xf32, #tpu.memory_space<hbm>>
        %dma_wait3A_141 = arith.constant 0 : i32
        %dma_wait3A_142 = arith.constant 0 : i32
        %dma_wait3A_143 = tpu.memref_slice %arg5[%dma_wait3A_141, %dma_wait3A_142] : memref<2500x128xf32, #tpu.memory_space<hbm>> -> memref<2x128xf32, #tpu.memory_space<hbm>>
        tpu.wait_dma2 semaphore(%arg24 : memref<!tpu.dma_semaphore, #tpu.memory_space<semaphore_mem>>) src(%arg15 : memref<2x128xf32, #tpu.memory_space<vmem>>) dst(%dma_wait3A_143 : memref<2x128xf32, #tpu.memory_space<hbm>>)
      } else {
      }
      %mul3A_54 = arith.constant 16 : i32
      %mul3A_55 = arith.muli %mul3A_54, %add3A_43 : i32
      %add3A_56 = arith.addi %arg1, %mul3A_55 : i32
      %lt3A_57 = arith.constant 625 : i32
      %lt3A_58 = arith.cmpi slt, %add3A_56, %lt3A_57 : i32
      %convert_element_type3A_59 = arith.extui %lt3A_58 : i1 to i32
      %cond3A_60 = arith.constant 0 : i32
      %cond3A_61 = arith.cmpi ne, %convert_element_type3A_59, %cond3A_60 : i32
      scf.if %cond3A_61 {
        %mul3A_139 = arith.constant 1250 : i32
        %mul3A_140 = arith.muli %arg0, %mul3A_139 : i32
        %mul3A_141 = arith.constant 16 : i32
        %mul3A_142 = arith.muli %mul3A_141, %add3A_43 : i32
        %add3A_143 = arith.addi %arg1, %mul3A_142 : i32
        %mul3A_144 = arith.constant 2 : i32
        %mul3A_145 = arith.muli %mul3A_144, %add3A_143 : i32
        %add3A_146 = arith.addi %mul3A_140, %mul3A_145 : i32
        %dma_wait3A = arith.constant 0 : i32
        %dma_wait3A_147 = tpu.memref_slice %arg2[%add3A_146, %dma_wait3A] : memref<2500x128xi32, #tpu.memory_space<hbm>> -> memref<2x128xi32, #tpu.memory_space<hbm>>
        %dma_wait3A_148 = arith.constant 0 : i32
        %dma_wait3A_149 = tpu.memref_slice %arg2[%add3A_146, %dma_wait3A_148] : memref<2500x128xi32, #tpu.memory_space<hbm>> -> memref<2x128xi32, #tpu.memory_space<hbm>>
        tpu.wait_dma2 semaphore(%arg20 : memref<!tpu.dma_semaphore, #tpu.memory_space<semaphore_mem>>) src(%dma_wait3A_149 : memref<2x128xi32, #tpu.memory_space<hbm>>) dst(%arg13 : memref<2x128xi32, #tpu.memory_space<vmem>>)
        %dma_wait3A_150 = arith.constant 0 : i32
        %dma_wait3A_151 = arith.constant 0 : i32
        %dma_wait3A_152 = tpu.memref_slice %arg9[%dma_wait3A_150, %dma_wait3A_151] : memref<4x128xi32, #tpu.memory_space<vmem>> -> memref<2x128xi32, #tpu.memory_space<vmem>>
        %dma_wait3A_153 = arith.constant 0 : i32
        %dma_wait3A_154 = tpu.memref_slice %arg3[%add3A_146, %dma_wait3A_153] : memref<2500x128xi32, #tpu.memory_space<hbm>> -> memref<2x128xi32, #tpu.memory_space<hbm>>
        %dma_wait3A_155 = arith.constant 0 : i32
        %dma_wait3A_156 = arith.constant 0 : i32
        %dma_wait3A_157 = tpu.memref_slice %arg9[%dma_wait3A_155, %dma_wait3A_156] : memref<4x128xi32, #tpu.memory_space<vmem>> -> memref<2x128xi32, #tpu.memory_space<vmem>>
        %dma_wait3A_158 = arith.constant 0 : i32
        %dma_wait3A_159 = tpu.memref_slice %arg3[%add3A_146, %dma_wait3A_158] : memref<2500x128xi32, #tpu.memory_space<hbm>> -> memref<2x128xi32, #tpu.memory_space<hbm>>
        tpu.wait_dma2 semaphore(%arg20 : memref<!tpu.dma_semaphore, #tpu.memory_space<semaphore_mem>>) src(%dma_wait3A_159 : memref<2x128xi32, #tpu.memory_space<hbm>>) dst(%dma_wait3A_157 : memref<2x128xi32, #tpu.memory_space<vmem>>)
        %dma_wait3A_160 = arith.constant 0 : i32
        %dma_wait3A_161 = arith.constant 0 : i32
        %dma_wait3A_162 = tpu.memref_slice %arg11[%dma_wait3A_160, %dma_wait3A_161] : memref<4x128xf32, #tpu.memory_space<vmem>> -> memref<2x128xf32, #tpu.memory_space<vmem>>
        %dma_wait3A_163 = arith.constant 0 : i32
        %dma_wait3A_164 = tpu.memref_slice %arg4[%add3A_146, %dma_wait3A_163] : memref<2500x128xf32, #tpu.memory_space<hbm>> -> memref<2x128xf32, #tpu.memory_space<hbm>>
        %dma_wait3A_165 = arith.constant 0 : i32
        %dma_wait3A_166 = arith.constant 0 : i32
        %dma_wait3A_167 = tpu.memref_slice %arg11[%dma_wait3A_165, %dma_wait3A_166] : memref<4x128xf32, #tpu.memory_space<vmem>> -> memref<2x128xf32, #tpu.memory_space<vmem>>
        %dma_wait3A_168 = arith.constant 0 : i32
        %dma_wait3A_169 = tpu.memref_slice %arg4[%add3A_146, %dma_wait3A_168] : memref<2500x128xf32, #tpu.memory_space<hbm>> -> memref<2x128xf32, #tpu.memory_space<hbm>>
        tpu.wait_dma2 semaphore(%arg20 : memref<!tpu.dma_semaphore, #tpu.memory_space<semaphore_mem>>) src(%dma_wait3A_169 : memref<2x128xf32, #tpu.memory_space<hbm>>) dst(%dma_wait3A_167 : memref<2x128xf32, #tpu.memory_space<vmem>>)
      } else {
      }
      %add3A_62 = arith.constant 1 : i32
      %add3A_63 = arith.addi %add3A_43, %add3A_62 : i32
      %mul3A_64 = arith.constant 16 : i32
      %mul3A_65 = arith.muli %mul3A_64, %add3A_63 : i32
      %add3A_66 = arith.addi %arg1, %mul3A_65 : i32
      %lt3A_67 = arith.constant 625 : i32
      %lt3A_68 = arith.cmpi slt, %add3A_66, %lt3A_67 : i32
      %convert_element_type3A_69 = arith.extui %lt3A_68 : i1 to i32
      %cond3A_70 = arith.constant 0 : i32
      %cond3A_71 = arith.cmpi ne, %convert_element_type3A_69, %cond3A_70 : i32
      scf.if %cond3A_71 {
        %mul3A_139 = arith.constant 1250 : i32
        %mul3A_140 = arith.muli %arg0, %mul3A_139 : i32
        %mul3A_141 = arith.constant 16 : i32
        %mul3A_142 = arith.muli %mul3A_141, %add3A_63 : i32
        %add3A_143 = arith.addi %arg1, %mul3A_142 : i32
        %mul3A_144 = arith.constant 2 : i32
        %mul3A_145 = arith.muli %mul3A_144, %add3A_143 : i32
        %add3A_146 = arith.addi %mul3A_140, %mul3A_145 : i32
        %dma_start3A = arith.constant 0 : i32
        %dma_start3A_147 = tpu.memref_slice %arg2[%add3A_146, %dma_start3A] : memref<2500x128xi32, #tpu.memory_space<hbm>> -> memref<2x128xi32, #tpu.memory_space<hbm>>
        %dma_start3A_148 = arith.constant 0 : i32
        %dma_start3A_149 = tpu.memref_slice %arg2[%add3A_146, %dma_start3A_148] : memref<2500x128xi32, #tpu.memory_space<hbm>> -> memref<2x128xi32, #tpu.memory_space<hbm>>
        tpu.enqueue_dma source(%dma_start3A_149 : memref<2x128xi32, #tpu.memory_space<hbm>>) target(%arg14 : memref<2x128xi32, #tpu.memory_space<vmem>>) target_semaphore(%arg21 : memref<!tpu.dma_semaphore, #tpu.memory_space<semaphore_mem>>)
        %dma_start3A_150 = arith.constant 0 : i32
        %dma_start3A_151 = arith.constant 0 : i32
        %dma_start3A_152 = tpu.memref_slice %arg10[%dma_start3A_150, %dma_start3A_151] : memref<4x128xi32, #tpu.memory_space<vmem>> -> memref<2x128xi32, #tpu.memory_space<vmem>>
        %dma_start3A_153 = arith.constant 0 : i32
        %dma_start3A_154 = tpu.memref_slice %arg3[%add3A_146, %dma_start3A_153] : memref<2500x128xi32, #tpu.memory_space<hbm>> -> memref<2x128xi32, #tpu.memory_space<hbm>>
        %dma_start3A_155 = arith.constant 0 : i32
        %dma_start3A_156 = arith.constant 0 : i32
        %dma_start3A_157 = tpu.memref_slice %arg10[%dma_start3A_155, %dma_start3A_156] : memref<4x128xi32, #tpu.memory_space<vmem>> -> memref<2x128xi32, #tpu.memory_space<vmem>>
        %dma_start3A_158 = arith.constant 0 : i32
        %dma_start3A_159 = tpu.memref_slice %arg3[%add3A_146, %dma_start3A_158] : memref<2500x128xi32, #tpu.memory_space<hbm>> -> memref<2x128xi32, #tpu.memory_space<hbm>>
        tpu.enqueue_dma source(%dma_start3A_159 : memref<2x128xi32, #tpu.memory_space<hbm>>) target(%dma_start3A_157 : memref<2x128xi32, #tpu.memory_space<vmem>>) target_semaphore(%arg21 : memref<!tpu.dma_semaphore, #tpu.memory_space<semaphore_mem>>)
        %dma_start3A_160 = arith.constant 0 : i32
        %dma_start3A_161 = arith.constant 0 : i32
        %dma_start3A_162 = tpu.memref_slice %arg12[%dma_start3A_160, %dma_start3A_161] : memref<4x128xf32, #tpu.memory_space<vmem>> -> memref<2x128xf32, #tpu.memory_space<vmem>>
        %dma_start3A_163 = arith.constant 0 : i32
        %dma_start3A_164 = tpu.memref_slice %arg4[%add3A_146, %dma_start3A_163] : memref<2500x128xf32, #tpu.memory_space<hbm>> -> memref<2x128xf32, #tpu.memory_space<hbm>>
        %dma_start3A_165 = arith.constant 0 : i32
        %dma_start3A_166 = arith.constant 0 : i32
        %dma_start3A_167 = tpu.memref_slice %arg12[%dma_start3A_165, %dma_start3A_166] : memref<4x128xf32, #tpu.memory_space<vmem>> -> memref<2x128xf32, #tpu.memory_space<vmem>>
        %dma_start3A_168 = arith.constant 0 : i32
        %dma_start3A_169 = tpu.memref_slice %arg4[%add3A_146, %dma_start3A_168] : memref<2500x128xf32, #tpu.memory_space<hbm>> -> memref<2x128xf32, #tpu.memory_space<hbm>>
        tpu.enqueue_dma source(%dma_start3A_169 : memref<2x128xf32, #tpu.memory_space<hbm>>) target(%dma_start3A_167 : memref<2x128xf32, #tpu.memory_space<vmem>>) target_semaphore(%arg21 : memref<!tpu.dma_semaphore, #tpu.memory_space<semaphore_mem>>)
      } else {
      }
      %mul3A_72 = arith.constant 16 : i32
      %mul3A_73 = arith.muli %mul3A_72, %add3A_43 : i32
      %add3A_74 = arith.addi %arg1, %mul3A_73 : i32
      %lt3A_75 = arith.constant 625 : i32
      %lt3A_76 = arith.cmpi slt, %add3A_74, %lt3A_75 : i32
      %convert_element_type3A_77 = arith.extui %lt3A_76 : i1 to i32
      %cond3A_78 = arith.constant 0 : i32
      %cond3A_79 = arith.cmpi ne, %convert_element_type3A_77, %cond3A_78 : i32
      scf.if %cond3A_79 {
        %get3A = arith.constant 0 : i32
        %get3A_139 = arith.index_cast %get3A : i32 to index
        %get3A_140 = arith.constant 0 : index
        %get3A_141 = tpu.vector_load %arg13[%get3A_139, %get3A_140] {strides = array<i32>} : memref<2x128xi32, #tpu.memory_space<vmem>>, vector<16xi32>,
        %gather3A = tpu.vector_load_idx %arg19[%get3A_141] : memref<10240xf32, #tpu.memory_space<vmem>>[vector<16xi32>], vector<16xf32>,
        %get3A_142 = arith.constant 0 : i32
        %get3A_143 = arith.index_cast %get3A_142 : i32 to index
        %get3A_144 = arith.constant 0 : index
        %get3A_145 = tpu.vector_load %arg9[%get3A_143, %get3A_144] {strides = array<i32>} : memref<4x128xi32, #tpu.memory_space<vmem>>, vector<16xi32>,
        %gather3A_146 = tpu.vector_load_idx %arg19[%get3A_145] : memref<10240xf32, #tpu.memory_space<vmem>>[vector<16xi32>], vector<16xf32>,
        %get3A_147 = arith.constant 0 : i32
        %get3A_148 = arith.index_cast %get3A_147 : i32 to index
        %get3A_149 = arith.constant 0 : index
        %get3A_150 = tpu.vector_load %arg11[%get3A_148, %get3A_149] {strides = array<i32>} : memref<4x128xf32, #tpu.memory_space<vmem>>, vector<16xf32>,
        %mul3A_151 = arith.mulf %gather3A, %get3A_150 : vector<16xf32>
        %mul3A_152 = arith.mulf %mul3A_151, %gather3A_146 : vector<16xf32>
        %swap3A = arith.constant 0 : i32
        %swap3A_153 = arith.index_cast %swap3A : i32 to index
        %swap3A_154 = arith.constant 0 : index
        %swap3A_155 = tpu.vector_load %arg15[%swap3A_153, %swap3A_154] {strides = array<i32>} : memref<2x128xf32, #tpu.memory_space<vmem>>, vector<16xf32>,
        tpu.vector_store %arg15[%swap3A_153, %swap3A_154], %mul3A_152 {strides = array<i32>} : memref<2x128xf32, #tpu.memory_space<vmem>>, vector<16xf32>,
        %get3A_156 = arith.constant 0 : i32
        %get3A_157 = arith.index_cast %get3A_156 : i32 to index
        %get3A_158 = arith.constant 16 : index
        %get3A_159 = tpu.vector_load %arg13[%get3A_157, %get3A_158] {strides = array<i32>} : memref<2x128xi32, #tpu.memory_space<vmem>>, vector<16xi32>,
        %gather3A_160 = tpu.vector_load_idx %arg19[%get3A_159] : memref<10240xf32, #tpu.memory_space<vmem>>[vector<16xi32>], vector<16xf32>,
        %get3A_161 = arith.constant 0 : i32
        %get3A_162 = arith.index_cast %get3A_161 : i32 to index
        %get3A_163 = arith.constant 16 : index
        %get3A_164 = tpu.vector_load %arg9[%get3A_162, %get3A_163] {strides = array<i32>} : memref<4x128xi32, #tpu.memory_space<vmem>>, vector<16xi32>,
        %gather3A_165 = tpu.vector_load_idx %arg19[%get3A_164] : memref<10240xf32, #tpu.memory_space<vmem>>[vector<16xi32>], vector<16xf32>,
        %get3A_166 = arith.constant 0 : i32
        %get3A_167 = arith.index_cast %get3A_166 : i32 to index
        %get3A_168 = arith.constant 16 : index
        %get3A_169 = tpu.vector_load %arg11[%get3A_167, %get3A_168] {strides = array<i32>} : memref<4x128xf32, #tpu.memory_space<vmem>>, vector<16xf32>,
        %mul3A_170 = arith.mulf %gather3A_160, %get3A_169 : vector<16xf32>
        %mul3A_171 = arith.mulf %mul3A_170, %gather3A_165 : vector<16xf32>
        %swap3A_172 = arith.constant 0 : i32
        %swap3A_173 = arith.index_cast %swap3A_172 : i32 to index
        %swap3A_174 = arith.constant 16 : index
        %swap3A_175 = tpu.vector_load %arg15[%swap3A_173, %swap3A_174] {strides = array<i32>} : memref<2x128xf32, #tpu.memory_space<vmem>>, vector<16xf32>,
        tpu.vector_store %arg15[%swap3A_173, %swap3A_174], %mul3A_171 {strides = array<i32>} : memref<2x128xf32, #tpu.memory_space<vmem>>, vector<16xf32>,
        %get3A_176 = arith.constant 0 : i32
        %get3A_177 = arith.index_cast %get3A_176 : i32 to index
        %get3A_178 = arith.constant 32 : index
        %get3A_179 = tpu.vector_load %arg13[%get3A_177, %get3A_178] {strides = array<i32>} : memref<2x128xi32, #tpu.memory_space<vmem>>, vector<16xi32>,
        %gather3A_180 = tpu.vector_load_idx %arg19[%get3A_179] : memref<10240xf32, #tpu.memory_space<vmem>>[vector<16xi32>], vector<16xf32>,
        %get3A_181 = arith.constant 0 : i32
        %get3A_182 = arith.index_cast %get3A_181 : i32 to index
        %get3A_183 = arith.constant 32 : index
        %get3A_184 = tpu.vector_load %arg9[%get3A_182, %get3A_183] {strides = array<i32>} : memref<4x128xi32, #tpu.memory_space<vmem>>, vector<16xi32>,
        %gather3A_185 = tpu.vector_load_idx %arg19[%get3A_184] : memref<10240xf32, #tpu.memory_space<vmem>>[vector<16xi32>], vector<16xf32>,
        %get3A_186 = arith.constant 0 : i32
        %get3A_187 = arith.index_cast %get3A_186 : i32 to index
        %get3A_188 = arith.constant 32 : index
        %get3A_189 = tpu.vector_load %arg11[%get3A_187, %get3A_188] {strides = array<i32>} : memref<4x128xf32, #tpu.memory_space<vmem>>, vector<16xf32>,
        %mul3A_190 = arith.mulf %gather3A_180, %get3A_189 : vector<16xf32>
        %mul3A_191 = arith.mulf %mul3A_190, %gather3A_185 : vector<16xf32>
        %swap3A_192 = arith.constant 0 : i32
        %swap3A_193 = arith.index_cast %swap3A_192 : i32 to index
        %swap3A_194 = arith.constant 32 : index
        %swap3A_195 = tpu.vector_load %arg15[%swap3A_193, %swap3A_194] {strides = array<i32>} : memref<2x128xf32, #tpu.memory_space<vmem>>, vector<16xf32>,
        tpu.vector_store %arg15[%swap3A_193, %swap3A_194], %mul3A_191 {strides = array<i32>} : memref<2x128xf32, #tpu.memory_space<vmem>>, vector<16xf32>,
        %get3A_196 = arith.constant 0 : i32
        %get3A_197 = arith.index_cast %get3A_196 : i32 to index
        %get3A_198 = arith.constant 48 : index
        %get3A_199 = tpu.vector_load %arg13[%get3A_197, %get3A_198] {strides = array<i32>} : memref<2x128xi32, #tpu.memory_space<vmem>>, vector<16xi32>,
        %gather3A_200 = tpu.vector_load_idx %arg19[%get3A_199] : memref<10240xf32, #tpu.memory_space<vmem>>[vector<16xi32>], vector<16xf32>,
        %get3A_201 = arith.constant 0 : i32
        %get3A_202 = arith.index_cast %get3A_201 : i32 to index
        %get3A_203 = arith.constant 48 : index
        %get3A_204 = tpu.vector_load %arg9[%get3A_202, %get3A_203] {strides = array<i32>} : memref<4x128xi32, #tpu.memory_space<vmem>>, vector<16xi32>,
        %gather3A_205 = tpu.vector_load_idx %arg19[%get3A_204] : memref<10240xf32, #tpu.memory_space<vmem>>[vector<16xi32>], vector<16xf32>,
        %get3A_206 = arith.constant 0 : i32
        %get3A_207 = arith.index_cast %get3A_206 : i32 to index
        %get3A_208 = arith.constant 48 : index
        %get3A_209 = tpu.vector_load %arg11[%get3A_207, %get3A_208] {strides = array<i32>} : memref<4x128xf32, #tpu.memory_space<vmem>>, vector<16xf32>,
        %mul3A_210 = arith.mulf %gather3A_200, %get3A_209 : vector<16xf32>
        %mul3A_211 = arith.mulf %mul3A_210, %gather3A_205 : vector<16xf32>
        %swap3A_212 = arith.constant 0 : i32
        %swap3A_213 = arith.index_cast %swap3A_212 : i32 to index
        %swap3A_214 = arith.constant 48 : index
        %swap3A_215 = tpu.vector_load %arg15[%swap3A_213, %swap3A_214] {strides = array<i32>} : memref<2x128xf32, #tpu.memory_space<vmem>>, vector<16xf32>,
        tpu.vector_store %arg15[%swap3A_213, %swap3A_214], %mul3A_211 {strides = array<i32>} : memref<2x128xf32, #tpu.memory_space<vmem>>, vector<16xf32>,
        %get3A_216 = arith.constant 0 : i32
        %get3A_217 = arith.index_cast %get3A_216 : i32 to index
        %get3A_218 = arith.constant 64 : index
        %get3A_219 = tpu.vector_load %arg13[%get3A_217, %get3A_218] {strides = array<i32>} : memref<2x128xi32, #tpu.memory_space<vmem>>, vector<16xi32>,
        %gather3A_220 = tpu.vector_load_idx %arg19[%get3A_219] : memref<10240xf32, #tpu.memory_space<vmem>>[vector<16xi32>], vector<16xf32>,
        %get3A_221 = arith.constant 0 : i32
        %get3A_222 = arith.index_cast %get3A_221 : i32 to index
        %get3A_223 = arith.constant 64 : index
        %get3A_224 = tpu.vector_load %arg9[%get3A_222, %get3A_223] {strides = array<i32>} : memref<4x128xi32, #tpu.memory_space<vmem>>, vector<16xi32>,
        %gather3A_225 = tpu.vector_load_idx %arg19[%get3A_224] : memref<10240xf32, #tpu.memory_space<vmem>>[vector<16xi32>], vector<16xf32>,
        %get3A_226 = arith.constant 0 : i32
        %get3A_227 = arith.index_cast %get3A_226 : i32 to index
        %get3A_228 = arith.constant 64 : index
        %get3A_229 = tpu.vector_load %arg11[%get3A_227, %get3A_228] {strides = array<i32>} : memref<4x128xf32, #tpu.memory_space<vmem>>, vector<16xf32>,
        %mul3A_230 = arith.mulf %gather3A_220, %get3A_229 : vector<16xf32>
        %mul3A_231 = arith.mulf %mul3A_230, %gather3A_225 : vector<16xf32>
        %swap3A_232 = arith.constant 0 : i32
        %swap3A_233 = arith.index_cast %swap3A_232 : i32 to index
        %swap3A_234 = arith.constant 64 : index
        %swap3A_235 = tpu.vector_load %arg15[%swap3A_233, %swap3A_234] {strides = array<i32>} : memref<2x128xf32, #tpu.memory_space<vmem>>, vector<16xf32>,
        tpu.vector_store %arg15[%swap3A_233, %swap3A_234], %mul3A_231 {strides = array<i32>} : memref<2x128xf32, #tpu.memory_space<vmem>>, vector<16xf32>,
        %get3A_236 = arith.constant 0 : i32
        %get3A_237 = arith.index_cast %get3A_236 : i32 to index
        %get3A_238 = arith.constant 80 : index
        %get3A_239 = tpu.vector_load %arg13[%get3A_237, %get3A_238] {strides = array<i32>} : memref<2x128xi32, #tpu.memory_space<vmem>>, vector<16xi32>,
        %gather3A_240 = tpu.vector_load_idx %arg19[%get3A_239] : memref<10240xf32, #tpu.memory_space<vmem>>[vector<16xi32>], vector<16xf32>,
        %get3A_241 = arith.constant 0 : i32
        %get3A_242 = arith.index_cast %get3A_241 : i32 to index
        %get3A_243 = arith.constant 80 : index
        %get3A_244 = tpu.vector_load %arg9[%get3A_242, %get3A_243] {strides = array<i32>} : memref<4x128xi32, #tpu.memory_space<vmem>>, vector<16xi32>,
        %gather3A_245 = tpu.vector_load_idx %arg19[%get3A_244] : memref<10240xf32, #tpu.memory_space<vmem>>[vector<16xi32>], vector<16xf32>,
        %get3A_246 = arith.constant 0 : i32
        %get3A_247 = arith.index_cast %get3A_246 : i32 to index
        %get3A_248 = arith.constant 80 : index
        %get3A_249 = tpu.vector_load %arg11[%get3A_247, %get3A_248] {strides = array<i32>} : memref<4x128xf32, #tpu.memory_space<vmem>>, vector<16xf32>,
        %mul3A_250 = arith.mulf %gather3A_240, %get3A_249 : vector<16xf32>
        %mul3A_251 = arith.mulf %mul3A_250, %gather3A_245 : vector<16xf32>
        %swap3A_252 = arith.constant 0 : i32
        %swap3A_253 = arith.index_cast %swap3A_252 : i32 to index
        %swap3A_254 = arith.constant 80 : index
        %swap3A_255 = tpu.vector_load %arg15[%swap3A_253, %swap3A_254] {strides = array<i32>} : memref<2x128xf32, #tpu.memory_space<vmem>>, vector<16xf32>,
        tpu.vector_store %arg15[%swap3A_253, %swap3A_254], %mul3A_251 {strides = array<i32>} : memref<2x128xf32, #tpu.memory_space<vmem>>, vector<16xf32>,
        %get3A_256 = arith.constant 0 : i32
        %get3A_257 = arith.index_cast %get3A_256 : i32 to index
        %get3A_258 = arith.constant 96 : index
        %get3A_259 = tpu.vector_load %arg13[%get3A_257, %get3A_258] {strides = array<i32>} : memref<2x128xi32, #tpu.memory_space<vmem>>, vector<16xi32>,
        %gather3A_260 = tpu.vector_load_idx %arg19[%get3A_259] : memref<10240xf32, #tpu.memory_space<vmem>>[vector<16xi32>], vector<16xf32>,
        %get3A_261 = arith.constant 0 : i32
        %get3A_262 = arith.index_cast %get3A_261 : i32 to index
        %get3A_263 = arith.constant 96 : index
        %get3A_264 = tpu.vector_load %arg9[%get3A_262, %get3A_263] {strides = array<i32>} : memref<4x128xi32, #tpu.memory_space<vmem>>, vector<16xi32>,
        %gather3A_265 = tpu.vector_load_idx %arg19[%get3A_264] : memref<10240xf32, #tpu.memory_space<vmem>>[vector<16xi32>], vector<16xf32>,
        %get3A_266 = arith.constant 0 : i32
        %get3A_267 = arith.index_cast %get3A_266 : i32 to index
        %get3A_268 = arith.constant 96 : index
        %get3A_269 = tpu.vector_load %arg11[%get3A_267, %get3A_268] {strides = array<i32>} : memref<4x128xf32, #tpu.memory_space<vmem>>, vector<16xf32>,
        %mul3A_270 = arith.mulf %gather3A_260, %get3A_269 : vector<16xf32>
        %mul3A_271 = arith.mulf %mul3A_270, %gather3A_265 : vector<16xf32>
        %swap3A_272 = arith.constant 0 : i32
        %swap3A_273 = arith.index_cast %swap3A_272 : i32 to index
        %swap3A_274 = arith.constant 96 : index
        %swap3A_275 = tpu.vector_load %arg15[%swap3A_273, %swap3A_274] {strides = array<i32>} : memref<2x128xf32, #tpu.memory_space<vmem>>, vector<16xf32>,
        tpu.vector_store %arg15[%swap3A_273, %swap3A_274], %mul3A_271 {strides = array<i32>} : memref<2x128xf32, #tpu.memory_space<vmem>>, vector<16xf32>,
        %get3A_276 = arith.constant 0 : i32
        %get3A_277 = arith.index_cast %get3A_276 : i32 to index
        %get3A_278 = arith.constant 112 : index
        %get3A_279 = tpu.vector_load %arg13[%get3A_277, %get3A_278] {strides = array<i32>} : memref<2x128xi32, #tpu.memory_space<vmem>>, vector<16xi32>,
        %gather3A_280 = tpu.vector_load_idx %arg19[%get3A_279] : memref<10240xf32, #tpu.memory_space<vmem>>[vector<16xi32>], vector<16xf32>,
        %get3A_281 = arith.constant 0 : i32
        %get3A_282 = arith.index_cast %get3A_281 : i32 to index
        %get3A_283 = arith.constant 112 : index
        %get3A_284 = tpu.vector_load %arg9[%get3A_282, %get3A_283] {strides = array<i32>} : memref<4x128xi32, #tpu.memory_space<vmem>>, vector<16xi32>,
        %gather3A_285 = tpu.vector_load_idx %arg19[%get3A_284] : memref<10240xf32, #tpu.memory_space<vmem>>[vector<16xi32>], vector<16xf32>,
        %get3A_286 = arith.constant 0 : i32
        %get3A_287 = arith.index_cast %get3A_286 : i32 to index
        %get3A_288 = arith.constant 112 : index
        %get3A_289 = tpu.vector_load %arg11[%get3A_287, %get3A_288] {strides = array<i32>} : memref<4x128xf32, #tpu.memory_space<vmem>>, vector<16xf32>,
        %mul3A_290 = arith.mulf %gather3A_280, %get3A_289 : vector<16xf32>
        %mul3A_291 = arith.mulf %mul3A_290, %gather3A_285 : vector<16xf32>
        %swap3A_292 = arith.constant 0 : i32
        %swap3A_293 = arith.index_cast %swap3A_292 : i32 to index
        %swap3A_294 = arith.constant 112 : index
        %swap3A_295 = tpu.vector_load %arg15[%swap3A_293, %swap3A_294] {strides = array<i32>} : memref<2x128xf32, #tpu.memory_space<vmem>>, vector<16xf32>,
        tpu.vector_store %arg15[%swap3A_293, %swap3A_294], %mul3A_291 {strides = array<i32>} : memref<2x128xf32, #tpu.memory_space<vmem>>, vector<16xf32>,
        %get3A_296 = arith.constant 1 : i32
        %get3A_297 = arith.index_cast %get3A_296 : i32 to index
        %get3A_298 = arith.constant 0 : index
        %get3A_299 = tpu.vector_load %arg13[%get3A_297, %get3A_298] {strides = array<i32>} : memref<2x128xi32, #tpu.memory_space<vmem>>, vector<16xi32>,
        %gather3A_300 = tpu.vector_load_idx %arg19[%get3A_299] : memref<10240xf32, #tpu.memory_space<vmem>>[vector<16xi32>], vector<16xf32>,
        %get3A_301 = arith.constant 1 : i32
        %get3A_302 = arith.index_cast %get3A_301 : i32 to index
        %get3A_303 = arith.constant 0 : index
        %get3A_304 = tpu.vector_load %arg9[%get3A_302, %get3A_303] {strides = array<i32>} : memref<4x128xi32, #tpu.memory_space<vmem>>, vector<16xi32>,
        %gather3A_305 = tpu.vector_load_idx %arg19[%get3A_304] : memref<10240xf32, #tpu.memory_space<vmem>>[vector<16xi32>], vector<16xf32>,
        %get3A_306 = arith.constant 1 : i32
        %get3A_307 = arith.index_cast %get3A_306 : i32 to index
        %get3A_308 = arith.constant 0 : index
        %get3A_309 = tpu.vector_load %arg11[%get3A_307, %get3A_308] {strides = array<i32>} : memref<4x128xf32, #tpu.memory_space<vmem>>, vector<16xf32>,
        %mul3A_310 = arith.mulf %gather3A_300, %get3A_309 : vector<16xf32>
        %mul3A_311 = arith.mulf %mul3A_310, %gather3A_305 : vector<16xf32>
        %swap3A_312 = arith.constant 1 : i32
        %swap3A_313 = arith.index_cast %swap3A_312 : i32 to index
        %swap3A_314 = arith.constant 0 : index
        %swap3A_315 = tpu.vector_load %arg15[%swap3A_313, %swap3A_314] {strides = array<i32>} : memref<2x128xf32, #tpu.memory_space<vmem>>, vector<16xf32>,
        tpu.vector_store %arg15[%swap3A_313, %swap3A_314], %mul3A_311 {strides = array<i32>} : memref<2x128xf32, #tpu.memory_space<vmem>>, vector<16xf32>,
        %get3A_316 = arith.constant 1 : i32
        %get3A_317 = arith.index_cast %get3A_316 : i32 to index
        %get3A_318 = arith.constant 16 : index
        %get3A_319 = tpu.vector_load %arg13[%get3A_317, %get3A_318] {strides = array<i32>} : memref<2x128xi32, #tpu.memory_space<vmem>>, vector<16xi32>,
        %gather3A_320 = tpu.vector_load_idx %arg19[%get3A_319] : memref<10240xf32, #tpu.memory_space<vmem>>[vector<16xi32>], vector<16xf32>,
        %get3A_321 = arith.constant 1 : i32
        %get3A_322 = arith.index_cast %get3A_321 : i32 to index
        %get3A_323 = arith.constant 16 : index
        %get3A_324 = tpu.vector_load %arg9[%get3A_322, %get3A_323] {strides = array<i32>} : memref<4x128xi32, #tpu.memory_space<vmem>>, vector<16xi32>,
        %gather3A_325 = tpu.vector_load_idx %arg19[%get3A_324] : memref<10240xf32, #tpu.memory_space<vmem>>[vector<16xi32>], vector<16xf32>,
        %get3A_326 = arith.constant 1 : i32
        %get3A_327 = arith.index_cast %get3A_326 : i32 to index
        %get3A_328 = arith.constant 16 : index
        %get3A_329 = tpu.vector_load %arg11[%get3A_327, %get3A_328] {strides = array<i32>} : memref<4x128xf32, #tpu.memory_space<vmem>>, vector<16xf32>,
        %mul3A_330 = arith.mulf %gather3A_320, %get3A_329 : vector<16xf32>
        %mul3A_331 = arith.mulf %mul3A_330, %gather3A_325 : vector<16xf32>
        %swap3A_332 = arith.constant 1 : i32
        %swap3A_333 = arith.index_cast %swap3A_332 : i32 to index
        %swap3A_334 = arith.constant 16 : index
        %swap3A_335 = tpu.vector_load %arg15[%swap3A_333, %swap3A_334] {strides = array<i32>} : memref<2x128xf32, #tpu.memory_space<vmem>>, vector<16xf32>,
        tpu.vector_store %arg15[%swap3A_333, %swap3A_334], %mul3A_331 {strides = array<i32>} : memref<2x128xf32, #tpu.memory_space<vmem>>, vector<16xf32>,
        %get3A_336 = arith.constant 1 : i32
        %get3A_337 = arith.index_cast %get3A_336 : i32 to index
        %get3A_338 = arith.constant 32 : index
        %get3A_339 = tpu.vector_load %arg13[%get3A_337, %get3A_338] {strides = array<i32>} : memref<2x128xi32, #tpu.memory_space<vmem>>, vector<16xi32>,
        %gather3A_340 = tpu.vector_load_idx %arg19[%get3A_339] : memref<10240xf32, #tpu.memory_space<vmem>>[vector<16xi32>], vector<16xf32>,
        %get3A_341 = arith.constant 1 : i32
        %get3A_342 = arith.index_cast %get3A_341 : i32 to index
        %get3A_343 = arith.constant 32 : index
        %get3A_344 = tpu.vector_load %arg9[%get3A_342, %get3A_343] {strides = array<i32>} : memref<4x128xi32, #tpu.memory_space<vmem>>, vector<16xi32>,
        %gather3A_345 = tpu.vector_load_idx %arg19[%get3A_344] : memref<10240xf32, #tpu.memory_space<vmem>>[vector<16xi32>], vector<16xf32>,
        %get3A_346 = arith.constant 1 : i32
        %get3A_347 = arith.index_cast %get3A_346 : i32 to index
        %get3A_348 = arith.constant 32 : index
        %get3A_349 = tpu.vector_load %arg11[%get3A_347, %get3A_348] {strides = array<i32>} : memref<4x128xf32, #tpu.memory_space<vmem>>, vector<16xf32>,
        %mul3A_350 = arith.mulf %gather3A_340, %get3A_349 : vector<16xf32>
        %mul3A_351 = arith.mulf %mul3A_350, %gather3A_345 : vector<16xf32>
        %swap3A_352 = arith.constant 1 : i32
        %swap3A_353 = arith.index_cast %swap3A_352 : i32 to index
        %swap3A_354 = arith.constant 32 : index
        %swap3A_355 = tpu.vector_load %arg15[%swap3A_353, %swap3A_354] {strides = array<i32>} : memref<2x128xf32, #tpu.memory_space<vmem>>, vector<16xf32>,
        tpu.vector_store %arg15[%swap3A_353, %swap3A_354], %mul3A_351 {strides = array<i32>} : memref<2x128xf32, #tpu.memory_space<vmem>>, vector<16xf32>,
        %get3A_356 = arith.constant 1 : i32
        %get3A_357 = arith.index_cast %get3A_356 : i32 to index
        %get3A_358 = arith.constant 48 : index
        %get3A_359 = tpu.vector_load %arg13[%get3A_357, %get3A_358] {strides = array<i32>} : memref<2x128xi32, #tpu.memory_space<vmem>>, vector<16xi32>,
        %gather3A_360 = tpu.vector_load_idx %arg19[%get3A_359] : memref<10240xf32, #tpu.memory_space<vmem>>[vector<16xi32>], vector<16xf32>,
        %get3A_361 = arith.constant 1 : i32
        %get3A_362 = arith.index_cast %get3A_361 : i32 to index
        %get3A_363 = arith.constant 48 : index
        %get3A_364 = tpu.vector_load %arg9[%get3A_362, %get3A_363] {strides = array<i32>} : memref<4x128xi32, #tpu.memory_space<vmem>>, vector<16xi32>,
        %gather3A_365 = tpu.vector_load_idx %arg19[%get3A_364] : memref<10240xf32, #tpu.memory_space<vmem>>[vector<16xi32>], vector<16xf32>,
        %get3A_366 = arith.constant 1 : i32
        %get3A_367 = arith.index_cast %get3A_366 : i32 to index
        %get3A_368 = arith.constant 48 : index
        %get3A_369 = tpu.vector_load %arg11[%get3A_367, %get3A_368] {strides = array<i32>} : memref<4x128xf32, #tpu.memory_space<vmem>>, vector<16xf32>,
        %mul3A_370 = arith.mulf %gather3A_360, %get3A_369 : vector<16xf32>
        %mul3A_371 = arith.mulf %mul3A_370, %gather3A_365 : vector<16xf32>
        %swap3A_372 = arith.constant 1 : i32
        %swap3A_373 = arith.index_cast %swap3A_372 : i32 to index
        %swap3A_374 = arith.constant 48 : index
        %swap3A_375 = tpu.vector_load %arg15[%swap3A_373, %swap3A_374] {strides = array<i32>} : memref<2x128xf32, #tpu.memory_space<vmem>>, vector<16xf32>,
        tpu.vector_store %arg15[%swap3A_373, %swap3A_374], %mul3A_371 {strides = array<i32>} : memref<2x128xf32, #tpu.memory_space<vmem>>, vector<16xf32>,
        %get3A_376 = arith.constant 1 : i32
        %get3A_377 = arith.index_cast %get3A_376 : i32 to index
        %get3A_378 = arith.constant 64 : index
        %get3A_379 = tpu.vector_load %arg13[%get3A_377, %get3A_378] {strides = array<i32>} : memref<2x128xi32, #tpu.memory_space<vmem>>, vector<16xi32>,
        %gather3A_380 = tpu.vector_load_idx %arg19[%get3A_379] : memref<10240xf32, #tpu.memory_space<vmem>>[vector<16xi32>], vector<16xf32>,
        %get3A_381 = arith.constant 1 : i32
        %get3A_382 = arith.index_cast %get3A_381 : i32 to index
        %get3A_383 = arith.constant 64 : index
        %get3A_384 = tpu.vector_load %arg9[%get3A_382, %get3A_383] {strides = array<i32>} : memref<4x128xi32, #tpu.memory_space<vmem>>, vector<16xi32>,
        %gather3A_385 = tpu.vector_load_idx %arg19[%get3A_384] : memref<10240xf32, #tpu.memory_space<vmem>>[vector<16xi32>], vector<16xf32>,
        %get3A_386 = arith.constant 1 : i32
        %get3A_387 = arith.index_cast %get3A_386 : i32 to index
        %get3A_388 = arith.constant 64 : index
        %get3A_389 = tpu.vector_load %arg11[%get3A_387, %get3A_388] {strides = array<i32>} : memref<4x128xf32, #tpu.memory_space<vmem>>, vector<16xf32>,
        %mul3A_390 = arith.mulf %gather3A_380, %get3A_389 : vector<16xf32>
        %mul3A_391 = arith.mulf %mul3A_390, %gather3A_385 : vector<16xf32>
        %swap3A_392 = arith.constant 1 : i32
        %swap3A_393 = arith.index_cast %swap3A_392 : i32 to index
        %swap3A_394 = arith.constant 64 : index
        %swap3A_395 = tpu.vector_load %arg15[%swap3A_393, %swap3A_394] {strides = array<i32>} : memref<2x128xf32, #tpu.memory_space<vmem>>, vector<16xf32>,
        tpu.vector_store %arg15[%swap3A_393, %swap3A_394], %mul3A_391 {strides = array<i32>} : memref<2x128xf32, #tpu.memory_space<vmem>>, vector<16xf32>,
        %get3A_396 = arith.constant 1 : i32
        %get3A_397 = arith.index_cast %get3A_396 : i32 to index
        %get3A_398 = arith.constant 80 : index
        %get3A_399 = tpu.vector_load %arg13[%get3A_397, %get3A_398] {strides = array<i32>} : memref<2x128xi32, #tpu.memory_space<vmem>>, vector<16xi32>,
        %gather3A_400 = tpu.vector_load_idx %arg19[%get3A_399] : memref<10240xf32, #tpu.memory_space<vmem>>[vector<16xi32>], vector<16xf32>,
        %get3A_401 = arith.constant 1 : i32
        %get3A_402 = arith.index_cast %get3A_401 : i32 to index
        %get3A_403 = arith.constant 80 : index
        %get3A_404 = tpu.vector_load %arg9[%get3A_402, %get3A_403] {strides = array<i32>} : memref<4x128xi32, #tpu.memory_space<vmem>>, vector<16xi32>,
        %gather3A_405 = tpu.vector_load_idx %arg19[%get3A_404] : memref<10240xf32, #tpu.memory_space<vmem>>[vector<16xi32>], vector<16xf32>,
        %get3A_406 = arith.constant 1 : i32
        %get3A_407 = arith.index_cast %get3A_406 : i32 to index
        %get3A_408 = arith.constant 80 : index
        %get3A_409 = tpu.vector_load %arg11[%get3A_407, %get3A_408] {strides = array<i32>} : memref<4x128xf32, #tpu.memory_space<vmem>>, vector<16xf32>,
        %mul3A_410 = arith.mulf %gather3A_400, %get3A_409 : vector<16xf32>
        %mul3A_411 = arith.mulf %mul3A_410, %gather3A_405 : vector<16xf32>
        %swap3A_412 = arith.constant 1 : i32
        %swap3A_413 = arith.index_cast %swap3A_412 : i32 to index
        %swap3A_414 = arith.constant 80 : index
        %swap3A_415 = tpu.vector_load %arg15[%swap3A_413, %swap3A_414] {strides = array<i32>} : memref<2x128xf32, #tpu.memory_space<vmem>>, vector<16xf32>,
        tpu.vector_store %arg15[%swap3A_413, %swap3A_414], %mul3A_411 {strides = array<i32>} : memref<2x128xf32, #tpu.memory_space<vmem>>, vector<16xf32>,
        %get3A_416 = arith.constant 1 : i32
        %get3A_417 = arith.index_cast %get3A_416 : i32 to index
        %get3A_418 = arith.constant 96 : index
        %get3A_419 = tpu.vector_load %arg13[%get3A_417, %get3A_418] {strides = array<i32>} : memref<2x128xi32, #tpu.memory_space<vmem>>, vector<16xi32>,
        %gather3A_420 = tpu.vector_load_idx %arg19[%get3A_419] : memref<10240xf32, #tpu.memory_space<vmem>>[vector<16xi32>], vector<16xf32>,
        %get3A_421 = arith.constant 1 : i32
        %get3A_422 = arith.index_cast %get3A_421 : i32 to index
        %get3A_423 = arith.constant 96 : index
        %get3A_424 = tpu.vector_load %arg9[%get3A_422, %get3A_423] {strides = array<i32>} : memref<4x128xi32, #tpu.memory_space<vmem>>, vector<16xi32>,
        %gather3A_425 = tpu.vector_load_idx %arg19[%get3A_424] : memref<10240xf32, #tpu.memory_space<vmem>>[vector<16xi32>], vector<16xf32>,
        %get3A_426 = arith.constant 1 : i32
        %get3A_427 = arith.index_cast %get3A_426 : i32 to index
        %get3A_428 = arith.constant 96 : index
        %get3A_429 = tpu.vector_load %arg11[%get3A_427, %get3A_428] {strides = array<i32>} : memref<4x128xf32, #tpu.memory_space<vmem>>, vector<16xf32>,
        %mul3A_430 = arith.mulf %gather3A_420, %get3A_429 : vector<16xf32>
        %mul3A_431 = arith.mulf %mul3A_430, %gather3A_425 : vector<16xf32>
        %swap3A_432 = arith.constant 1 : i32
        %swap3A_433 = arith.index_cast %swap3A_432 : i32 to index
        %swap3A_434 = arith.constant 96 : index
        %swap3A_435 = tpu.vector_load %arg15[%swap3A_433, %swap3A_434] {strides = array<i32>} : memref<2x128xf32, #tpu.memory_space<vmem>>, vector<16xf32>,
        tpu.vector_store %arg15[%swap3A_433, %swap3A_434], %mul3A_431 {strides = array<i32>} : memref<2x128xf32, #tpu.memory_space<vmem>>, vector<16xf32>,
        %get3A_436 = arith.constant 1 : i32
        %get3A_437 = arith.index_cast %get3A_436 : i32 to index
        %get3A_438 = arith.constant 112 : index
        %get3A_439 = tpu.vector_load %arg13[%get3A_437, %get3A_438] {strides = array<i32>} : memref<2x128xi32, #tpu.memory_space<vmem>>, vector<16xi32>,
        %gather3A_440 = tpu.vector_load_idx %arg19[%get3A_439] : memref<10240xf32, #tpu.memory_space<vmem>>[vector<16xi32>], vector<16xf32>,
        %get3A_441 = arith.constant 1 : i32
        %get3A_442 = arith.index_cast %get3A_441 : i32 to index
        %get3A_443 = arith.constant 112 : index
        %get3A_444 = tpu.vector_load %arg9[%get3A_442, %get3A_443] {strides = array<i32>} : memref<4x128xi32, #tpu.memory_space<vmem>>, vector<16xi32>,
        %gather3A_445 = tpu.vector_load_idx %arg19[%get3A_444] : memref<10240xf32, #tpu.memory_space<vmem>>[vector<16xi32>], vector<16xf32>,
        %get3A_446 = arith.constant 1 : i32
        %get3A_447 = arith.index_cast %get3A_446 : i32 to index
        %get3A_448 = arith.constant 112 : index
        %get3A_449 = tpu.vector_load %arg11[%get3A_447, %get3A_448] {strides = array<i32>} : memref<4x128xf32, #tpu.memory_space<vmem>>, vector<16xf32>,
        %mul3A_450 = arith.mulf %gather3A_440, %get3A_449 : vector<16xf32>
        %mul3A_451 = arith.mulf %mul3A_450, %gather3A_445 : vector<16xf32>
        %swap3A_452 = arith.constant 1 : i32
        %swap3A_453 = arith.index_cast %swap3A_452 : i32 to index
        %swap3A_454 = arith.constant 112 : index
        %swap3A_455 = tpu.vector_load %arg15[%swap3A_453, %swap3A_454] {strides = array<i32>} : memref<2x128xf32, #tpu.memory_space<vmem>>, vector<16xf32>,
        tpu.vector_store %arg15[%swap3A_453, %swap3A_454], %mul3A_451 {strides = array<i32>} : memref<2x128xf32, #tpu.memory_space<vmem>>, vector<16xf32>,
      } else {
      }
      %mul3A_80 = arith.constant 16 : i32
      %mul3A_81 = arith.muli %mul3A_80, %add3A_43 : i32
      %add3A_82 = arith.addi %arg1, %mul3A_81 : i32
      %lt3A_83 = arith.constant 625 : i32
      %lt3A_84 = arith.cmpi slt, %add3A_82, %lt3A_83 : i32
      %convert_element_type3A_85 = arith.extui %lt3A_84 : i1 to i32
      %cond3A_86 = arith.constant 0 : i32
      %cond3A_87 = arith.cmpi ne, %convert_element_type3A_85, %cond3A_86 : i32
      scf.if %cond3A_87 {
        %mul3A_139 = arith.constant 1250 : i32
        %mul3A_140 = arith.muli %arg0, %mul3A_139 : i32
        %mul3A_141 = arith.constant 16 : i32
        %mul3A_142 = arith.muli %mul3A_141, %add3A_43 : i32
        %add3A_143 = arith.addi %arg1, %mul3A_142 : i32
        %mul3A_144 = arith.constant 2 : i32
        %mul3A_145 = arith.muli %mul3A_144, %add3A_143 : i32
        %add3A_146 = arith.addi %mul3A_140, %mul3A_145 : i32
        %dma_start3A = arith.constant 0 : i32
        %dma_start3A_147 = tpu.memref_slice %arg5[%add3A_146, %dma_start3A] : memref<2500x128xf32, #tpu.memory_space<hbm>> -> memref<2x128xf32, #tpu.memory_space<hbm>>
        %dma_start3A_148 = arith.constant 0 : i32
        %dma_start3A_149 = tpu.memref_slice %arg5[%add3A_146, %dma_start3A_148] : memref<2500x128xf32, #tpu.memory_space<hbm>> -> memref<2x128xf32, #tpu.memory_space<hbm>>
        tpu.enqueue_dma source(%arg15 : memref<2x128xf32, #tpu.memory_space<vmem>>) target(%dma_start3A_149 : memref<2x128xf32, #tpu.memory_space<hbm>>) target_semaphore(%arg24 : memref<!tpu.dma_semaphore, #tpu.memory_space<semaphore_mem>>)
      } else {
      }
      %mul3A_88 = arith.constant 2 : i32
      %mul3A_89 = arith.muli %add3A_39, %mul3A_88 : i32
      %add3A_90 = arith.constant 1 : i32
      %add3A_91 = arith.addi %mul3A_89, %add3A_90 : i32
      %sub3A_92 = arith.constant 2 : i32
      %sub3A_93 = arith.subi %add3A_91, %sub3A_92 : i32
      %ge3A_94 = arith.constant 0 : i32
      %ge3A_95 = arith.cmpi sge, %sub3A_93, %ge3A_94 : i32
      %mul3A_96 = arith.constant 16 : i32
      %mul3A_97 = arith.muli %mul3A_96, %sub3A_93 : i32
      %add3A_98 = arith.addi %arg1, %mul3A_97 : i32
      %lt3A_99 = arith.constant 625 : i32
      %lt3A_100 = arith.cmpi slt, %add3A_98, %lt3A_99 : i32
      %and3A_101 = arith.andi %ge3A_95, %lt3A_100 : i1
      %convert_element_type3A_102 = arith.extui %and3A_101 : i1 to i32
      %cond3A_103 = arith.constant 0 : i32
      %cond3A_104 = arith.cmpi ne, %convert_element_type3A_102, %cond3A_103 : i32
      scf.if %cond3A_104 {
        %dma_wait3A = arith.constant 0 : i32
        %dma_wait3A_139 = arith.constant 0 : i32
        %dma_wait3A_140 = tpu.memref_slice %arg5[%dma_wait3A, %dma_wait3A_139] : memref<2500x128xf32, #tpu.memory_space<hbm>> -> memref<2x128xf32, #tpu.memory_space<hbm>>
        %dma_wait3A_141 = arith.constant 0 : i32
        %dma_wait3A_142 = arith.constant 0 : i32
        %dma_wait3A_143 = tpu.memref_slice %arg5[%dma_wait3A_141, %dma_wait3A_142] : memref<2500x128xf32, #tpu.memory_space<hbm>> -> memref<2x128xf32, #tpu.memory_space<hbm>>
        tpu.wait_dma2 semaphore(%arg25 : memref<!tpu.dma_semaphore, #tpu.memory_space<semaphore_mem>>) src(%arg16 : memref<2x128xf32, #tpu.memory_space<vmem>>) dst(%dma_wait3A_143 : memref<2x128xf32, #tpu.memory_space<hbm>>)
      } else {
      }
      %mul3A_105 = arith.constant 16 : i32
      %mul3A_106 = arith.muli %mul3A_105, %add3A_91 : i32
      %add3A_107 = arith.addi %arg1, %mul3A_106 : i32
      %lt3A_108 = arith.constant 625 : i32
      %lt3A_109 = arith.cmpi slt, %add3A_107, %lt3A_108 : i32
      %convert_element_type3A_110 = arith.extui %lt3A_109 : i1 to i32
      %cond3A_111 = arith.constant 0 : i32
      %cond3A_112 = arith.cmpi ne, %convert_element_type3A_110, %cond3A_111 : i32
      scf.if %cond3A_112 {
        %mul3A_139 = arith.constant 1250 : i32
        %mul3A_140 = arith.muli %arg0, %mul3A_139 : i32
        %mul3A_141 = arith.constant 16 : i32
        %mul3A_142 = arith.muli %mul3A_141, %add3A_91 : i32
        %add3A_143 = arith.addi %arg1, %mul3A_142 : i32
        %mul3A_144 = arith.constant 2 : i32
        %mul3A_145 = arith.muli %mul3A_144, %add3A_143 : i32
        %add3A_146 = arith.addi %mul3A_140, %mul3A_145 : i32
        %dma_wait3A = arith.constant 0 : i32
        %dma_wait3A_147 = tpu.memref_slice %arg2[%add3A_146, %dma_wait3A] : memref<2500x128xi32, #tpu.memory_space<hbm>> -> memref<2x128xi32, #tpu.memory_space<hbm>>
        %dma_wait3A_148 = arith.constant 0 : i32
        %dma_wait3A_149 = tpu.memref_slice %arg2[%add3A_146, %dma_wait3A_148] : memref<2500x128xi32, #tpu.memory_space<hbm>> -> memref<2x128xi32, #tpu.memory_space<hbm>>
        tpu.wait_dma2 semaphore(%arg21 : memref<!tpu.dma_semaphore, #tpu.memory_space<semaphore_mem>>) src(%dma_wait3A_149 : memref<2x128xi32, #tpu.memory_space<hbm>>) dst(%arg14 : memref<2x128xi32, #tpu.memory_space<vmem>>)
        %dma_wait3A_150 = arith.constant 0 : i32
        %dma_wait3A_151 = arith.constant 0 : i32
        %dma_wait3A_152 = tpu.memref_slice %arg10[%dma_wait3A_150, %dma_wait3A_151] : memref<4x128xi32, #tpu.memory_space<vmem>> -> memref<2x128xi32, #tpu.memory_space<vmem>>
        %dma_wait3A_153 = arith.constant 0 : i32
        %dma_wait3A_154 = tpu.memref_slice %arg3[%add3A_146, %dma_wait3A_153] : memref<2500x128xi32, #tpu.memory_space<hbm>> -> memref<2x128xi32, #tpu.memory_space<hbm>>
        %dma_wait3A_155 = arith.constant 0 : i32
        %dma_wait3A_156 = arith.constant 0 : i32
        %dma_wait3A_157 = tpu.memref_slice %arg10[%dma_wait3A_155, %dma_wait3A_156] : memref<4x128xi32, #tpu.memory_space<vmem>> -> memref<2x128xi32, #tpu.memory_space<vmem>>
        %dma_wait3A_158 = arith.constant 0 : i32
        %dma_wait3A_159 = tpu.memref_slice %arg3[%add3A_146, %dma_wait3A_158] : memref<2500x128xi32, #tpu.memory_space<hbm>> -> memref<2x128xi32, #tpu.memory_space<hbm>>
        tpu.wait_dma2 semaphore(%arg21 : memref<!tpu.dma_semaphore, #tpu.memory_space<semaphore_mem>>) src(%dma_wait3A_159 : memref<2x128xi32, #tpu.memory_space<hbm>>) dst(%dma_wait3A_157 : memref<2x128xi32, #tpu.memory_space<vmem>>)
        %dma_wait3A_160 = arith.constant 0 : i32
        %dma_wait3A_161 = arith.constant 0 : i32
        %dma_wait3A_162 = tpu.memref_slice %arg12[%dma_wait3A_160, %dma_wait3A_161] : memref<4x128xf32, #tpu.memory_space<vmem>> -> memref<2x128xf32, #tpu.memory_space<vmem>>
        %dma_wait3A_163 = arith.constant 0 : i32
        %dma_wait3A_164 = tpu.memref_slice %arg4[%add3A_146, %dma_wait3A_163] : memref<2500x128xf32, #tpu.memory_space<hbm>> -> memref<2x128xf32, #tpu.memory_space<hbm>>
        %dma_wait3A_165 = arith.constant 0 : i32
        %dma_wait3A_166 = arith.constant 0 : i32
        %dma_wait3A_167 = tpu.memref_slice %arg12[%dma_wait3A_165, %dma_wait3A_166] : memref<4x128xf32, #tpu.memory_space<vmem>> -> memref<2x128xf32, #tpu.memory_space<vmem>>
        %dma_wait3A_168 = arith.constant 0 : i32
        %dma_wait3A_169 = tpu.memref_slice %arg4[%add3A_146, %dma_wait3A_168] : memref<2500x128xf32, #tpu.memory_space<hbm>> -> memref<2x128xf32, #tpu.memory_space<hbm>>
        tpu.wait_dma2 semaphore(%arg21 : memref<!tpu.dma_semaphore, #tpu.memory_space<semaphore_mem>>) src(%dma_wait3A_169 : memref<2x128xf32, #tpu.memory_space<hbm>>) dst(%dma_wait3A_167 : memref<2x128xf32, #tpu.memory_space<vmem>>)
      } else {
      }
      %add3A_113 = arith.constant 1 : i32
      %add3A_114 = arith.addi %add3A_91, %add3A_113 : i32
      %mul3A_115 = arith.constant 16 : i32
      %mul3A_116 = arith.muli %mul3A_115, %add3A_114 : i32
      %add3A_117 = arith.addi %arg1, %mul3A_116 : i32
      %lt3A_118 = arith.constant 625 : i32
      %lt3A_119 = arith.cmpi slt, %add3A_117, %lt3A_118 : i32
      %convert_element_type3A_120 = arith.extui %lt3A_119 : i1 to i32
      %cond3A_121 = arith.constant 0 : i32
      %cond3A_122 = arith.cmpi ne, %convert_element_type3A_120, %cond3A_121 : i32
      scf.if %cond3A_122 {
        %mul3A_139 = arith.constant 1250 : i32
        %mul3A_140 = arith.muli %arg0, %mul3A_139 : i32
        %mul3A_141 = arith.constant 16 : i32
        %mul3A_142 = arith.muli %mul3A_141, %add3A_114 : i32
        %add3A_143 = arith.addi %arg1, %mul3A_142 : i32
        %mul3A_144 = arith.constant 2 : i32
        %mul3A_145 = arith.muli %mul3A_144, %add3A_143 : i32
        %add3A_146 = arith.addi %mul3A_140, %mul3A_145 : i32
        %dma_start3A = arith.constant 0 : i32
        %dma_start3A_147 = tpu.memref_slice %arg2[%add3A_146, %dma_start3A] : memref<2500x128xi32, #tpu.memory_space<hbm>> -> memref<2x128xi32, #tpu.memory_space<hbm>>
        %dma_start3A_148 = arith.constant 0 : i32
        %dma_start3A_149 = tpu.memref_slice %arg2[%add3A_146, %dma_start3A_148] : memref<2500x128xi32, #tpu.memory_space<hbm>> -> memref<2x128xi32, #tpu.memory_space<hbm>>
        tpu.enqueue_dma source(%dma_start3A_149 : memref<2x128xi32, #tpu.memory_space<hbm>>) target(%arg13 : memref<2x128xi32, #tpu.memory_space<vmem>>) target_semaphore(%arg20 : memref<!tpu.dma_semaphore, #tpu.memory_space<semaphore_mem>>)
        %dma_start3A_150 = arith.constant 0 : i32
        %dma_start3A_151 = arith.constant 0 : i32
        %dma_start3A_152 = tpu.memref_slice %arg9[%dma_start3A_150, %dma_start3A_151] : memref<4x128xi32, #tpu.memory_space<vmem>> -> memref<2x128xi32, #tpu.memory_space<vmem>>
        %dma_start3A_153 = arith.constant 0 : i32
        %dma_start3A_154 = tpu.memref_slice %arg3[%add3A_146, %dma_start3A_153] : memref<2500x128xi32, #tpu.memory_space<hbm>> -> memref<2x128xi32, #tpu.memory_space<hbm>>
        %dma_start3A_155 = arith.constant 0 : i32
        %dma_start3A_156 = arith.constant 0 : i32
        %dma_start3A_157 = tpu.memref_slice %arg9[%dma_start3A_155, %dma_start3A_156] : memref<4x128xi32, #tpu.memory_space<vmem>> -> memref<2x128xi32, #tpu.memory_space<vmem>>
        %dma_start3A_158 = arith.constant 0 : i32
        %dma_start3A_159 = tpu.memref_slice %arg3[%add3A_146, %dma_start3A_158] : memref<2500x128xi32, #tpu.memory_space<hbm>> -> memref<2x128xi32, #tpu.memory_space<hbm>>
        tpu.enqueue_dma source(%dma_start3A_159 : memref<2x128xi32, #tpu.memory_space<hbm>>) target(%dma_start3A_157 : memref<2x128xi32, #tpu.memory_space<vmem>>) target_semaphore(%arg20 : memref<!tpu.dma_semaphore, #tpu.memory_space<semaphore_mem>>)
        %dma_start3A_160 = arith.constant 0 : i32
        %dma_start3A_161 = arith.constant 0 : i32
        %dma_start3A_162 = tpu.memref_slice %arg11[%dma_start3A_160, %dma_start3A_161] : memref<4x128xf32, #tpu.memory_space<vmem>> -> memref<2x128xf32, #tpu.memory_space<vmem>>
        %dma_start3A_163 = arith.constant 0 : i32
        %dma_start3A_164 = tpu.memref_slice %arg4[%add3A_146, %dma_start3A_163] : memref<2500x128xf32, #tpu.memory_space<hbm>> -> memref<2x128xf32, #tpu.memory_space<hbm>>
        %dma_start3A_165 = arith.constant 0 : i32
        %dma_start3A_166 = arith.constant 0 : i32
        %dma_start3A_167 = tpu.memref_slice %arg11[%dma_start3A_165, %dma_start3A_166] : memref<4x128xf32, #tpu.memory_space<vmem>> -> memref<2x128xf32, #tpu.memory_space<vmem>>
        %dma_start3A_168 = arith.constant 0 : i32
        %dma_start3A_169 = tpu.memref_slice %arg4[%add3A_146, %dma_start3A_168] : memref<2500x128xf32, #tpu.memory_space<hbm>> -> memref<2x128xf32, #tpu.memory_space<hbm>>
        tpu.enqueue_dma source(%dma_start3A_169 : memref<2x128xf32, #tpu.memory_space<hbm>>) target(%dma_start3A_167 : memref<2x128xf32, #tpu.memory_space<vmem>>) target_semaphore(%arg20 : memref<!tpu.dma_semaphore, #tpu.memory_space<semaphore_mem>>)
      } else {
      }
      %mul3A_123 = arith.constant 16 : i32
      %mul3A_124 = arith.muli %mul3A_123, %add3A_91 : i32
      %add3A_125 = arith.addi %arg1, %mul3A_124 : i32
      %lt3A_126 = arith.constant 625 : i32
      %lt3A_127 = arith.cmpi slt, %add3A_125, %lt3A_126 : i32
      %convert_element_type3A_128 = arith.extui %lt3A_127 : i1 to i32
      %cond3A_129 = arith.constant 0 : i32
      %cond3A_130 = arith.cmpi ne, %convert_element_type3A_128, %cond3A_129 : i32
      scf.if %cond3A_130 {
        %get3A = arith.constant 0 : i32
        %get3A_139 = arith.index_cast %get3A : i32 to index
        %get3A_140 = arith.constant 0 : index
        %get3A_141 = tpu.vector_load %arg14[%get3A_139, %get3A_140] {strides = array<i32>} : memref<2x128xi32, #tpu.memory_space<vmem>>, vector<16xi32>,
        %gather3A = tpu.vector_load_idx %arg19[%get3A_141] : memref<10240xf32, #tpu.memory_space<vmem>>[vector<16xi32>], vector<16xf32>,
        %get3A_142 = arith.constant 0 : i32
        %get3A_143 = arith.index_cast %get3A_142 : i32 to index
        %get3A_144 = arith.constant 0 : index
        %get3A_145 = tpu.vector_load %arg10[%get3A_143, %get3A_144] {strides = array<i32>} : memref<4x128xi32, #tpu.memory_space<vmem>>, vector<16xi32>,
        %gather3A_146 = tpu.vector_load_idx %arg19[%get3A_145] : memref<10240xf32, #tpu.memory_space<vmem>>[vector<16xi32>], vector<16xf32>,
        %get3A_147 = arith.constant 0 : i32
        %get3A_148 = arith.index_cast %get3A_147 : i32 to index
        %get3A_149 = arith.constant 0 : index
        %get3A_150 = tpu.vector_load %arg12[%get3A_148, %get3A_149] {strides = array<i32>} : memref<4x128xf32, #tpu.memory_space<vmem>>, vector<16xf32>,
        %mul3A_151 = arith.mulf %gather3A, %get3A_150 : vector<16xf32>
        %mul3A_152 = arith.mulf %mul3A_151, %gather3A_146 : vector<16xf32>
        %swap3A = arith.constant 0 : i32
        %swap3A_153 = arith.index_cast %swap3A : i32 to index
        %swap3A_154 = arith.constant 0 : index
        %swap3A_155 = tpu.vector_load %arg16[%swap3A_153, %swap3A_154] {strides = array<i32>} : memref<2x128xf32, #tpu.memory_space<vmem>>, vector<16xf32>,
        tpu.vector_store %arg16[%swap3A_153, %swap3A_154], %mul3A_152 {strides = array<i32>} : memref<2x128xf32, #tpu.memory_space<vmem>>, vector<16xf32>,
        %get3A_156 = arith.constant 0 : i32
        %get3A_157 = arith.index_cast %get3A_156 : i32 to index
        %get3A_158 = arith.constant 16 : index
        %get3A_159 = tpu.vector_load %arg14[%get3A_157, %get3A_158] {strides = array<i32>} : memref<2x128xi32, #tpu.memory_space<vmem>>, vector<16xi32>,
        %gather3A_160 = tpu.vector_load_idx %arg19[%get3A_159] : memref<10240xf32, #tpu.memory_space<vmem>>[vector<16xi32>], vector<16xf32>,
        %get3A_161 = arith.constant 0 : i32
        %get3A_162 = arith.index_cast %get3A_161 : i32 to index
        %get3A_163 = arith.constant 16 : index
        %get3A_164 = tpu.vector_load %arg10[%get3A_162, %get3A_163] {strides = array<i32>} : memref<4x128xi32, #tpu.memory_space<vmem>>, vector<16xi32>,
        %gather3A_165 = tpu.vector_load_idx %arg19[%get3A_164] : memref<10240xf32, #tpu.memory_space<vmem>>[vector<16xi32>], vector<16xf32>,
        %get3A_166 = arith.constant 0 : i32
        %get3A_167 = arith.index_cast %get3A_166 : i32 to index
        %get3A_168 = arith.constant 16 : index
        %get3A_169 = tpu.vector_load %arg12[%get3A_167, %get3A_168] {strides = array<i32>} : memref<4x128xf32, #tpu.memory_space<vmem>>, vector<16xf32>,
        %mul3A_170 = arith.mulf %gather3A_160, %get3A_169 : vector<16xf32>
        %mul3A_171 = arith.mulf %mul3A_170, %gather3A_165 : vector<16xf32>
        %swap3A_172 = arith.constant 0 : i32
        %swap3A_173 = arith.index_cast %swap3A_172 : i32 to index
        %swap3A_174 = arith.constant 16 : index
        %swap3A_175 = tpu.vector_load %arg16[%swap3A_173, %swap3A_174] {strides = array<i32>} : memref<2x128xf32, #tpu.memory_space<vmem>>, vector<16xf32>,
        tpu.vector_store %arg16[%swap3A_173, %swap3A_174], %mul3A_171 {strides = array<i32>} : memref<2x128xf32, #tpu.memory_space<vmem>>, vector<16xf32>,
        %get3A_176 = arith.constant 0 : i32
        %get3A_177 = arith.index_cast %get3A_176 : i32 to index
        %get3A_178 = arith.constant 32 : index
        %get3A_179 = tpu.vector_load %arg14[%get3A_177, %get3A_178] {strides = array<i32>} : memref<2x128xi32, #tpu.memory_space<vmem>>, vector<16xi32>,
        %gather3A_180 = tpu.vector_load_idx %arg19[%get3A_179] : memref<10240xf32, #tpu.memory_space<vmem>>[vector<16xi32>], vector<16xf32>,
        %get3A_181 = arith.constant 0 : i32
        %get3A_182 = arith.index_cast %get3A_181 : i32 to index
        %get3A_183 = arith.constant 32 : index
        %get3A_184 = tpu.vector_load %arg10[%get3A_182, %get3A_183] {strides = array<i32>} : memref<4x128xi32, #tpu.memory_space<vmem>>, vector<16xi32>,
        %gather3A_185 = tpu.vector_load_idx %arg19[%get3A_184] : memref<10240xf32, #tpu.memory_space<vmem>>[vector<16xi32>], vector<16xf32>,
        %get3A_186 = arith.constant 0 : i32
        %get3A_187 = arith.index_cast %get3A_186 : i32 to index
        %get3A_188 = arith.constant 32 : index
        %get3A_189 = tpu.vector_load %arg12[%get3A_187, %get3A_188] {strides = array<i32>} : memref<4x128xf32, #tpu.memory_space<vmem>>, vector<16xf32>,
        %mul3A_190 = arith.mulf %gather3A_180, %get3A_189 : vector<16xf32>
        %mul3A_191 = arith.mulf %mul3A_190, %gather3A_185 : vector<16xf32>
        %swap3A_192 = arith.constant 0 : i32
        %swap3A_193 = arith.index_cast %swap3A_192 : i32 to index
        %swap3A_194 = arith.constant 32 : index
        %swap3A_195 = tpu.vector_load %arg16[%swap3A_193, %swap3A_194] {strides = array<i32>} : memref<2x128xf32, #tpu.memory_space<vmem>>, vector<16xf32>,
        tpu.vector_store %arg16[%swap3A_193, %swap3A_194], %mul3A_191 {strides = array<i32>} : memref<2x128xf32, #tpu.memory_space<vmem>>, vector<16xf32>,
        %get3A_196 = arith.constant 0 : i32
        %get3A_197 = arith.index_cast %get3A_196 : i32 to index
        %get3A_198 = arith.constant 48 : index
        %get3A_199 = tpu.vector_load %arg14[%get3A_197, %get3A_198] {strides = array<i32>} : memref<2x128xi32, #tpu.memory_space<vmem>>, vector<16xi32>,
        %gather3A_200 = tpu.vector_load_idx %arg19[%get3A_199] : memref<10240xf32, #tpu.memory_space<vmem>>[vector<16xi32>], vector<16xf32>,
        %get3A_201 = arith.constant 0 : i32
        %get3A_202 = arith.index_cast %get3A_201 : i32 to index
        %get3A_203 = arith.constant 48 : index
        %get3A_204 = tpu.vector_load %arg10[%get3A_202, %get3A_203] {strides = array<i32>} : memref<4x128xi32, #tpu.memory_space<vmem>>, vector<16xi32>,
        %gather3A_205 = tpu.vector_load_idx %arg19[%get3A_204] : memref<10240xf32, #tpu.memory_space<vmem>>[vector<16xi32>], vector<16xf32>,
        %get3A_206 = arith.constant 0 : i32
        %get3A_207 = arith.index_cast %get3A_206 : i32 to index
        %get3A_208 = arith.constant 48 : index
        %get3A_209 = tpu.vector_load %arg12[%get3A_207, %get3A_208] {strides = array<i32>} : memref<4x128xf32, #tpu.memory_space<vmem>>, vector<16xf32>,
        %mul3A_210 = arith.mulf %gather3A_200, %get3A_209 : vector<16xf32>
        %mul3A_211 = arith.mulf %mul3A_210, %gather3A_205 : vector<16xf32>
        %swap3A_212 = arith.constant 0 : i32
        %swap3A_213 = arith.index_cast %swap3A_212 : i32 to index
        %swap3A_214 = arith.constant 48 : index
        %swap3A_215 = tpu.vector_load %arg16[%swap3A_213, %swap3A_214] {strides = array<i32>} : memref<2x128xf32, #tpu.memory_space<vmem>>, vector<16xf32>,
        tpu.vector_store %arg16[%swap3A_213, %swap3A_214], %mul3A_211 {strides = array<i32>} : memref<2x128xf32, #tpu.memory_space<vmem>>, vector<16xf32>,
        %get3A_216 = arith.constant 0 : i32
        %get3A_217 = arith.index_cast %get3A_216 : i32 to index
        %get3A_218 = arith.constant 64 : index
        %get3A_219 = tpu.vector_load %arg14[%get3A_217, %get3A_218] {strides = array<i32>} : memref<2x128xi32, #tpu.memory_space<vmem>>, vector<16xi32>,
        %gather3A_220 = tpu.vector_load_idx %arg19[%get3A_219] : memref<10240xf32, #tpu.memory_space<vmem>>[vector<16xi32>], vector<16xf32>,
        %get3A_221 = arith.constant 0 : i32
        %get3A_222 = arith.index_cast %get3A_221 : i32 to index
        %get3A_223 = arith.constant 64 : index
        %get3A_224 = tpu.vector_load %arg10[%get3A_222, %get3A_223] {strides = array<i32>} : memref<4x128xi32, #tpu.memory_space<vmem>>, vector<16xi32>,
        %gather3A_225 = tpu.vector_load_idx %arg19[%get3A_224] : memref<10240xf32, #tpu.memory_space<vmem>>[vector<16xi32>], vector<16xf32>,
        %get3A_226 = arith.constant 0 : i32
        %get3A_227 = arith.index_cast %get3A_226 : i32 to index
        %get3A_228 = arith.constant 64 : index
        %get3A_229 = tpu.vector_load %arg12[%get3A_227, %get3A_228] {strides = array<i32>} : memref<4x128xf32, #tpu.memory_space<vmem>>, vector<16xf32>,
        %mul3A_230 = arith.mulf %gather3A_220, %get3A_229 : vector<16xf32>
        %mul3A_231 = arith.mulf %mul3A_230, %gather3A_225 : vector<16xf32>
        %swap3A_232 = arith.constant 0 : i32
        %swap3A_233 = arith.index_cast %swap3A_232 : i32 to index
        %swap3A_234 = arith.constant 64 : index
        %swap3A_235 = tpu.vector_load %arg16[%swap3A_233, %swap3A_234] {strides = array<i32>} : memref<2x128xf32, #tpu.memory_space<vmem>>, vector<16xf32>,
        tpu.vector_store %arg16[%swap3A_233, %swap3A_234], %mul3A_231 {strides = array<i32>} : memref<2x128xf32, #tpu.memory_space<vmem>>, vector<16xf32>,
        %get3A_236 = arith.constant 0 : i32
        %get3A_237 = arith.index_cast %get3A_236 : i32 to index
        %get3A_238 = arith.constant 80 : index
        %get3A_239 = tpu.vector_load %arg14[%get3A_237, %get3A_238] {strides = array<i32>} : memref<2x128xi32, #tpu.memory_space<vmem>>, vector<16xi32>,
        %gather3A_240 = tpu.vector_load_idx %arg19[%get3A_239] : memref<10240xf32, #tpu.memory_space<vmem>>[vector<16xi32>], vector<16xf32>,
        %get3A_241 = arith.constant 0 : i32
        %get3A_242 = arith.index_cast %get3A_241 : i32 to index
        %get3A_243 = arith.constant 80 : index
        %get3A_244 = tpu.vector_load %arg10[%get3A_242, %get3A_243] {strides = array<i32>} : memref<4x128xi32, #tpu.memory_space<vmem>>, vector<16xi32>,
        %gather3A_245 = tpu.vector_load_idx %arg19[%get3A_244] : memref<10240xf32, #tpu.memory_space<vmem>>[vector<16xi32>], vector<16xf32>,
        %get3A_246 = arith.constant 0 : i32
        %get3A_247 = arith.index_cast %get3A_246 : i32 to index
        %get3A_248 = arith.constant 80 : index
        %get3A_249 = tpu.vector_load %arg12[%get3A_247, %get3A_248] {strides = array<i32>} : memref<4x128xf32, #tpu.memory_space<vmem>>, vector<16xf32>,
        %mul3A_250 = arith.mulf %gather3A_240, %get3A_249 : vector<16xf32>
        %mul3A_251 = arith.mulf %mul3A_250, %gather3A_245 : vector<16xf32>
        %swap3A_252 = arith.constant 0 : i32
        %swap3A_253 = arith.index_cast %swap3A_252 : i32 to index
        %swap3A_254 = arith.constant 80 : index
        %swap3A_255 = tpu.vector_load %arg16[%swap3A_253, %swap3A_254] {strides = array<i32>} : memref<2x128xf32, #tpu.memory_space<vmem>>, vector<16xf32>,
        tpu.vector_store %arg16[%swap3A_253, %swap3A_254], %mul3A_251 {strides = array<i32>} : memref<2x128xf32, #tpu.memory_space<vmem>>, vector<16xf32>,
        %get3A_256 = arith.constant 0 : i32
        %get3A_257 = arith.index_cast %get3A_256 : i32 to index
        %get3A_258 = arith.constant 96 : index
        %get3A_259 = tpu.vector_load %arg14[%get3A_257, %get3A_258] {strides = array<i32>} : memref<2x128xi32, #tpu.memory_space<vmem>>, vector<16xi32>,
        %gather3A_260 = tpu.vector_load_idx %arg19[%get3A_259] : memref<10240xf32, #tpu.memory_space<vmem>>[vector<16xi32>], vector<16xf32>,
        %get3A_261 = arith.constant 0 : i32
        %get3A_262 = arith.index_cast %get3A_261 : i32 to index
        %get3A_263 = arith.constant 96 : index
        %get3A_264 = tpu.vector_load %arg10[%get3A_262, %get3A_263] {strides = array<i32>} : memref<4x128xi32, #tpu.memory_space<vmem>>, vector<16xi32>,
        %gather3A_265 = tpu.vector_load_idx %arg19[%get3A_264] : memref<10240xf32, #tpu.memory_space<vmem>>[vector<16xi32>], vector<16xf32>,
        %get3A_266 = arith.constant 0 : i32
        %get3A_267 = arith.index_cast %get3A_266 : i32 to index
        %get3A_268 = arith.constant 96 : index
        %get3A_269 = tpu.vector_load %arg12[%get3A_267, %get3A_268] {strides = array<i32>} : memref<4x128xf32, #tpu.memory_space<vmem>>, vector<16xf32>,
        %mul3A_270 = arith.mulf %gather3A_260, %get3A_269 : vector<16xf32>
        %mul3A_271 = arith.mulf %mul3A_270, %gather3A_265 : vector<16xf32>
        %swap3A_272 = arith.constant 0 : i32
        %swap3A_273 = arith.index_cast %swap3A_272 : i32 to index
        %swap3A_274 = arith.constant 96 : index
        %swap3A_275 = tpu.vector_load %arg16[%swap3A_273, %swap3A_274] {strides = array<i32>} : memref<2x128xf32, #tpu.memory_space<vmem>>, vector<16xf32>,
        tpu.vector_store %arg16[%swap3A_273, %swap3A_274], %mul3A_271 {strides = array<i32>} : memref<2x128xf32, #tpu.memory_space<vmem>>, vector<16xf32>,
        %get3A_276 = arith.constant 0 : i32
        %get3A_277 = arith.index_cast %get3A_276 : i32 to index
        %get3A_278 = arith.constant 112 : index
        %get3A_279 = tpu.vector_load %arg14[%get3A_277, %get3A_278] {strides = array<i32>} : memref<2x128xi32, #tpu.memory_space<vmem>>, vector<16xi32>,
        %gather3A_280 = tpu.vector_load_idx %arg19[%get3A_279] : memref<10240xf32, #tpu.memory_space<vmem>>[vector<16xi32>], vector<16xf32>,
        %get3A_281 = arith.constant 0 : i32
        %get3A_282 = arith.index_cast %get3A_281 : i32 to index
        %get3A_283 = arith.constant 112 : index
        %get3A_284 = tpu.vector_load %arg10[%get3A_282, %get3A_283] {strides = array<i32>} : memref<4x128xi32, #tpu.memory_space<vmem>>, vector<16xi32>,
        %gather3A_285 = tpu.vector_load_idx %arg19[%get3A_284] : memref<10240xf32, #tpu.memory_space<vmem>>[vector<16xi32>], vector<16xf32>,
        %get3A_286 = arith.constant 0 : i32
        %get3A_287 = arith.index_cast %get3A_286 : i32 to index
        %get3A_288 = arith.constant 112 : index
        %get3A_289 = tpu.vector_load %arg12[%get3A_287, %get3A_288] {strides = array<i32>} : memref<4x128xf32, #tpu.memory_space<vmem>>, vector<16xf32>,
        %mul3A_290 = arith.mulf %gather3A_280, %get3A_289 : vector<16xf32>
        %mul3A_291 = arith.mulf %mul3A_290, %gather3A_285 : vector<16xf32>
        %swap3A_292 = arith.constant 0 : i32
        %swap3A_293 = arith.index_cast %swap3A_292 : i32 to index
        %swap3A_294 = arith.constant 112 : index
        %swap3A_295 = tpu.vector_load %arg16[%swap3A_293, %swap3A_294] {strides = array<i32>} : memref<2x128xf32, #tpu.memory_space<vmem>>, vector<16xf32>,
        tpu.vector_store %arg16[%swap3A_293, %swap3A_294], %mul3A_291 {strides = array<i32>} : memref<2x128xf32, #tpu.memory_space<vmem>>, vector<16xf32>,
        %get3A_296 = arith.constant 1 : i32
        %get3A_297 = arith.index_cast %get3A_296 : i32 to index
        %get3A_298 = arith.constant 0 : index
        %get3A_299 = tpu.vector_load %arg14[%get3A_297, %get3A_298] {strides = array<i32>} : memref<2x128xi32, #tpu.memory_space<vmem>>, vector<16xi32>,
        %gather3A_300 = tpu.vector_load_idx %arg19[%get3A_299] : memref<10240xf32, #tpu.memory_space<vmem>>[vector<16xi32>], vector<16xf32>,
        %get3A_301 = arith.constant 1 : i32
        %get3A_302 = arith.index_cast %get3A_301 : i32 to index
        %get3A_303 = arith.constant 0 : index
        %get3A_304 = tpu.vector_load %arg10[%get3A_302, %get3A_303] {strides = array<i32>} : memref<4x128xi32, #tpu.memory_space<vmem>>, vector<16xi32>,
        %gather3A_305 = tpu.vector_load_idx %arg19[%get3A_304] : memref<10240xf32, #tpu.memory_space<vmem>>[vector<16xi32>], vector<16xf32>,
        %get3A_306 = arith.constant 1 : i32
        %get3A_307 = arith.index_cast %get3A_306 : i32 to index
        %get3A_308 = arith.constant 0 : index
        %get3A_309 = tpu.vector_load %arg12[%get3A_307, %get3A_308] {strides = array<i32>} : memref<4x128xf32, #tpu.memory_space<vmem>>, vector<16xf32>,
        %mul3A_310 = arith.mulf %gather3A_300, %get3A_309 : vector<16xf32>
        %mul3A_311 = arith.mulf %mul3A_310, %gather3A_305 : vector<16xf32>
        %swap3A_312 = arith.constant 1 : i32
        %swap3A_313 = arith.index_cast %swap3A_312 : i32 to index
        %swap3A_314 = arith.constant 0 : index
        %swap3A_315 = tpu.vector_load %arg16[%swap3A_313, %swap3A_314] {strides = array<i32>} : memref<2x128xf32, #tpu.memory_space<vmem>>, vector<16xf32>,
        tpu.vector_store %arg16[%swap3A_313, %swap3A_314], %mul3A_311 {strides = array<i32>} : memref<2x128xf32, #tpu.memory_space<vmem>>, vector<16xf32>,
        %get3A_316 = arith.constant 1 : i32
        %get3A_317 = arith.index_cast %get3A_316 : i32 to index
        %get3A_318 = arith.constant 16 : index
        %get3A_319 = tpu.vector_load %arg14[%get3A_317, %get3A_318] {strides = array<i32>} : memref<2x128xi32, #tpu.memory_space<vmem>>, vector<16xi32>,
        %gather3A_320 = tpu.vector_load_idx %arg19[%get3A_319] : memref<10240xf32, #tpu.memory_space<vmem>>[vector<16xi32>], vector<16xf32>,
        %get3A_321 = arith.constant 1 : i32
        %get3A_322 = arith.index_cast %get3A_321 : i32 to index
        %get3A_323 = arith.constant 16 : index
        %get3A_324 = tpu.vector_load %arg10[%get3A_322, %get3A_323] {strides = array<i32>} : memref<4x128xi32, #tpu.memory_space<vmem>>, vector<16xi32>,
        %gather3A_325 = tpu.vector_load_idx %arg19[%get3A_324] : memref<10240xf32, #tpu.memory_space<vmem>>[vector<16xi32>], vector<16xf32>,
        %get3A_326 = arith.constant 1 : i32
        %get3A_327 = arith.index_cast %get3A_326 : i32 to index
        %get3A_328 = arith.constant 16 : index
        %get3A_329 = tpu.vector_load %arg12[%get3A_327, %get3A_328] {strides = array<i32>} : memref<4x128xf32, #tpu.memory_space<vmem>>, vector<16xf32>,
        %mul3A_330 = arith.mulf %gather3A_320, %get3A_329 : vector<16xf32>
        %mul3A_331 = arith.mulf %mul3A_330, %gather3A_325 : vector<16xf32>
        %swap3A_332 = arith.constant 1 : i32
        %swap3A_333 = arith.index_cast %swap3A_332 : i32 to index
        %swap3A_334 = arith.constant 16 : index
        %swap3A_335 = tpu.vector_load %arg16[%swap3A_333, %swap3A_334] {strides = array<i32>} : memref<2x128xf32, #tpu.memory_space<vmem>>, vector<16xf32>,
        tpu.vector_store %arg16[%swap3A_333, %swap3A_334], %mul3A_331 {strides = array<i32>} : memref<2x128xf32, #tpu.memory_space<vmem>>, vector<16xf32>,
        %get3A_336 = arith.constant 1 : i32
        %get3A_337 = arith.index_cast %get3A_336 : i32 to index
        %get3A_338 = arith.constant 32 : index
        %get3A_339 = tpu.vector_load %arg14[%get3A_337, %get3A_338] {strides = array<i32>} : memref<2x128xi32, #tpu.memory_space<vmem>>, vector<16xi32>,
        %gather3A_340 = tpu.vector_load_idx %arg19[%get3A_339] : memref<10240xf32, #tpu.memory_space<vmem>>[vector<16xi32>], vector<16xf32>,
        %get3A_341 = arith.constant 1 : i32
        %get3A_342 = arith.index_cast %get3A_341 : i32 to index
        %get3A_343 = arith.constant 32 : index
        %get3A_344 = tpu.vector_load %arg10[%get3A_342, %get3A_343] {strides = array<i32>} : memref<4x128xi32, #tpu.memory_space<vmem>>, vector<16xi32>,
        %gather3A_345 = tpu.vector_load_idx %arg19[%get3A_344] : memref<10240xf32, #tpu.memory_space<vmem>>[vector<16xi32>], vector<16xf32>,
        %get3A_346 = arith.constant 1 : i32
        %get3A_347 = arith.index_cast %get3A_346 : i32 to index
        %get3A_348 = arith.constant 32 : index
        %get3A_349 = tpu.vector_load %arg12[%get3A_347, %get3A_348] {strides = array<i32>} : memref<4x128xf32, #tpu.memory_space<vmem>>, vector<16xf32>,
        %mul3A_350 = arith.mulf %gather3A_340, %get3A_349 : vector<16xf32>
        %mul3A_351 = arith.mulf %mul3A_350, %gather3A_345 : vector<16xf32>
        %swap3A_352 = arith.constant 1 : i32
        %swap3A_353 = arith.index_cast %swap3A_352 : i32 to index
        %swap3A_354 = arith.constant 32 : index
        %swap3A_355 = tpu.vector_load %arg16[%swap3A_353, %swap3A_354] {strides = array<i32>} : memref<2x128xf32, #tpu.memory_space<vmem>>, vector<16xf32>,
        tpu.vector_store %arg16[%swap3A_353, %swap3A_354], %mul3A_351 {strides = array<i32>} : memref<2x128xf32, #tpu.memory_space<vmem>>, vector<16xf32>,
        %get3A_356 = arith.constant 1 : i32
        %get3A_357 = arith.index_cast %get3A_356 : i32 to index
        %get3A_358 = arith.constant 48 : index
        %get3A_359 = tpu.vector_load %arg14[%get3A_357, %get3A_358] {strides = array<i32>} : memref<2x128xi32, #tpu.memory_space<vmem>>, vector<16xi32>,
        %gather3A_360 = tpu.vector_load_idx %arg19[%get3A_359] : memref<10240xf32, #tpu.memory_space<vmem>>[vector<16xi32>], vector<16xf32>,
        %get3A_361 = arith.constant 1 : i32
        %get3A_362 = arith.index_cast %get3A_361 : i32 to index
        %get3A_363 = arith.constant 48 : index
        %get3A_364 = tpu.vector_load %arg10[%get3A_362, %get3A_363] {strides = array<i32>} : memref<4x128xi32, #tpu.memory_space<vmem>>, vector<16xi32>,
        %gather3A_365 = tpu.vector_load_idx %arg19[%get3A_364] : memref<10240xf32, #tpu.memory_space<vmem>>[vector<16xi32>], vector<16xf32>,
        %get3A_366 = arith.constant 1 : i32
        %get3A_367 = arith.index_cast %get3A_366 : i32 to index
        %get3A_368 = arith.constant 48 : index
        %get3A_369 = tpu.vector_load %arg12[%get3A_367, %get3A_368] {strides = array<i32>} : memref<4x128xf32, #tpu.memory_space<vmem>>, vector<16xf32>,
        %mul3A_370 = arith.mulf %gather3A_360, %get3A_369 : vector<16xf32>
        %mul3A_371 = arith.mulf %mul3A_370, %gather3A_365 : vector<16xf32>
        %swap3A_372 = arith.constant 1 : i32
        %swap3A_373 = arith.index_cast %swap3A_372 : i32 to index
        %swap3A_374 = arith.constant 48 : index
        %swap3A_375 = tpu.vector_load %arg16[%swap3A_373, %swap3A_374] {strides = array<i32>} : memref<2x128xf32, #tpu.memory_space<vmem>>, vector<16xf32>,
        tpu.vector_store %arg16[%swap3A_373, %swap3A_374], %mul3A_371 {strides = array<i32>} : memref<2x128xf32, #tpu.memory_space<vmem>>, vector<16xf32>,
        %get3A_376 = arith.constant 1 : i32
        %get3A_377 = arith.index_cast %get3A_376 : i32 to index
        %get3A_378 = arith.constant 64 : index
        %get3A_379 = tpu.vector_load %arg14[%get3A_377, %get3A_378] {strides = array<i32>} : memref<2x128xi32, #tpu.memory_space<vmem>>, vector<16xi32>,
        %gather3A_380 = tpu.vector_load_idx %arg19[%get3A_379] : memref<10240xf32, #tpu.memory_space<vmem>>[vector<16xi32>], vector<16xf32>,
        %get3A_381 = arith.constant 1 : i32
        %get3A_382 = arith.index_cast %get3A_381 : i32 to index
        %get3A_383 = arith.constant 64 : index
        %get3A_384 = tpu.vector_load %arg10[%get3A_382, %get3A_383] {strides = array<i32>} : memref<4x128xi32, #tpu.memory_space<vmem>>, vector<16xi32>,
        %gather3A_385 = tpu.vector_load_idx %arg19[%get3A_384] : memref<10240xf32, #tpu.memory_space<vmem>>[vector<16xi32>], vector<16xf32>,
        %get3A_386 = arith.constant 1 : i32
        %get3A_387 = arith.index_cast %get3A_386 : i32 to index
        %get3A_388 = arith.constant 64 : index
        %get3A_389 = tpu.vector_load %arg12[%get3A_387, %get3A_388] {strides = array<i32>} : memref<4x128xf32, #tpu.memory_space<vmem>>, vector<16xf32>,
        %mul3A_390 = arith.mulf %gather3A_380, %get3A_389 : vector<16xf32>
        %mul3A_391 = arith.mulf %mul3A_390, %gather3A_385 : vector<16xf32>
        %swap3A_392 = arith.constant 1 : i32
        %swap3A_393 = arith.index_cast %swap3A_392 : i32 to index
        %swap3A_394 = arith.constant 64 : index
        %swap3A_395 = tpu.vector_load %arg16[%swap3A_393, %swap3A_394] {strides = array<i32>} : memref<2x128xf32, #tpu.memory_space<vmem>>, vector<16xf32>,
        tpu.vector_store %arg16[%swap3A_393, %swap3A_394], %mul3A_391 {strides = array<i32>} : memref<2x128xf32, #tpu.memory_space<vmem>>, vector<16xf32>,
        %get3A_396 = arith.constant 1 : i32
        %get3A_397 = arith.index_cast %get3A_396 : i32 to index
        %get3A_398 = arith.constant 80 : index
        %get3A_399 = tpu.vector_load %arg14[%get3A_397, %get3A_398] {strides = array<i32>} : memref<2x128xi32, #tpu.memory_space<vmem>>, vector<16xi32>,
        %gather3A_400 = tpu.vector_load_idx %arg19[%get3A_399] : memref<10240xf32, #tpu.memory_space<vmem>>[vector<16xi32>], vector<16xf32>,
        %get3A_401 = arith.constant 1 : i32
        %get3A_402 = arith.index_cast %get3A_401 : i32 to index
        %get3A_403 = arith.constant 80 : index
        %get3A_404 = tpu.vector_load %arg10[%get3A_402, %get3A_403] {strides = array<i32>} : memref<4x128xi32, #tpu.memory_space<vmem>>, vector<16xi32>,
        %gather3A_405 = tpu.vector_load_idx %arg19[%get3A_404] : memref<10240xf32, #tpu.memory_space<vmem>>[vector<16xi32>], vector<16xf32>,
        %get3A_406 = arith.constant 1 : i32
        %get3A_407 = arith.index_cast %get3A_406 : i32 to index
        %get3A_408 = arith.constant 80 : index
        %get3A_409 = tpu.vector_load %arg12[%get3A_407, %get3A_408] {strides = array<i32>} : memref<4x128xf32, #tpu.memory_space<vmem>>, vector<16xf32>,
        %mul3A_410 = arith.mulf %gather3A_400, %get3A_409 : vector<16xf32>
        %mul3A_411 = arith.mulf %mul3A_410, %gather3A_405 : vector<16xf32>
        %swap3A_412 = arith.constant 1 : i32
        %swap3A_413 = arith.index_cast %swap3A_412 : i32 to index
        %swap3A_414 = arith.constant 80 : index
        %swap3A_415 = tpu.vector_load %arg16[%swap3A_413, %swap3A_414] {strides = array<i32>} : memref<2x128xf32, #tpu.memory_space<vmem>>, vector<16xf32>,
        tpu.vector_store %arg16[%swap3A_413, %swap3A_414], %mul3A_411 {strides = array<i32>} : memref<2x128xf32, #tpu.memory_space<vmem>>, vector<16xf32>,
        %get3A_416 = arith.constant 1 : i32
        %get3A_417 = arith.index_cast %get3A_416 : i32 to index
        %get3A_418 = arith.constant 96 : index
        %get3A_419 = tpu.vector_load %arg14[%get3A_417, %get3A_418] {strides = array<i32>} : memref<2x128xi32, #tpu.memory_space<vmem>>, vector<16xi32>,
        %gather3A_420 = tpu.vector_load_idx %arg19[%get3A_419] : memref<10240xf32, #tpu.memory_space<vmem>>[vector<16xi32>], vector<16xf32>,
        %get3A_421 = arith.constant 1 : i32
        %get3A_422 = arith.index_cast %get3A_421 : i32 to index
        %get3A_423 = arith.constant 96 : index
        %get3A_424 = tpu.vector_load %arg10[%get3A_422, %get3A_423] {strides = array<i32>} : memref<4x128xi32, #tpu.memory_space<vmem>>, vector<16xi32>,
        %gather3A_425 = tpu.vector_load_idx %arg19[%get3A_424] : memref<10240xf32, #tpu.memory_space<vmem>>[vector<16xi32>], vector<16xf32>,
        %get3A_426 = arith.constant 1 : i32
        %get3A_427 = arith.index_cast %get3A_426 : i32 to index
        %get3A_428 = arith.constant 96 : index
        %get3A_429 = tpu.vector_load %arg12[%get3A_427, %get3A_428] {strides = array<i32>} : memref<4x128xf32, #tpu.memory_space<vmem>>, vector<16xf32>,
        %mul3A_430 = arith.mulf %gather3A_420, %get3A_429 : vector<16xf32>
        %mul3A_431 = arith.mulf %mul3A_430, %gather3A_425 : vector<16xf32>
        %swap3A_432 = arith.constant 1 : i32
        %swap3A_433 = arith.index_cast %swap3A_432 : i32 to index
        %swap3A_434 = arith.constant 96 : index
        %swap3A_435 = tpu.vector_load %arg16[%swap3A_433, %swap3A_434] {strides = array<i32>} : memref<2x128xf32, #tpu.memory_space<vmem>>, vector<16xf32>,
        tpu.vector_store %arg16[%swap3A_433, %swap3A_434], %mul3A_431 {strides = array<i32>} : memref<2x128xf32, #tpu.memory_space<vmem>>, vector<16xf32>,
        %get3A_436 = arith.constant 1 : i32
        %get3A_437 = arith.index_cast %get3A_436 : i32 to index
        %get3A_438 = arith.constant 112 : index
        %get3A_439 = tpu.vector_load %arg14[%get3A_437, %get3A_438] {strides = array<i32>} : memref<2x128xi32, #tpu.memory_space<vmem>>, vector<16xi32>,
        %gather3A_440 = tpu.vector_load_idx %arg19[%get3A_439] : memref<10240xf32, #tpu.memory_space<vmem>>[vector<16xi32>], vector<16xf32>,
        %get3A_441 = arith.constant 1 : i32
        %get3A_442 = arith.index_cast %get3A_441 : i32 to index
        %get3A_443 = arith.constant 112 : index
        %get3A_444 = tpu.vector_load %arg10[%get3A_442, %get3A_443] {strides = array<i32>} : memref<4x128xi32, #tpu.memory_space<vmem>>, vector<16xi32>,
        %gather3A_445 = tpu.vector_load_idx %arg19[%get3A_444] : memref<10240xf32, #tpu.memory_space<vmem>>[vector<16xi32>], vector<16xf32>,
        %get3A_446 = arith.constant 1 : i32
        %get3A_447 = arith.index_cast %get3A_446 : i32 to index
        %get3A_448 = arith.constant 112 : index
        %get3A_449 = tpu.vector_load %arg12[%get3A_447, %get3A_448] {strides = array<i32>} : memref<4x128xf32, #tpu.memory_space<vmem>>, vector<16xf32>,
        %mul3A_450 = arith.mulf %gather3A_440, %get3A_449 : vector<16xf32>
        %mul3A_451 = arith.mulf %mul3A_450, %gather3A_445 : vector<16xf32>
        %swap3A_452 = arith.constant 1 : i32
        %swap3A_453 = arith.index_cast %swap3A_452 : i32 to index
        %swap3A_454 = arith.constant 112 : index
        %swap3A_455 = tpu.vector_load %arg16[%swap3A_453, %swap3A_454] {strides = array<i32>} : memref<2x128xf32, #tpu.memory_space<vmem>>, vector<16xf32>,
        tpu.vector_store %arg16[%swap3A_453, %swap3A_454], %mul3A_451 {strides = array<i32>} : memref<2x128xf32, #tpu.memory_space<vmem>>, vector<16xf32>,
      } else {
      }
      %mul3A_131 = arith.constant 16 : i32
      %mul3A_132 = arith.muli %mul3A_131, %add3A_91 : i32
      %add3A_133 = arith.addi %arg1, %mul3A_132 : i32
      %lt3A_134 = arith.constant 625 : i32
      %lt3A_135 = arith.cmpi slt, %add3A_133, %lt3A_134 : i32
      %convert_element_type3A_136 = arith.extui %lt3A_135 : i1 to i32
      %cond3A_137 = arith.constant 0 : i32
      %cond3A_138 = arith.cmpi ne, %convert_element_type3A_136, %cond3A_137 : i32
      scf.if %cond3A_138 {
        %mul3A_139 = arith.constant 1250 : i32
        %mul3A_140 = arith.muli %arg0, %mul3A_139 : i32
        %mul3A_141 = arith.constant 16 : i32
        %mul3A_142 = arith.muli %mul3A_141, %add3A_91 : i32
        %add3A_143 = arith.addi %arg1, %mul3A_142 : i32
        %mul3A_144 = arith.constant 2 : i32
        %mul3A_145 = arith.muli %mul3A_144, %add3A_143 : i32
        %add3A_146 = arith.addi %mul3A_140, %mul3A_145 : i32
        %dma_start3A = arith.constant 0 : i32
        %dma_start3A_147 = tpu.memref_slice %arg5[%add3A_146, %dma_start3A] : memref<2500x128xf32, #tpu.memory_space<hbm>> -> memref<2x128xf32, #tpu.memory_space<hbm>>
        %dma_start3A_148 = arith.constant 0 : i32
        %dma_start3A_149 = tpu.memref_slice %arg5[%add3A_146, %dma_start3A_148] : memref<2500x128xf32, #tpu.memory_space<hbm>> -> memref<2x128xf32, #tpu.memory_space<hbm>>
        tpu.enqueue_dma source(%arg16 : memref<2x128xf32, #tpu.memory_space<vmem>>) target(%dma_start3A_149 : memref<2x128xf32, #tpu.memory_space<hbm>>) target_semaphore(%arg25 : memref<!tpu.dma_semaphore, #tpu.memory_space<semaphore_mem>>)
      } else {
      }
    }
    %scan3A_34 = arith.constant 21 : i32
    return
  }
}

</mosaic_0001>

<sc_bundles>
// kernel: _prep.3.cloned.1.call-start
scs
__scs_entry_jumppad:
0x0: {  	(pc) =	sbr.rel $0x88, $3  }
0x1: {  	(tag) =	ssettag $0x0;
	lr =	simm.s32 $0x1  }
0x2: {  	[smem:$0x3F9E] =	sst lr;
	_ =	strace $0xD0000000  }
0x3: {  	_ = 	snop  }
0x4: {  	_ = 	snop  }
0x5: {  	_ = 	snop  }
0x6: {  	_ = 	snop  }
0x7: {  	_ = 	snop  }
__scs_overlays_trampoline_lowered:
0x8: {  	[smem:$0x3FAD] =	sst s0  }
0x9: {  	[smem:$0x3FAE] =	sst s1  }
0xa: {  	[smem:$0x3FAF] =	sst s2  }
0xb: {  	[smem:$0x3FB0] =	sst s3  }
0xc: {  	[smem:$0x3FB1] =	sst s4  }
0xd: {  	[smem:$0x3FB2] =	sst s5  }
0xe: {  	[smem:$0x3FB3] =	sst s6  }
0xf: {  	[smem:$0x3FB4] =	sst s7  }
0x10: {  	[smem:$0x3FB5] =	sst s8  }
0x11: {  	[smem:$0x3FB6] =	sst s9;
	s0 =	simm.s32 @!p0 $0x0  }
0x12: {  	s1 =	sld [smem:$0x3F9C];
	s0 =	simm.s32 @p0 $0x1  }
0x13: {  	[smem:$0x3FB7] =	sst s0;
	s0 =	simm.s32 @!p1 $0x0  }
0x14: {  	s2 =	sld [smem:$0x3F9B];
	s0 =	simm.s32 @p1 $0x1  }
0x15: {  	[smem:$0x3FB8] =	sst s0;
	s0 =	simm.s32 @!p2 $0x0  }
0x16: {  	s3 =	sld [smem:$0x3FDB];
	s0 =	simm.s32 @p2 $0x1  }
0x17: {  	s4 =	simm.s32 $0x1BF5;
	[smem:$0x3FBA] =	sst s0  }
0x18: {  	s0 =	sld [smem:$0x3F9D];
	_ =	swait.ge [sflag:s4], $0x0  }
0x19: {  	s7 =	sld [smem:$0x3F9E]  }
0x1a: {  	s8 =	sadd.s32 $0xFFFFE003, lr  }
0x1b: {  	s9 =	sadd.s32 $0xFFFFFEF7, lr;
	s5 =	simm.s32 $0xFFFFFFFF;
	p2 =	slt.u32 s8, $0xFFFFF086  }
0x1c: {  	p1 =	slt.u32 s9, $0xF7A;
	s5 =	simm.s32 @!p2 $0x0  }
0x1d: {  	s5 =	simm.s32 @p1 $0x1;
	p0 =	seq.s32 s7, s2  }
0x1e: {  	s7 =	smul.u32 @!p0 $0xF7A, s2;
	p2 =	seq.s32 @!p0 s5, $0x0  }
0x1f: {  	s9 =	smul.u32 $0xF7A, s1;
	s8 =	simm.s32 @!p0 $0x1BF5;
	p2 =	por !p2, p0  }
0x20: {  	[sflag:s8] =	ssyncset.s32 @!p0 $0xFFFFF086;
	s6 =	sadd.s32 @!p0 s3, s7;
	s7 =	simm.s32 @!p0 $0x108  }
0x21: {  	s3 =	sadd.s32 s3, s9;
	s6 =	sadd.s32 @!p0 $0x88, s6;
	s7 =	simm.s32 @p2 $0x1082  }
0x22: {  	[simem:s7], [sflag:s8] =	dma.local @!p0 [hbm:s6], $0xF7A  }
0x23: {  	s9 =	sor.u32 $0xD0000000, s2;
	s6 =	simm.s32 $0x108;
	_ =	swait.ge @!p0 [sflag:s8], $0x0  }
0x24: {  	s3 =	sadd.s32 $0x88, s3;
	s6 =	simm.s32 @!p1 $0x1082;
	[sflag:s4] =	ssyncset.s32 $0xFFFFF086  }
0x25: {  	[simem:s6], [sflag:s4] =	dma.local [hbm:s3], $0xF7A  }
0x26: {  	[smem:$0x3F9E] =	sst s1;
	(tag) =	ssettag s2;
	_ =	strace s9  }
0x27: {  	s1 =	sld [smem:$0x3FAE]  }
0x28: {  	s2 =	sld [smem:$0x3FAF]  }
0x29: {  	s4 =	sld [smem:$0x3FB1]  }
0x2a: {  	p0 =	seq.s32 s5, $0x0;
	s5 =	sld [smem:$0x3FB2]  }
0x2b: {  	s6 =	sld [smem:$0x3FB3]  }
0x2c: {  	s7 =	sld [smem:$0x3FB4]  }
0x2d: {  	s3 =	simm.s32 $0x108;
	s8 =	sld [smem:$0x3FB5]  }
0x2e: {  	s3 =	simm.s32 @!p0 $0x1082;
	s9 =	sld [smem:$0x3FB6]  }
0x2f: {  	lr =	sadd.s32 s0, s3;
	s0 =	sld [smem:$0x3FAD]  }
0x30: {  	s3 =	sld [smem:$0x3FB0]  }
0x31: {  	[smem:$0x3FB9] =	sst s10  }
0x32: {  	s10 =	sld [smem:$0x3FB7];
	_ =	sdelay $0x3  }
0x33: {  	p0 =	seq.s32 s10, $0x1;
	s10 =	sld [smem:$0x3FB9];
	_ =	sdelay $0x3  }
0x34: {  	[smem:$0x3FB9] =	sst s10  }
0x35: {  	s10 =	sld [smem:$0x3FB8];
	_ =	sdelay $0x3  }
0x36: {  	p1 =	seq.s32 s10, $0x1;
	s10 =	sld [smem:$0x3FB9];
	_ =	sdelay $0x3  }
0x37: {  	[smem:$0x3FB9] =	sst s10  }
0x38: {  	s10 =	sld [smem:$0x3FBA]  }
0x39: {  	_ = 	snop;
	(pc) =	sbr.ind lr, $3  }
0x3a: {  	_ = 	snop  }
0x3b: {  	_ = 	snop  }
0x3c: {  	p2 =	seq.s32 s10, $0x1;
	s10 =	sld [smem:$0x3FB9]  }
0x3d: {  	_ =	shalt  }
0x3e: {  	_ =	shalt  }
0x3f: {  	_ =	shalt  }
0x40: {  	_ =	shalt  }
0x41: {  	_ =	shalt  }
0x42: {  	_ =	shalt  }
0x43: {  	_ =	shalt  }
0x44: {  	_ =	shalt  }
0x45: {  	_ =	shalt  }
0x46: {  	_ =	shalt  }
0x47: {  	_ =	shalt  }
0x48: {  	_ =	shalt  }
0x49: {  	_ =	shalt  }
0x4a: {  	_ =	shalt  }
0x4b: {  	_ =	shalt  }
0x4c: {  	_ =	shalt  }
0x4d: {  	_ =	shalt  }
0x4e: {  	_ =	shalt  }
0x4f: {  	_ =	shalt  }
0x50: {  	_ =	shalt  }
0x51: {  	_ =	shalt  }
0x52: {  	_ =	shalt  }
0x53: {  	_ =	shalt  }
0x54: {  	_ =	shalt  }
0x55: {  	_ =	shalt  }
0x56: {  	_ =	shalt  }
0x57: {  	_ =	shalt  }
0x58: {  	_ =	shalt  }
0x59: {  	_ =	shalt  }
0x5a: {  	_ =	shalt  }
0x5b: {  	_ =	shalt  }
0x5c: {  	_ =	shalt  }
0x5d: {  	_ =	shalt  }
0x5e: {  	_ =	shalt  }
0x5f: {  	_ =	shalt  }
0x60: {  	_ =	shalt  }
0x61: {  	_ =	shalt  }
0x62: {  	_ =	shalt  }
0x63: {  	_ =	shalt  }
0x64: {  	_ =	shalt  }
0x65: {  	_ =	shalt  }
0x66: {  	_ =	shalt  }
0x67: {  	_ =	shalt  }
0x68: {  	_ =	shalt  }
0x69: {  	_ =	shalt  }
0x6a: {  	_ =	shalt  }
0x6b: {  	_ =	shalt  }
0x6c: {  	_ =	shalt  }
0x6d: {  	_ =	shalt  }
0x6e: {  	_ =	shalt  }
0x6f: {  	_ =	shalt  }
0x70: {  	_ =	shalt  }
0x71: {  	_ =	shalt  }
0x72: {  	_ =	shalt  }
0x73: {  	_ =	shalt  }
0x74: {  	_ =	shalt  }
0x75: {  	_ =	shalt  }
0x76: {  	_ =	shalt  }
0x77: {  	_ =	shalt  }
0x78: {  	_ =	shalt  }
0x79: {  	_ =	shalt  }
0x7a: {  	_ =	shalt  }
0x7b: {  	_ =	shalt  }
0x7c: {  	_ =	shalt  }
0x7d: {  	_ =	shalt  }
0x7e: {  	_ =	shalt  }
0x7f: {  	_ =	shalt  }
0x80: {  	_ =	shalt  }
0x81: {  	_ =	shalt  }
0x82: {  	_ =	shalt  }
0x83: {  	_ =	shalt  }
0x84: {  	_ =	shalt  }
0x85: {  	_ =	shalt  }
0x86: {  	_ =	shalt  }
0x87: {  	_ =	shalt  }
.Lfunc_end0:
.L_simem_size_0:
called_computation_lowered:
.L_overlay_start_0:
0x88: {  	s2 =	sld [smem:$0x3FD9]  }
0x89: {  	s3 =	sld [smem:$0x3FFE];
	_ =	sdelay $0x1  }
0x8a: {  	s1 =	srdreg.scid  }
0x8b: {  	s0 =	sand.u32 $0x1, s1  }
0x8c: {  	s15 =	sshll.u32 s0, $0xA;
	s2 =	sadd.s32 s3, s2  }
0x8d: {  	s2 =	sadd.s32 s2, s15  }
0x8e: {  	[smem:$0x3FC5] =	sst s2  }
0x8f: {  	_ = 	snop  }
0x90: {  	s2 =	sld [smem:$0x3FD0]  }
0x91: {  	s16 =	sld [smem:$0x3FC9]  }
0x92: {  	s4 =	sld [smem:$0x3FC8]  }
0x93: {  	s6 =	simm.s32 $0xA;
	s7 =	simm.s32 $0x10;
	s5 =	sld [smem:$0x3FC7]  }
0x94: {  	[smem:s7], [sflag:s6] =	dma.local [hbm:s2], $0x1  }
0x95: {  	_ =	swait.eq [sflag:s6], $0x1  }
0x96: {  	[sflag:s6] =	ssyncset.done $0x0  }
0x97: {  	s17 =	sld [smem:$0x10];
	[sflag:s6] =	ssyncadd.s32 $0xFFFFFFFF  }
0x98: {  	s18 =	sld [smem:$0x11];
	(tm) =	ssettm $0x1  }
0x99: {  	s19 =	sld [smem:$0x3FFB];
	_ =	sdelay $0x3  }
0x9a: {  	_ =	strace s19  }
0x9b: {  	s7 =	sld [smem:$0x3FFC];
	_ =	sdelay $0x3  }
0x9c: {  	_ =	strace s7  }
0x9d: {  	s7 =	sld [smem:$0x3FFD];
	_ =	sdelay $0x3  }
0x9e: {  	_ =	strace s7  }
0x9f: {  	_ =	strace $0x8FFFFFFF  }
0xa0: {  	s20 =	sld [smem:$0x3FDB];
	_ =	sdelay $0x1  }
0xa1: {  	s8 =	simm.s32 $_scs_section_size  }
0xa2: {  	s9 =	simm.s32 $_size__tile_overlayer_lowered;
	s10 =	simm.s32 $_tile_overlayer_lowered  }
0xa3: {  	s23 =	simm.s32 $0x1BFF;
	s22 =	sshll.u32 s10, $0x1;
	s7 =	sadd.s32 s8, s20  }
0xa4: {  	s11 =	simm.s32 $0x0;
	s21 =	sshll.u32 s9, $0x1;
	s9 =	sadd.s32 s22, s7  }
0xa5: {  	[timem:s11], [sflag:s23] =	dma.local [hbm:s9], s21  }
0xa6: {  	_ =	swait.ge [sflag:s23], s21  }
0xa7: {  	s8 =	ssub.s32 $0x0, s21;
	[sflag:s23] =	ssyncset.done $0x0  }
0xa8: {  	[sflag:s23] =	ssyncadd.s32 s8;
	_ =	sdelay $0x1  }
0xa9: {  	s24 =	simm.s32 $0x1B8B  }
0xaa: {  	_ =	swait.ge [sflag:s24], $0x1  }
0xab: {  	[sflag:s24] =	ssyncset.done $0x0  }
0xac: {  	s25 =	simm.s32 $0x1B8E;
	[sflag:s24] =	ssyncadd.s32 $0xFFFFFFFF  }
0xad: {  	s26 =	simm.s32 $execute0_lowered;
	[smem:$0x3FD2] =	sst s25  }
0xae: {  	s8 =	sshll.u32 s26, $0x1;
	_ =	strace $0x80000046;
	[dreg:$0x1] =	wrdreg $0xFFFFFFFF  }
0xaf: {  	s28 =	simm.s32 $_size_execute0_lowered;
	s7 =	sadd.s32 s7, s8;
	[dreg:$0x0] =	wrdreg $0x0  }
0xb0: {  	s8 =	sshll.u32 s28, $0x1;
	[dreg:$0x2] =	wrdreg s7  }
0xb1: {  	[dreg:$0x3] =	wrdreg s8  }
0xb2: {  	[dreg:$0x4] =	wrdreg $0xC0  }
0xb3: {  	_ =	task [dreg:s11], $0x5FFFF  }
0xb4: {  	[dreg:$0x1] =	wrdreg $0xFFFFFFFF  }
0xb5: {  	[dreg:$0x0] =	wrdreg $0x60  }
0xb6: {  	[dreg:$0x2] =	wrdreg s16  }
0xb7: {  	[dreg:$0x3] =	wrdreg s4  }
0xb8: {  	[dreg:$0x4] =	wrdreg s5  }
0xb9: {  	[dreg:$0x5] =	wrdreg s17  }
0xba: {  	[dreg:$0x6] =	wrdreg s18  }
0xbb: {  	[dreg:$0x7] =	wrdreg $0x0  }
0xbc: {  	[dreg:$0x8] =	wrdreg $0x9  }
0xbd: {  	_ =	task.clear_ibuf [dreg:s11], $0x9FFFF;
	_ =	strace $0x90000046  }
0xbe: {  	s29 =	simm.s32 $0x9;
	_ =	strace $0x80000048  }
0xbf: {  	_ =	swait.ge [sflag:s29], $0x1  }
0xc0: {  	[sflag:s29] =	ssyncadd.s32 $0xFFFFFFFF  }
0xc1: {  	_ =	strace $0x90000048  }
0xc2: {  	_ =	sfence  }
0xc3: {  	s30 =	sld [smem:$0x0];
	_ =	sdelay $0x2  }
0xc4: {  	s31 =	sshll.u32 s1, $0xD;
	s1 =	sshrl.u32 s1, $0x2  }
0xc5: {  	s3 =	sand.u32 $0x4000, s31;
	s1 =	sadd.s32 s1, s30  }
0xc6: {  	s0 =	sor.u32 s3, s0;
	s1 =	sshll.u32 s1, $0x11  }
0xc7: {  	s0 =	sor.u32 s1, s0  }
0xc8: {  	s0 =	sadd.s32 $0x8F2B, s0  }
0xc9: {  	[sflag:s0] =	ssyncadd.remote.s32 $0x1  }
0xca: {  	_ =	sfence.sel $0xFFFF  }
0xcb: {  	[dreg:$0x0] =	wrdreg $0xFFFFFFFF;
	(pc) =	sbr.abs _section_cstart, $3  }
0xcc: {  	[dreg:$0x1] =	wrdreg $0xFFFFFFFF  }
0xcd: {  	_ =	task.clear_ibuf [dreg:s11], $0x2FFFF;
	_ =	strace $0x9FFFFFFF  }
0xce: {  	(tm) =	ssettm $0x7FFFFFFF  }
0xcf: {  	_ =	shalt  }
tec
execute0_lowered:
.L_overlay_start_1:
0x0: {  	(tag) =	ssettag $0x1  }
0x1: {  	s4 =	rddreg [dreg:$0x0]  }
0x2: {  	s6 =	rddreg [dreg:$0x1]  }
0x3: {  	s7 =	rddreg [dreg:$0x2]  }
0x4: {  	s5 =	rddreg [dreg:$0x3]  }
0x5: {  	s8 =	rddreg [dreg:$0x4]  }
0x6: {  	s1 =	rddreg [dreg:$0x5];
	s0 =	srdreg.scid;
	s2 =	simm.s32 $0x0  }
0x7: {  	s3 =	stileid.u32;
	s28 =	simm.s32 $0x7;
	s31 =	simm.s32 $0x0  }
0x8: {  	s0 =	sand.u32 $0x1, s0;
	[smem:$0x7FF] =	sst s2;
	s11 =	smul.u32 $0x5, s3  }
0x9: {  	s18 =	sshll.u32 s3, $0x6;
	s20 =	smul.u32 $0x280, s3;
	s19 =	ssub.s32 $0x271, s3  }
0xa: {  	s24 =	sshll.u32 s3, $0x8;
	s9 =	ssub.s32 $0x2, s0;
	_ =	strace $0x80000047  }
0xb: {  	s12 =	sadd.s32 s6, s18;
	s13 =	sadd.s32 s7, s18;
	[dreg:$0x9] =	wrdreg s19  }
0xc: {  	s21 =	sand.u32 $0x40, s18;
	s16 =	smul.u32 $0x27100, s0;
	s17 =	sor.u32 $0x400, s18  }
0xd: {  	p0 =	sne.s32 s0, $0x0;
	s10 =	sshrl.u32 s9, $0x1;
	[dreg:$0xd] =	wrdreg s12  }
0xe: {  	[dreg:$0xe] =	wrdreg s13;
	s12 =	sadd.s32 $0x1, s11;
	s14 =	sshrl.u32 s20, $0x3  }
0xf: {  	s17 =	sand.u32 $0x780, s17;
	s19 =	sadd.s32 $0x3, s11;
	[dreg:$0xc] =	wrdreg s20  }
0x10: {  	s9 =	ssub.s32 s9, s10;
	s15 =	sshll.u32 s12, $0x4;
	s14 =	sadd.s32 s8, s14  }
0x11: {  	s25 =	sadd.s32 s17, s6;
	s17 =	sadd.s32 s17, s7;
	s10 =	sor.u32 $0x800, s18  }
0x12: {  	s29 =	sshll.u32 s19, $0x4;
	s18 =	smul.u32 $0x4E20, s0;
	s0 =	simm.s32 @!p0 $0x0  }
0x13: {  	[dreg:$0xf] =	wrdreg s14;
	s22 =	sadd.s32 s8, s15;
	s14 =	sadd.s32 $0x2, s11  }
0x14: {  	s26 =	sadd.s32 s21, s17;
	s10 =	sand.u32 $0xB80, s10;
	s17 =	sadd.s32 s8, s29  }
0x15: {  	s11 =	sadd.s32 $0x4, s11;
	s0 =	simm.s32 @p0 $0x1;
	[dreg:$0x10] =	wrdreg s22  }
0x16: {  	s23 =	sshll.u32 s14, $0x4;
	[dreg:$0x8] =	wrdreg s26;
	s30 =	sadd.s32 s10, s6  }
0x17: {  	[dreg:$0x12] =	wrdreg s17;
	s17 =	sshll.u32 s11, $0x4;
	s10 =	sadd.s32 s10, s7  }
0x18: {  	s5 =	sadd.s32 s18, s5;
	s26 =	sshll.u32 s12, $0x7;
	[smem:$0x7FD] =	sst s0  }
0x19: {  	s29 =	sshll.u32 s14, $0x7;
	s12 =	simm.s32 $0x900;
	[dreg:$0x18] =	wrdreg s26  }
0x1a: {  	s15 =	sadd.s32 s8, s23;
	s10 =	sadd.s32 s21, s10;
	[dreg:$0x19] =	wrdreg s29  }
0x1b: {  	s8 =	sadd.s32 s8, s17;
	s26 =	simm.s32 $0x1000;
	[dreg:$0x11] =	wrdreg s15  }
0x1c: {  	s15 =	sadd.s32 s16, s24;
	s16 =	sadd.s32 s21, s25;
	[dreg:$0x13] =	wrdreg s8  }
0x1d: {  	[dreg:$0xb] =	wrdreg s10;
	s24 =	sshll.u32 s3, $0x5;
	s25 =	sadd.s32 s20, s1  }
0x1e: {  	s8 =	simm.s32 $0x3980;
	[dreg:$0x7] =	wrdreg s16;
	s16 =	sadd.s32 s21, s30  }
0x1f: {  	s15 =	sshrl.u32 s15, $0x3;
	[dreg:$0x17] =	wrdreg s25;
	s30 =	smax.u32 s9, $0x1  }
0x20: {  	s25 =	ssub.s32 $0x281, s3;
	s9 =	simm.s32 $0xF00;
	[dreg:$0xa] =	wrdreg s16  }
0x21: {  	s21 =	sadd.s32 s4, s15;
	s22 =	sadd.s32 s6, s15;
	[dreg:$0x1a] =	wrdreg s30  }
.Ltmp0:
0x22: {  	s23 =	sadd.s32 s7, s15;
	[dreg:$0x14] =	wrdreg s21;
	(pc) =	sbr.rel .LBB2_1-.Ltmp0, $4  }
0x23: {  	s4 =	sadd.s32 s18, s4;
	s6 =	sadd.s32 s18, s6;
	[dreg:$0x15] =	wrdreg s22  }
0x24: {  	s7 =	sadd.s32 s18, s7;
	s18 =	sadd.s32 s24, s5;
	[dreg:$0x16] =	wrdreg s23  }
0x25: {  	s15 =	sadd.s32 s24, s4;
	s16 =	sadd.s32 s24, s6;
	s17 =	sadd.s32 s24, s7  }
0x26: {  	v0 =	vimm.f32 $0.0e+00;
	s22 =	sshll.u32 s19, $0x7;
	s23 =	sshll.u32 s11, $0x7;
	s11 =	simm.s32 $0x500  }
.LBB2_13:
0x27: {  	s31 =	sadd.s32 $0x1, s31;
	s0 =	rddreg [dreg:$0x1a]  }
0x28: {  	p0 =	sne.s32 s31, s0  }
.Ltmp1:
0x29: {  	_ = 	snop;
	(pc) =	sbr.rel @!p0 .LBB2_14-.Ltmp1, $1  }
0x2a: {  	_ =	sdelay $0x3  }
.LBB2_1:
0x2b: {  	[tilespmem:$0x280] =	vst v0  }
0x2c: {  	[tilespmem:$0x290] =	vst v0  }
0x2d: {  	[tilespmem:$0x2A0] =	vst v0  }
0x2e: {  	[tilespmem:$0x2B0] =	vst v0  }
0x2f: {  	[tilespmem:$0x2C0] =	vst v0  }
0x30: {  	[tilespmem:$0x2D0] =	vst v0  }
0x31: {  	[tilespmem:$0x2E0] =	vst v0  }
0x32: {  	[tilespmem:$0x2F0] =	vst v0  }
0x33: {  	[tilespmem:$0x300] =	vst v0  }
0x34: {  	[tilespmem:$0x310] =	vst v0  }
0x35: {  	[tilespmem:$0x320] =	vst v0  }
0x36: {  	[tilespmem:$0x330] =	vst v0  }
0x37: {  	[tilespmem:$0x340] =	vst v0  }
0x38: {  	[tilespmem:$0x350] =	vst v0  }
0x39: {  	[tilespmem:$0x360] =	vst v0  }
0x3a: {  	[tilespmem:$0x370] =	vst v0  }
0x3b: {  	[tilespmem:$0x380] =	vst v0  }
0x3c: {  	[tilespmem:$0x390] =	vst v0  }
0x3d: {  	[tilespmem:$0x3A0] =	vst v0  }
0x3e: {  	[tilespmem:$0x3B0] =	vst v0  }
0x3f: {  	[tilespmem:$0x3C0] =	vst v0  }
0x40: {  	[tilespmem:$0x3D0] =	vst v0  }
0x41: {  	[tilespmem:$0x3E0] =	vst v0  }
0x42: {  	[tilespmem:$0x3F0] =	vst v0  }
0x43: {  	[tilespmem:$0x400] =	vst v0  }
0x44: {  	[tilespmem:$0x410] =	vst v0  }
0x45: {  	[tilespmem:$0x420] =	vst v0  }
0x46: {  	[tilespmem:$0x430] =	vst v0  }
0x47: {  	[tilespmem:$0x440] =	vst v0  }
0x48: {  	[tilespmem:$0x450] =	vst v0  }
0x49: {  	[tilespmem:$0x460] =	vst v0  }
0x4a: {  	[tilespmem:$0x470] =	vst v0  }
0x4b: {  	[tilespmem:$0x480] =	vst v0  }
0x4c: {  	[tilespmem:$0x490] =	vst v0  }
0x4d: {  	[tilespmem:$0x4A0] =	vst v0  }
0x4e: {  	[tilespmem:$0x4B0] =	vst v0  }
0x4f: {  	[tilespmem:$0x4C0] =	vst v0  }
0x50: {  	[tilespmem:$0x4D0] =	vst v0  }
0x51: {  	[tilespmem:$0x4E0] =	vst v0  }
0x52: {  	[tilespmem:$0x4F0] =	vst v0;
	s0 =	rddreg [dreg:$0x17];
	s4 =	simm.s32 $0x280  }
0x53: {  	[spmem:s0] =	stream.linear.scatter [tilespmem:s4], [sflag:$0x7], $0x280, $0x38;
	[tilespmem:$0x6180] =	vst v63  }
0x54: {  	_ =	swait.ge [sflag:s28], $0x280  }
0x55: {  	p0 =	por $0x1, $0x1;
	[sflag:s28] =	ssyncset.done $0x0  }
0x56: {  	p1 =	sle.u32 @!p0 s25, $0x0;
	[sflag:s28] =	ssyncadd.s32 $0xFFFFFD80  }
0x57: {  	p0 =	por p0, p0;
	p1 =	por p1, p1;
	[bflag:$0x0] =	sbarrier.arrive $0xFFFF  }
0x58: {  	p0 =	por p1, p0;
	s13 =	rddreg [dreg:$0xd]  }
0x59: {  	[tilespmem:s11], [sflag:$0x1] =	stream.linear.gather [hbm4b:s13+s2], $0x200, $0x38;
	[tilespmem:$0x6180] =	vst v63  }
0x5a: {  	s0 =	simm.s32 @!p0 $0x4;
	s14 =	rddreg [dreg:$0xe]  }
0x5b: {  	[tilespmem:s12], [sflag:$0x1] =	stream.linear.gather [hbm4b:s14+s2], $0x200, $0x38;
	[tilespmem:$0x6180] =	vst v63  }
0x5c: {  	_ =	swait.ge @!p0 [sflag:s0], $0x80  }
0x5d: {  	[sflag:s0] =	ssyncset.done @!p0 $0x0  }
0x5e: {  	[sflag:s0] =	ssyncadd.s32 @!p0 $0xFFFFFF80  }
0x5f: {  	_ =	swait.ge @!p0 [sflag:s0], $0x80  }
0x60: {  	[sflag:s0] =	ssyncset.done @!p0 $0x0  }
0x61: {  	[sflag:s0] =	ssyncadd.s32 @!p0 $0xFFFFFF80  }
0x62: {  	_ =	swait.ge @!p0 [sflag:s0], $0x80  }
0x63: {  	s19 =	sadd.s32 $0x0, s3;
	[sflag:s0] =	ssyncset.done @!p0 $0x0  }
0x64: {  	s5 =	sadd.s32 $0x10, s19;
	[sflag:s0] =	ssyncadd.s32 @!p0 $0xFFFFFF80  }
0x65: {  	p1 =	sgt.u32 s5, $0x270;
	_ =	swait.ge @!p0 [sflag:s0], $0x80  }
0x66: {  	s7 =	simm.s32 @!p1 $0x0;
	s6 =	rddreg [dreg:$0x7]  }
0x67: {  	s12 =	simm.s32 @!p1 $0x700;
	s21 =	rddreg [dreg:$0x9];
	[sflag:s0] =	ssyncset.done @!p0 $0x0  }
0x68: {  	s10 =	rddreg [dreg:$0x8];
	[sflag:s0] =	ssyncadd.s32 @!p0 $0xFFFFFF80;
	s0 =	sadd.s32 @!p1 $0x0, s6  }
0x69: {  	[tilespmem:s12], [sflag:$0x2] =	stream.linear.gather @!p1 [hbm4b:s0+s7], $0x200, $0x38;
	[tilespmem:$0x6180] =	vst v63  }
0x6a: {  	s14 =	simm.s32 @!p1 $0xB00;
	p0 =	sle.u32 s21, $0x0;
	s0 =	sadd.s32 @!p1 $0x0, s10  }
0x6b: {  	[tilespmem:s14], [sflag:$0x2] =	stream.linear.gather @!p1 [hbm4b:s0+s7], $0x200, $0x38;
	[tilespmem:$0x6180] =	vst v63  }
0x6c: {  	s0 =	simm.s32 @!p0 $0x1  }
0x6d: {  	_ =	swait.ge @!p0 [sflag:s0], $0x200  }
0x6e: {  	[sflag:s0] =	ssyncset.done @!p0 $0x0  }
0x6f: {  	[sflag:s0] =	ssyncadd.s32 @!p0 $0xFFFFFE00  }
0x70: {  	_ =	swait.ge @!p0 [sflag:s0], $0x200  }
0x71: {  	s5 =	simm.s32 @!p0 $0x900;
	[sflag:s0] =	ssyncset.done @!p0 $0x0  }
0x72: {  	s6 =	simm.s32 @!p0 $0x500;
	[sflag:s0] =	ssyncadd.s32 @!p0 $0xFFFFFE00;
	s0 =	simm.s32 @!p0 $0x80  }
0x73: {  	[spmem:s1] =	stream.indirect.scatter.add.f32 @!p0 [tilespmem:s5], [sflag:$0x3], $0x1, s6, s0, $0xb8;
	[tilespmem:$0x6180] =	vst v63  }
0x74: {  	s5 =	simm.s32 @!p0 $0x580;
	s6 =	simm.s32 @!p0 $0x980  }
0x75: {  	[spmem:s1] =	stream.indirect.scatter.add.f32 @!p0 [tilespmem:s6], [sflag:$0x3], $0x1, s5, s0, $0xb8;
	[tilespmem:$0x6180] =	vst v63  }
0x76: {  	s5 =	simm.s32 @!p0 $0x600;
	s6 =	simm.s32 @!p0 $0xA00  }
0x77: {  	[spmem:s1] =	stream.indirect.scatter.add.f32 @!p0 [tilespmem:s6], [sflag:$0x3], $0x1, s5, s0, $0xb8;
	[tilespmem:$0x6180] =	vst v63  }
0x78: {  	s20 =	simm.s32 @!p0 $0x3;
	s5 =	simm.s32 @!p0 $0x680;
	s6 =	simm.s32 @!p0 $0xA80  }
0x79: {  	[spmem:s1] =	stream.indirect.scatter.add.f32 @!p0 [tilespmem:s6], [sflag:$0x3], $0x1, s5, s0, $0xb8;
	[tilespmem:$0x6180] =	vst v63  }
0x7a: {  	_ =	swait.ge @!p0 [sflag:s20], $0x80  }
0x7b: {  	[sflag:s20] =	ssyncset.done @!p0 $0x0  }
0x7c: {  	p2 =	por $0x0, $0x0;
	[sflag:s20] =	ssyncadd.s32 @!p0 $0xFFFFFF80  }
0x7d: {  	p5 =	por $0x0, $0x0;
	p3 =	sle.u32 @!p2 s25, $0x20;
	_ =	swait.ge @!p0 [sflag:s20], $0x80  }
0x7e: {  	s24 =	sadd.s32 $0x20, s19;
	p2 =	por p2, p2;
	[sflag:s20] =	ssyncset.done @!p0 $0x0  }
0x7f: {  	p4 =	sle.u32 @!p5 s25, $0x40;
	p6 =	sgt.u32 s24, $0x270;
	[sflag:s20] =	ssyncadd.s32 @!p0 $0xFFFFFF80  }
0x80: {  	p3 =	por p3, p3;
	s24 =	simm.s32 @!p6 $0x0;
	_ =	swait.ge @!p0 [sflag:s20], $0x80  }
0x81: {  	s30 =	simm.s32 @!p6 $0x500;
	s19 =	simm.s32 @!p1 $0x2;
	[sflag:s20] =	ssyncset.done @!p0 $0x0  }
0x82: {  	s11 =	simm.s32 $0x800;
	s13 =	simm.s32 $0x1800;
	[sflag:s20] =	ssyncadd.s32 @!p0 $0xFFFFFF80  }
0x83: {  	s10 =	simm.s32 $0x1000;
	s7 =	simm.s32 $0x40;
	_ =	swait.ge @!p0 [sflag:s20], $0x80  }
0x84: {  	s6 =	simm.s32 $0x20;
	s5 =	sadd.s32 $0x20, s3;
	s29 =	rddreg [dreg:$0xa]  }
0x85: {  	s0 =	simm.s32 @!p6 $0x900;
	[sflag:s20] =	ssyncset.done @!p0 $0x0;
	s4 =	rddreg [dreg:$0xb]  }
0x86: {  	[sflag:s20] =	ssyncadd.s32 @!p0 $0xFFFFFF80;
	s20 =	sadd.s32 @!p6 $0x0, s29;
	s29 =	simm.s32 $0x0  }
.LBB2_2:
0x87: {  	[tilespmem:s30], [sflag:$0x1] =	stream.linear.gather @!p6 [hbm4b:s20+s24], $0x200, $0x38;
	[tilespmem:$0x6180] =	vst v63  }
0x88: {  	s21 =	smov.u32 s13;
	s13 =	sadd.s32 $0x800, s13  }
0x89: {  	s4 =	sadd.s32 @!p6 s29, s4;
	p0 =	sne.s32 s13, $0xA800  }
0x8a: {  	[tilespmem:s0], [sflag:$0x1] =	stream.linear.gather @!p6 [hbm4b:s4+s24], $0x200, $0x38;
	[tilespmem:$0x6180] =	vst v63  }
0x8b: {  	s0 =	simm.s32 @!p0 $0x0  }
0x8c: {  	s0 =	simm.s32 @p0 $0x1  }
0x8d: {  	[smem:$0x7FC] =	sst s0  }
0x8e: {  	_ =	swait.ge @!p1 [sflag:s19], $0x200  }
0x8f: {  	[sflag:s19] =	ssyncset.done @!p1 $0x0  }
0x90: {  	[sflag:s19] =	ssyncadd.s32 @!p1 $0xFFFFFE00  }
0x91: {  	_ =	swait.ge @!p1 [sflag:s19], $0x200  }
0x92: {  	[sflag:s19] =	ssyncset.done @!p1 $0x0  }
0x93: {  	[sflag:s19] =	ssyncadd.s32 @!p1 $0xFFFFFE00;
	s19 =	simm.s32 @!p1 $0x80  }
0x94: {  	[spmem:s1] =	stream.indirect.scatter.add.f32 @!p1 [tilespmem:s14], [sflag:$0x4], $0x1, s12, s19, $0xb8;
	[tilespmem:$0x6180] =	vst v63  }
0x95: {  	s4 =	simm.s32 @!p1 $0xB80;
	s0 =	simm.s32 @!p1 $0x780  }
0x96: {  	[spmem:s1] =	stream.indirect.scatter.add.f32 @!p1 [tilespmem:s4], [sflag:$0x4], $0x1, s0, s19, $0xb8;
	[tilespmem:$0x6180] =	vst v63  }
0x97: {  	p0 =	por p3, p2;
	s0 =	simm.s32 @!p1 $0x800;
	s4 =	simm.s32 @!p1 $0xC00  }
0x98: {  	[spmem:s1] =	stream.indirect.scatter.add.f32 @!p1 [tilespmem:s4], [sflag:$0x4], $0x1, s0, s19, $0xb8;
	[tilespmem:$0x6180] =	vst v63  }
0x99: {  	s14 =	simm.s32 @!p1 $0xC80;
	s0 =	simm.s32 @!p0 $0x4;
	s4 =	simm.s32 @!p1 $0x880  }
0x9a: {  	[spmem:s1] =	stream.indirect.scatter.add.f32 @!p1 [tilespmem:s14], [sflag:$0x4], $0x1, s4, s19, $0xb8;
	[tilespmem:$0x6180] =	vst v63  }
0x9b: {  	_ =	swait.ge @!p0 [sflag:s0], $0x80  }
0x9c: {  	[sflag:s0] =	ssyncset.done @!p0 $0x0  }
0x9d: {  	[sflag:s0] =	ssyncadd.s32 @!p0 $0xFFFFFF80  }
0x9e: {  	_ =	swait.ge @!p0 [sflag:s0], $0x80  }
0x9f: {  	[sflag:s0] =	ssyncset.done @!p0 $0x0  }
0xa0: {  	[sflag:s0] =	ssyncadd.s32 @!p0 $0xFFFFFF80  }
0xa1: {  	_ =	swait.ge @!p0 [sflag:s0], $0x80  }
0xa2: {  	[sflag:s0] =	ssyncset.done @!p0 $0x0  }
0xa3: {  	[sflag:s0] =	ssyncadd.s32 @!p0 $0xFFFFFF80  }
0xa4: {  	s29 =	smov.u32 s11;
	s20 =	sadd.s32 $0x10, s5;
	_ =	swait.ge @!p0 [sflag:s0], $0x80  }
0xa5: {  	s11 =	smov.u32 s10;
	p1 =	sgt.u32 s20, $0x270;
	s14 =	rddreg [dreg:$0x7]  }
0xa6: {  	s10 =	smov.u32 s21;
	s4 =	simm.s32 @!p1 $0x0;
	s21 =	rddreg [dreg:$0x9]  }
0xa7: {  	s12 =	simm.s32 @!p1 $0x700;
	[sflag:s0] =	ssyncset.done @!p0 $0x0;
	s19 =	rddreg [dreg:$0x8]  }
0xa8: {  	[sflag:s0] =	ssyncadd.s32 @!p0 $0xFFFFFF80;
	s14 =	sadd.s32 @!p1 s29, s14;
	p0 =	sge.u32 s6, s21  }
0xa9: {  	[tilespmem:s12], [sflag:$0x2] =	stream.linear.gather @!p1 [hbm4b:s14+s4], $0x200, $0x38;
	[tilespmem:$0x6180] =	vst v63  }
0xaa: {  	s19 =	sadd.s32 @!p1 s29, s19;
	s14 =	simm.s32 @!p1 $0xB00;
	s0 =	simm.s32 @!p0 $0x1  }
0xab: {  	[tilespmem:s14], [sflag:$0x2] =	stream.linear.gather @!p1 [hbm4b:s19+s4], $0x200, $0x38;
	[tilespmem:$0x6180] =	vst v63  }
0xac: {  	_ =	swait.ge @!p0 [sflag:s0], $0x200  }
0xad: {  	[sflag:s0] =	ssyncset.done @!p0 $0x0  }
0xae: {  	[sflag:s0] =	ssyncadd.s32 @!p0 $0xFFFFFE00  }
0xaf: {  	_ =	swait.ge @!p0 [sflag:s0], $0x200  }
0xb0: {  	s4 =	simm.s32 @!p0 $0x900;
	[sflag:s0] =	ssyncset.done @!p0 $0x0  }
0xb1: {  	s19 =	simm.s32 @!p0 $0x500;
	[sflag:s0] =	ssyncadd.s32 @!p0 $0xFFFFFE00;
	s0 =	simm.s32 @!p0 $0x80  }
0xb2: {  	[spmem:s1] =	stream.indirect.scatter.add.f32 @!p0 [tilespmem:s4], [sflag:$0x3], $0x1, s19, s0, $0xb8;
	[tilespmem:$0x6180] =	vst v63  }
0xb3: {  	s4 =	simm.s32 @!p0 $0x580;
	s19 =	simm.s32 @!p0 $0x980  }
0xb4: {  	[spmem:s1] =	stream.indirect.scatter.add.f32 @!p0 [tilespmem:s19], [sflag:$0x3], $0x1, s4, s0, $0xb8;
	[tilespmem:$0x6180] =	vst v63  }
0xb5: {  	s4 =	simm.s32 @!p0 $0x600;
	s19 =	simm.s32 @!p0 $0xA00  }
0xb6: {  	[spmem:s1] =	stream.indirect.scatter.add.f32 @!p0 [tilespmem:s19], [sflag:$0x3], $0x1, s4, s0, $0xb8;
	[tilespmem:$0x6180] =	vst v63  }
0xb7: {  	s20 =	simm.s32 @!p0 $0x3;
	s4 =	simm.s32 @!p0 $0x680;
	s19 =	simm.s32 @!p0 $0xA80  }
0xb8: {  	[spmem:s1] =	stream.indirect.scatter.add.f32 @!p0 [tilespmem:s19], [sflag:$0x3], $0x1, s4, s0, $0xb8;
	[tilespmem:$0x6180] =	vst v63  }
0xb9: {  	_ =	swait.ge @!p0 [sflag:s20], $0x80  }
0xba: {  	[sflag:s20] =	ssyncset.done @!p0 $0x0  }
0xbb: {  	[sflag:s20] =	ssyncadd.s32 @!p0 $0xFFFFFF80  }
0xbc: {  	_ =	swait.ge @!p0 [sflag:s20], $0x80  }
0xbd: {  	[sflag:s20] =	ssyncset.done @!p0 $0x0  }
0xbe: {  	[sflag:s20] =	ssyncadd.s32 @!p0 $0xFFFFFF80  }
0xbf: {  	_ =	swait.ge @!p0 [sflag:s20], $0x80  }
0xc0: {  	[sflag:s20] =	ssyncset.done @!p0 $0x0  }
0xc1: {  	[sflag:s20] =	ssyncadd.s32 @!p0 $0xFFFFFF80  }
0xc2: {  	s24 =	sadd.s32 $0x20, s5;
	_ =	swait.ge @!p0 [sflag:s20], $0x80  }
0xc3: {  	p6 =	sgt.u32 s24, $0x270;
	s21 =	rddreg [dreg:$0xa];
	[sflag:s20] =	ssyncset.done @!p0 $0x0  }
0xc4: {  	[sflag:s20] =	ssyncadd.s32 @!p0 $0xFFFFFF80;
	s20 =	sadd.s32 @!p6 s29, s21;
	s21 =	sld [smem:$0x7FC]  }
0xc5: {  	_ =	sdelay $0x1  }
0xc6: {  	p0 =	seq.s32 s21, $0x1  }
.Ltmp2:
0xc7: {  	s30 =	sadd.s32 s7, s3;
	(pc) =	sbr.rel @p0 .LBB2_2-.Ltmp2, $4  }
0xc8: {  	s5 =	smov.u32 s30;
	p2 =	por p5, p5;
	p3 =	por p4, p4  }
0xc9: {  	p5 =	seq.s32 s10, $0x0;
	s6 =	smov.u32 s7;
	s7 =	sadd.s32 $0x20, s7  }
0xca: {  	s24 =	simm.s32 @!p6 $0x0;
	s30 =	simm.s32 @!p6 $0x500;
	p4 =	sge.u32 @!p5 s7, s25  }
0xcb: {  	s0 =	simm.s32 @!p6 $0x900;
	s19 =	simm.s32 @!p1 $0x2;
	s4 =	rddreg [dreg:$0xb]  }
0xcc: {  	[tilespmem:s30], [sflag:$0x1] =	stream.linear.gather @!p6 [hbm4b:s20+s24], $0x200, $0x38;
	[tilespmem:$0x6180] =	vst v63  }
0xcd: {  	s4 =	sadd.s32 @!p6 s29, s4  }
0xce: {  	[tilespmem:s0], [sflag:$0x1] =	stream.linear.gather @!p6 [hbm4b:s4+s24], $0x200, $0x38;
	[tilespmem:$0x6180] =	vst v63  }
0xcf: {  	_ =	swait.ge @!p1 [sflag:s19], $0x200  }
0xd0: {  	[sflag:s19] =	ssyncset.done @!p1 $0x0  }
0xd1: {  	[sflag:s19] =	ssyncadd.s32 @!p1 $0xFFFFFE00  }
0xd2: {  	_ =	swait.ge @!p1 [sflag:s19], $0x200  }
0xd3: {  	[sflag:s19] =	ssyncset.done @!p1 $0x0  }
0xd4: {  	s0 =	simm.s32 @!p1 $0x80;
	[sflag:s19] =	ssyncadd.s32 @!p1 $0xFFFFFE00  }
0xd5: {  	[spmem:s1] =	stream.indirect.scatter.add.f32 @!p1 [tilespmem:s14], [sflag:$0x4], $0x1, s12, s0, $0xb8;
	[tilespmem:$0x6180] =	vst v63  }
0xd6: {  	s4 =	simm.s32 @!p1 $0x780;
	s12 =	simm.s32 @!p1 $0xB80  }
0xd7: {  	[spmem:s1] =	stream.indirect.scatter.add.f32 @!p1 [tilespmem:s12], [sflag:$0x4], $0x1, s4, s0, $0xb8;
	[tilespmem:$0x6180] =	vst v63  }
0xd8: {  	p0 =	por p3, p2;
	s4 =	simm.s32 @!p1 $0x800;
	s12 =	simm.s32 @!p1 $0xC00  }
0xd9: {  	[spmem:s1] =	stream.indirect.scatter.add.f32 @!p1 [tilespmem:s12], [sflag:$0x4], $0x1, s4, s0, $0xb8;
	[tilespmem:$0x6180] =	vst v63  }
0xda: {  	s13 =	simm.s32 @!p1 $0xC80;
	s4 =	simm.s32 @!p0 $0x4;
	s12 =	simm.s32 @!p1 $0x880  }
0xdb: {  	[spmem:s1] =	stream.indirect.scatter.add.f32 @!p1 [tilespmem:s13], [sflag:$0x4], $0x1, s12, s0, $0xb8;
	[tilespmem:$0x6180] =	vst v63  }
0xdc: {  	_ =	swait.ge @!p0 [sflag:s4], $0x80  }
0xdd: {  	[sflag:s4] =	ssyncset.done @!p0 $0x0  }
0xde: {  	[sflag:s4] =	ssyncadd.s32 @!p0 $0xFFFFFF80  }
0xdf: {  	_ =	swait.ge @!p0 [sflag:s4], $0x80  }
0xe0: {  	[sflag:s4] =	ssyncset.done @!p0 $0x0  }
0xe1: {  	[sflag:s4] =	ssyncadd.s32 @!p0 $0xFFFFFF80  }
0xe2: {  	_ =	swait.ge @!p0 [sflag:s4], $0x80  }
0xe3: {  	[sflag:s4] =	ssyncset.done @!p0 $0x0  }
0xe4: {  	[sflag:s4] =	ssyncadd.s32 @!p0 $0xFFFFFF80  }
0xe5: {  	s29 =	sadd.s32 $0x10, s5;
	_ =	swait.ge @!p0 [sflag:s4], $0x80  }
0xe6: {  	p1 =	sgt.u32 s29, $0x270;
	s12 =	rddreg [dreg:$0x7]  }
0xe7: {  	s13 =	simm.s32 @!p1 $0x0;
	s30 =	rddreg [dreg:$0x9]  }
0xe8: {  	s19 =	simm.s32 @!p1 $0x700;
	[sflag:s4] =	ssyncset.done @!p0 $0x0;
	s14 =	rddreg [dreg:$0x8]  }
0xe9: {  	[sflag:s4] =	ssyncadd.s32 @!p0 $0xFFFFFF80;
	s4 =	sadd.s32 @!p1 s11, s12;
	p0 =	sge.u32 s6, s30  }
0xea: {  	[tilespmem:s19], [sflag:$0x2] =	stream.linear.gather @!p1 [hbm4b:s4+s13], $0x200, $0x38;
	[tilespmem:$0x6180] =	vst v63  }
0xeb: {  	s12 =	simm.s32 @!p1 $0xB00;
	s4 =	sadd.s32 @!p1 s11, s14;
	s0 =	simm.s32 @!p0 $0x1  }
0xec: {  	[tilespmem:s12], [sflag:$0x2] =	stream.linear.gather @!p1 [hbm4b:s4+s13], $0x200, $0x38;
	[tilespmem:$0x6180] =	vst v63  }
0xed: {  	_ =	swait.ge @!p0 [sflag:s0], $0x200  }
0xee: {  	[sflag:s0] =	ssyncset.done @!p0 $0x0  }
0xef: {  	[sflag:s0] =	ssyncadd.s32 @!p0 $0xFFFFFE00  }
0xf0: {  	_ =	swait.ge @!p0 [sflag:s0], $0x200  }
0xf1: {  	s6 =	simm.s32 @!p0 $0x500;
	[sflag:s0] =	ssyncset.done @!p0 $0x0  }
0xf2: {  	s4 =	simm.s32 @!p0 $0x900;
	[sflag:s0] =	ssyncadd.s32 @!p0 $0xFFFFFE00;
	s0 =	simm.s32 @!p0 $0x80  }
0xf3: {  	[spmem:s1] =	stream.indirect.scatter.add.f32 @!p0 [tilespmem:s4], [sflag:$0x3], $0x1, s6, s0, $0xb8;
	[tilespmem:$0x6180] =	vst v63  }
0xf4: {  	s4 =	simm.s32 @!p0 $0x580;
	s6 =	simm.s32 @!p0 $0x980  }
0xf5: {  	[spmem:s1] =	stream.indirect.scatter.add.f32 @!p0 [tilespmem:s6], [sflag:$0x3], $0x1, s4, s0, $0xb8;
	[tilespmem:$0x6180] =	vst v63  }
0xf6: {  	s4 =	simm.s32 @!p0 $0x600;
	s6 =	simm.s32 @!p0 $0xA00  }
0xf7: {  	[spmem:s1] =	stream.indirect.scatter.add.f32 @!p0 [tilespmem:s6], [sflag:$0x3], $0x1, s4, s0, $0xb8;
	[tilespmem:$0x6180] =	vst v63  }
0xf8: {  	s13 =	simm.s32 @!p0 $0x3;
	s4 =	simm.s32 @!p0 $0x680;
	s6 =	simm.s32 @!p0 $0xA80  }
0xf9: {  	[spmem:s1] =	stream.indirect.scatter.add.f32 @!p0 [tilespmem:s6], [sflag:$0x3], $0x1, s4, s0, $0xb8;
	[tilespmem:$0x6180] =	vst v63  }
0xfa: {  	_ =	swait.ge @!p0 [sflag:s13], $0x80  }
0xfb: {  	[sflag:s13] =	ssyncset.done @!p0 $0x0  }
0xfc: {  	[sflag:s13] =	ssyncadd.s32 @!p0 $0xFFFFFF80  }
0xfd: {  	_ =	swait.ge @!p0 [sflag:s13], $0x80  }
0xfe: {  	[sflag:s13] =	ssyncset.done @!p0 $0x0  }
0xff: {  	[sflag:s13] =	ssyncadd.s32 @!p0 $0xFFFFFF80  }
0x100: {  	_ =	swait.ge @!p0 [sflag:s13], $0x80  }
0x101: {  	s20 =	sadd.s32 $0x20, s5;
	[sflag:s13] =	ssyncset.done @!p0 $0x0  }
0x102: {  	p2 =	sgt.u32 s20, $0x270;
	[sflag:s13] =	ssyncadd.s32 @!p0 $0xFFFFFF80  }
0x103: {  	s0 =	simm.s32 @!p2 $0x0;
	_ =	swait.ge @!p0 [sflag:s13], $0x80  }
0x104: {  	s6 =	simm.s32 @!p2 $0x500;
	s4 =	rddreg [dreg:$0xa];
	[sflag:s13] =	ssyncset.done @!p0 $0x0  }
0x105: {  	s5 =	rddreg [dreg:$0xb];
	[sflag:s13] =	ssyncadd.s32 @!p0 $0xFFFFFF80;
	s4 =	sadd.s32 @!p2 s11, s4  }
0x106: {  	[tilespmem:s6], [sflag:$0x1] =	stream.linear.gather @!p2 [hbm4b:s4+s0], $0x200, $0x38;
	[tilespmem:$0x6180] =	vst v63  }
0x107: {  	s5 =	sadd.s32 @!p2 s11, s5;
	s4 =	simm.s32 @!p2 $0x900;
	s6 =	simm.s32 @!p1 $0x2  }
0x108: {  	[tilespmem:s4], [sflag:$0x1] =	stream.linear.gather @!p2 [hbm4b:s5+s0], $0x200, $0x38;
	[tilespmem:$0x6180] =	vst v63  }
0x109: {  	_ =	swait.ge @!p1 [sflag:s6], $0x200  }
0x10a: {  	[sflag:s6] =	ssyncset.done @!p1 $0x0  }
0x10b: {  	[sflag:s6] =	ssyncadd.s32 @!p1 $0xFFFFFE00  }
0x10c: {  	_ =	swait.ge @!p1 [sflag:s6], $0x200  }
0x10d: {  	[sflag:s6] =	ssyncset.done @!p1 $0x0  }
0x10e: {  	p5 =	por p5, p5;
	s0 =	simm.s32 @!p1 $0x80;
	[sflag:s6] =	ssyncadd.s32 @!p1 $0xFFFFFE00  }
0x10f: {  	[spmem:s1] =	stream.indirect.scatter.add.f32 @!p1 [tilespmem:s12], [sflag:$0x4], $0x1, s19, s0, $0xb8;
	[tilespmem:$0x6180] =	vst v63  }
0x110: {  	p6 =	por p4, p4;
	s4 =	simm.s32 @!p1 $0x780;
	s5 =	simm.s32 @!p1 $0xB80  }
0x111: {  	[spmem:s1] =	stream.indirect.scatter.add.f32 @!p1 [tilespmem:s5], [sflag:$0x4], $0x1, s4, s0, $0xb8;
	[tilespmem:$0x6180] =	vst v63  }
0x112: {  	p2 =	por p6, p5;
	s4 =	simm.s32 @!p1 $0x800;
	s5 =	simm.s32 @!p1 $0xC00  }
0x113: {  	[spmem:s1] =	stream.indirect.scatter.add.f32 @!p1 [tilespmem:s5], [sflag:$0x4], $0x1, s4, s0, $0xb8;
	[tilespmem:$0x6180] =	vst v63  }
0x114: {  	s6 =	simm.s32 @!p1 $0xC80;
	s4 =	simm.s32 @!p2 $0x4;
	s5 =	simm.s32 @!p1 $0x880  }
0x115: {  	[spmem:s1] =	stream.indirect.scatter.add.f32 @!p1 [tilespmem:s6], [sflag:$0x4], $0x1, s5, s0, $0xb8;
	[tilespmem:$0x6180] =	vst v63  }
0x116: {  	_ =	swait.ge @!p2 [sflag:s4], $0x80  }
0x117: {  	[sflag:s4] =	ssyncset.done @!p2 $0x0  }
0x118: {  	[sflag:s4] =	ssyncadd.s32 @!p2 $0xFFFFFF80  }
0x119: {  	_ =	swait.ge @!p2 [sflag:s4], $0x80  }
0x11a: {  	[sflag:s4] =	ssyncset.done @!p2 $0x0  }
0x11b: {  	[sflag:s4] =	ssyncadd.s32 @!p2 $0xFFFFFF80  }
0x11c: {  	_ =	swait.ge @!p2 [sflag:s4], $0x80  }
0x11d: {  	s21 =	sadd.s32 s7, s3;
	[sflag:s4] =	ssyncset.done @!p2 $0x0  }
0x11e: {  	s24 =	sadd.s32 $0x10, s21;
	[sflag:s4] =	ssyncadd.s32 @!p2 $0xFFFFFF80  }
0x11f: {  	p0 =	sgt.u32 s24, $0x270;
	_ =	swait.ge @!p2 [sflag:s4], $0x80  }
0x120: {  	s11 =	simm.s32 @!p0 $0x0;
	s6 =	rddreg [dreg:$0x7]  }
0x121: {  	s13 =	simm.s32 @!p0 $0x700;
	s29 =	rddreg [dreg:$0x9];
	[sflag:s4] =	ssyncset.done @!p2 $0x0  }
0x122: {  	s12 =	rddreg [dreg:$0x8];
	[sflag:s4] =	ssyncadd.s32 @!p2 $0xFFFFFF80;
	s4 =	sadd.s32 @!p0 s10, s6  }
0x123: {  	[tilespmem:s13], [sflag:$0x2] =	stream.linear.gather @!p0 [hbm4b:s4+s11], $0x200, $0x38;
	[tilespmem:$0x6180] =	vst v63  }
0x124: {  	s6 =	simm.s32 @!p0 $0xB00;
	p1 =	sge.u32 s7, s29;
	s4 =	sadd.s32 @!p0 s10, s12  }
0x125: {  	[tilespmem:s6], [sflag:$0x2] =	stream.linear.gather @!p0 [hbm4b:s4+s11], $0x200, $0x38;
	[tilespmem:$0x6180] =	vst v63  }
0x126: {  	s4 =	simm.s32 @!p1 $0x1  }
0x127: {  	_ =	swait.ge @!p1 [sflag:s4], $0x200  }
0x128: {  	[sflag:s4] =	ssyncset.done @!p1 $0x0  }
0x129: {  	[sflag:s4] =	ssyncadd.s32 @!p1 $0xFFFFFE00  }
0x12a: {  	_ =	swait.ge @!p1 [sflag:s4], $0x200  }
0x12b: {  	s5 =	simm.s32 @!p1 $0x900;
	[sflag:s4] =	ssyncset.done @!p1 $0x0  }
0x12c: {  	s7 =	simm.s32 @!p1 $0x500;
	[sflag:s4] =	ssyncadd.s32 @!p1 $0xFFFFFE00;
	s4 =	simm.s32 @!p1 $0x80  }
0x12d: {  	[spmem:s1] =	stream.indirect.scatter.add.f32 @!p1 [tilespmem:s5], [sflag:$0x3], $0x1, s7, s4, $0xb8;
	[tilespmem:$0x6180] =	vst v63  }
0x12e: {  	s5 =	simm.s32 @!p1 $0x580;
	s7 =	simm.s32 @!p1 $0x980  }
0x12f: {  	[spmem:s1] =	stream.indirect.scatter.add.f32 @!p1 [tilespmem:s7], [sflag:$0x3], $0x1, s5, s4, $0xb8;
	[tilespmem:$0x6180] =	vst v63  }
0x130: {  	s5 =	simm.s32 @!p1 $0x600;
	s7 =	simm.s32 @!p1 $0xA00  }
0x131: {  	[spmem:s1] =	stream.indirect.scatter.add.f32 @!p1 [tilespmem:s7], [sflag:$0x3], $0x1, s5, s4, $0xb8;
	[tilespmem:$0x6180] =	vst v63  }
0x132: {  	s11 =	simm.s32 @!p1 $0x3;
	s5 =	simm.s32 @!p1 $0x680;
	s7 =	simm.s32 @!p1 $0xA80  }
0x133: {  	[spmem:s1] =	stream.indirect.scatter.add.f32 @!p1 [tilespmem:s7], [sflag:$0x3], $0x1, s5, s4, $0xb8;
	[tilespmem:$0x6180] =	vst v63  }
0x134: {  	_ =	swait.ge @!p1 [sflag:s11], $0x80  }
0x135: {  	[sflag:s11] =	ssyncset.done @!p1 $0x0  }
0x136: {  	[sflag:s11] =	ssyncadd.s32 @!p1 $0xFFFFFF80  }
0x137: {  	_ =	swait.ge @!p1 [sflag:s11], $0x80  }
0x138: {  	[sflag:s11] =	ssyncset.done @!p1 $0x0  }
0x139: {  	[sflag:s11] =	ssyncadd.s32 @!p1 $0xFFFFFF80  }
0x13a: {  	_ =	swait.ge @!p1 [sflag:s11], $0x80  }
0x13b: {  	s0 =	sadd.s32 $0x20, s21;
	[sflag:s11] =	ssyncset.done @!p1 $0x0  }
0x13c: {  	p2 =	sgt.u32 s0, $0x270;
	[sflag:s11] =	ssyncadd.s32 @!p1 $0xFFFFFF80  }
0x13d: {  	s0 =	simm.s32 @!p2 $0x0;
	_ =	swait.ge @!p1 [sflag:s11], $0x80  }
0x13e: {  	s7 =	simm.s32 @!p2 $0x500;
	s4 =	rddreg [dreg:$0xa];
	[sflag:s11] =	ssyncset.done @!p1 $0x0  }
0x13f: {  	s5 =	rddreg [dreg:$0xb];
	[sflag:s11] =	ssyncadd.s32 @!p1 $0xFFFFFF80;
	s4 =	sadd.s32 @!p2 s10, s4  }
0x140: {  	[tilespmem:s7], [sflag:$0x1] =	stream.linear.gather @!p2 [hbm4b:s4+s0], $0x200, $0x38;
	[tilespmem:$0x6180] =	vst v63  }
0x141: {  	s5 =	sadd.s32 @!p2 s10, s5;
	s4 =	simm.s32 @!p2 $0x900;
	s7 =	simm.s32 @!p0 $0x2  }
0x142: {  	[tilespmem:s4], [sflag:$0x1] =	stream.linear.gather @!p2 [hbm4b:s5+s0], $0x200, $0x38;
	[tilespmem:$0x6180] =	vst v63  }
0x143: {  	_ =	swait.ge @!p0 [sflag:s7], $0x200  }
0x144: {  	[sflag:s7] =	ssyncset.done @!p0 $0x0  }
0x145: {  	[sflag:s7] =	ssyncadd.s32 @!p0 $0xFFFFFE00  }
0x146: {  	_ =	swait.ge @!p0 [sflag:s7], $0x200  }
0x147: {  	[sflag:s7] =	ssyncset.done @!p0 $0x0  }
0x148: {  	s0 =	simm.s32 @!p0 $0x80;
	[sflag:s7] =	ssyncadd.s32 @!p0 $0xFFFFFE00  }
0x149: {  	[spmem:s1] =	stream.indirect.scatter.add.f32 @!p0 [tilespmem:s6], [sflag:$0x4], $0x1, s13, s0, $0xb8;
	[tilespmem:$0x6180] =	vst v63  }
0x14a: {  	s4 =	simm.s32 @!p0 $0x780;
	s5 =	simm.s32 @!p0 $0xB80  }
0x14b: {  	[spmem:s1] =	stream.indirect.scatter.add.f32 @!p0 [tilespmem:s5], [sflag:$0x4], $0x1, s4, s0, $0xb8;
	[tilespmem:$0x6180] =	vst v63  }
0x14c: {  	s4 =	simm.s32 @!p0 $0x800;
	s5 =	simm.s32 @!p0 $0xC00  }
0x14d: {  	[spmem:s1] =	stream.indirect.scatter.add.f32 @!p0 [tilespmem:s5], [sflag:$0x4], $0x1, s4, s0, $0xb8;
	[tilespmem:$0x6180] =	vst v63  }
0x14e: {  	s4 =	simm.s32 @!p0 $0x880;
	s5 =	simm.s32 @!p0 $0xC80  }
0x14f: {  	[spmem:s1] =	stream.indirect.scatter.add.f32 @!p0 [tilespmem:s5], [sflag:$0x4], $0x1, s4, s0, $0xb8;
	[tilespmem:$0x6180] =	vst v63  }
0x150: {  	s30 =	simm.s32 $0x1180;
	[bflag:$0x0] =	sbarrier.arrive $0xFFFF  }
0x151: {  	[tilespmem:s30], [sflag:$0x7] =	stream.linear.gather [spmem:s1], $0x2800, $0x38;
	[tilespmem:$0x6180] =	vst v63  }
0x152: {  	_ =	swait.ge [sflag:s28], $0x2800  }
0x153: {  	[sflag:s28] =	ssyncset.done $0x0  }
0x154: {  	s6 =	simm.s32 $0x0;
	[sflag:s28] =	ssyncadd.s32 $0xFFFFD800  }
0x155: {  	v1 =	vld [tilespmem:s6+$0x1180];
	_ =	sdelay $0x4  }
0x156: {  	s5 =	simm.s32 $0x10;
	v1 =	vadd.f32 $1.000000000e+00, v1  }
0x157: {  	v2 =	vld [tilespmem:s5+$0x1180]  }
0x158: {  	v3 =	vshra.s32 v1, $0x1;
	v4 =	vmul.f32 $5.000000000e-01, v1  }
0x159: {  	v1 =	vsub.s32 $0x5F3759DF, v3  }
0x15a: {  	v3 =	vmul.f32 v1, v4  }
0x15b: {  	s7 =	simm.s32 $0x20  }
0x15c: {  	v5 =	vld [tilespmem:s7+$0x1180];
	v2 =	vadd.f32 $1.000000000e+00, v2;
	v3 =	vmul.f32 v1, v3;
	_ =	sdelay $0x1  }
0x15d: {  	v6 =	vshra.s32 v2, $0x1;
	v8 =	vmul.f32 $5.000000000e-01, v2;
	v2 =	vsub.f32 $1.500000000e+00, v3  }
0x15e: {  	v3 =	vsub.s32 $0x5F3759DF, v6  }
0x15f: {  	v6 =	vmul.f32 v3, v8;
	v2 =	vmul.f32 v1, v2  }
0x160: {  	s10 =	simm.s32 $0x30;
	v1 =	vadd.f32 $1.000000000e+00, v5  }
0x161: {  	v5 =	vld [tilespmem:s10+$0x1180];
	v6 =	vmul.f32 v3, v6;
	v7 =	vmul.f32 v2, v4  }
0x162: {  	v9 =	vshra.s32 v1, $0x1;
	v1 =	vmul.f32 $5.000000000e-01, v1  }
0x163: {  	v6 =	vsub.f32 $1.500000000e+00, v6;
	v9 =	vsub.s32 $0x5F3759DF, v9;
	v7 =	vmul.f32 v7, v2  }
0x164: {  	v10 =	vmul.f32 v9, v1  }
0x165: {  	v3 =	vmul.f32 v3, v6;
	v6 =	vsub.f32 $1.500000000e+00, v7  }
0x166: {  	v5 =	vadd.f32 $1.000000000e+00, v5;
	v10 =	vmul.f32 v9, v10  }
0x167: {  	s11 =	simm.s32 $0x40;
	v11 =	vmul.f32 v3, v8;
	v6 =	vmul.f32 v6, v2  }
0x168: {  	v7 =	vld [tilespmem:s11+$0x1180];
	v12 =	vshra.s32 v5, $0x1;
	v2 =	vmul.f32 $5.000000000e-01, v5;
	v5 =	vsub.f32 $1.500000000e+00, v10  }
0x169: {  	v13 =	vsub.s32 $0x5F3759DF, v12;
	v10 =	vmul.f32 v11, v3;
	v4 =	vmul.f32 v6, v4  }
0x16a: {  	v11 =	vmul.f32 v13, v2;
	v5 =	vmul.f32 v9, v5  }
0x16b: {  	v9 =	vsub.f32 $1.500000000e+00, v10;
	v4 =	vmul.f32 v4, v6  }
0x16c: {  	v10 =	vmul.f32 v13, v11;
	v11 =	vmul.f32 v5, v1  }
0x16d: {  	s12 =	simm.s32 $0x50;
	v7 =	vadd.f32 $1.000000000e+00, v7;
	v3 =	vmul.f32 v9, v3  }
0x16e: {  	v14 =	vsub.f32 $1.500000000e+00, v4;
	v15 =	vsub.f32 $1.500000000e+00, v10;
	v10 =	vmul.f32 v11, v5;
	v11 =	vld [tilespmem:s12+$0x1180]  }
0x16f: {  	v12 =	vshra.s32 v7, $0x1;
	v4 =	vmul.f32 $5.000000000e-01, v7  }
0x170: {  	v7 =	vsub.s32 $0x5F3759DF, v12;
	v9 =	vmul.f32 v3, v8;
	v6 =	vmul.f32 v14, v6  }
0x171: {  	s0 =	simm.s32 $0x180;
	v12 =	vmul.f32 v7, v4;
	v8 =	vmul.f32 v13, v15  }
.LBB2_4:
0x172: {  	s4 =	sshra.s32 s0, $0x2  }
0x173: {  	v13 =	vadd.f32 $1.000000000e+00, v11;
	v10 =	vsub.f32 $1.500000000e+00, v10;
	v9 =	vmul.f32 v9, v3;
	[tilespmem:s6+$0x3980] =	vst v6;
	s6 =	smov.u32 s5;
	s5 =	smov.u32 s7;
	p0 =	sne.s32 s0, $0x9FC0  }
.Ltmp3:
0x174: {  	s7 =	smov.u32 s10;
	s10 =	smov.u32 s11;
	v11 =	vld [tilespmem:s4+$0x1180];
	v6 =	vmul.f32 v7, v12;
	v12 =	vmul.f32 v8, v2;
	(pc) =	sbr.rel @p0 .LBB2_4-.Ltmp3, $4  }
0x175: {  	s0 =	sadd.s32 $0x40, s0;
	s11 =	smov.u32 s12;
	v14 =	vshra.s32 v13, $0x1;
	v15 =	vmul.f32 v10, v5;
	v16 =	vsub.f32 $1.500000000e+00, v9;
	v5 =	vmovc v8  }
0x176: {  	s12 =	smov.u32 s4;
	v13 =	vmul.f32 $5.000000000e-01, v13;
	v8 =	vsub.f32 $1.500000000e+00, v6;
	v10 =	vmul.f32 v12, v5  }
0x177: {  	v14 =	vsub.s32 $0x5F3759DF, v14;
	v9 =	vmul.f32 v15, v1;
	v6 =	vmul.f32 v16, v3;
	v3 =	vmovc v15;
	v1 =	vmovc v2  }
0x178: {  	v12 =	vmul.f32 v14, v13;
	v2 =	vmovc v4;
	v4 =	vmovc v13;
	v8 =	vmul.f32 v7, v8;
	v7 =	vmov v14  }
0x179: {  	v11 =	vadd.f32 $1.000000000e+00, v11;
	_ =	sdelay $0x1  }
0x17a: {  	v13 =	vshra.s32 v11, $0x1;
	v11 =	vmul.f32 $5.000000000e-01, v11  }
0x17b: {  	v13 =	vsub.s32 $0x5F3759DF, v13  }
0x17c: {  	v14 =	vmul.f32 v13, v11  }
0x17d: {  	v12 =	vmul.f32 v7, v12  }
0x17e: {  	v14 =	vmul.f32 v13, v14  }
0x17f: {  	v12 =	vsub.f32 $1.500000000e+00, v12  }
0x180: {  	v14 =	vsub.f32 $1.500000000e+00, v14  }
0x181: {  	v55 =	vmul.f32 v7, v12  }
0x182: {  	v56 =	vmul.f32 v8, v2;
	v13 =	vmul.f32 v13, v14  }
0x183: {  	v57 =	vmul.f32 v55, v4  }
0x184: {  	v12 =	vmul.f32 v56, v8;
	v15 =	vmul.f32 v13, v11  }
0x185: {  	v10 =	vsub.f32 $1.500000000e+00, v10;
	v14 =	vmul.f32 v57, v55  }
0x186: {  	v12 =	vsub.f32 $1.500000000e+00, v12;
	v15 =	vmul.f32 v15, v13  }
0x187: {  	v5 =	vmul.f32 v10, v5;
	v58 =	vsub.f32 $1.500000000e+00, v14  }
0x188: {  	v9 =	vmul.f32 v9, v3;
	v59 =	vmul.f32 v12, v8;
	v60 =	vsub.f32 $1.500000000e+00, v15  }
0x189: {  	v1 =	vmul.f32 v5, v1;
	v7 =	vmul.f32 v58, v55  }
0x18a: {  	v2 =	vmul.f32 v59, v2;
	v61 =	vmul.f32 v60, v13  }
0x18b: {  	v1 =	vmul.f32 v1, v5;
	v62 =	vmul.f32 v7, v4  }
0x18c: {  	s0 =	sld [smem:$0x7FD];
	v9 =	vsub.f32 $1.500000000e+00, v9;
	v2 =	vmul.f32 v2, v59;
	v11 =	vmul.f32 v61, v11  }
0x18d: {  	v1 =	vsub.f32 $1.500000000e+00, v1;
	v4 =	vmul.f32 v62, v7  }
0x18e: {  	v3 =	vmul.f32 v9, v3;
	v2 =	vsub.f32 $1.500000000e+00, v2;
	v63 =	vmul.f32 v11, v61  }
0x18f: {  	[tilespmem:s6+$0x3980] =	vst v6;
	p0 =	seq.s32 s0, $0x1;
	v1 =	vmul.f32 v1, v5;
	v4 =	vsub.f32 $1.500000000e+00, v4  }
.Ltmp4:
0x190: {  	[tilespmem:s5+$0x3980] =	vst v3;
	v2 =	vmul.f32 v2, v59;
	v3 =	vsub.f32 $1.500000000e+00, v63;
	(pc) =	sbr.rel @p0 .LBB2_7-.Ltmp4, $4  }
0x191: {  	[tilespmem:s7+$0x3980] =	vst v1;
	v1 =	vmul.f32 v4, v7  }
0x192: {  	[tilespmem:s10+$0x3980] =	vst v2;
	v2 =	vmul.f32 v3, v61  }
0x193: {  	[tilespmem:s11+$0x3980] =	vst v1  }
0x194: {  	[tilespmem:s12+$0x3980] =	vst v2  }
0x195: {  	s0 =	rddreg [dreg:$0xc]  }
0x196: {  	v1 =	vld [tilespmem:s0+$0x3980];
	_ =	sdelay $0x4  }
0x197: {  	v1 =	vmul.f32 v1, v1;
	_ =	sdelay $0x1  }
0x198: {  	[tilespmem:$0x1100] =	vst v1  }
0x199: {  	v1 =	vld [tilespmem:s0+$0x3990];
	_ =	sdelay $0x4  }
0x19a: {  	v1 =	vmul.f32 v1, v1;
	_ =	sdelay $0x1  }
0x19b: {  	[tilespmem:$0x1110] =	vst v1  }
0x19c: {  	v1 =	vld [tilespmem:s0+$0x39A0];
	_ =	sdelay $0x4  }
0x19d: {  	v1 =	vmul.f32 v1, v1;
	_ =	sdelay $0x1  }
0x19e: {  	[tilespmem:$0x1120] =	vst v1  }
0x19f: {  	v1 =	vld [tilespmem:s0+$0x39B0];
	_ =	sdelay $0x4  }
0x1a0: {  	v1 =	vmul.f32 v1, v1;
	_ =	sdelay $0x1  }
0x1a1: {  	[tilespmem:$0x1130] =	vst v1  }
0x1a2: {  	v1 =	vld [tilespmem:s0+$0x39C0];
	_ =	sdelay $0x4  }
0x1a3: {  	v1 =	vmul.f32 v1, v1;
	_ =	sdelay $0x1  }
0x1a4: {  	[tilespmem:$0x1140] =	vst v1  }
0x1a5: {  	v1 =	vld [tilespmem:s0+$0x39D0];
	_ =	sdelay $0x4  }
0x1a6: {  	v1 =	vmul.f32 v1, v1;
	_ =	sdelay $0x1  }
0x1a7: {  	[tilespmem:$0x1150] =	vst v1  }
0x1a8: {  	v1 =	vld [tilespmem:s0+$0x39E0];
	_ =	sdelay $0x4  }
0x1a9: {  	v1 =	vmul.f32 v1, v1;
	_ =	sdelay $0x1  }
0x1aa: {  	[tilespmem:$0x1160] =	vst v1  }
0x1ab: {  	v1 =	vld [tilespmem:s0+$0x39F0];
	_ =	sdelay $0x4  }
0x1ac: {  	v1 =	vmul.f32 v1, v1;
	_ =	sdelay $0x1  }
0x1ad: {  	s14 =	rddreg [dreg:$0xf];
	s4 =	simm.s32 $0x1100;
	[tilespmem:$0x1170] =	vst v1  }
0x1ae: {  	[hbm4b:s14+s2] =	stream.linear.scatter [tilespmem:s4], [sflag:$0x7], $0x80, $0x38;
	[tilespmem:$0x6180] =	vst v63  }
0x1af: {  	_ =	swait.ge [sflag:s28], $0x80  }
0x1b0: {  	[sflag:s28] =	ssyncset.done $0x0  }
0x1b1: {  	s19 =	rddreg [dreg:$0x18];
	[sflag:s28] =	ssyncadd.s32 $0xFFFFFF80  }
0x1b2: {  	v1 =	vld [tilespmem:s19+$0x3980];
	_ =	sdelay $0x4  }
0x1b3: {  	v1 =	vmul.f32 v1, v1;
	_ =	sdelay $0x1  }
0x1b4: {  	[tilespmem:$0x1100] =	vst v1  }
0x1b5: {  	v1 =	vld [tilespmem:s19+$0x3990];
	_ =	sdelay $0x4  }
0x1b6: {  	v1 =	vmul.f32 v1, v1;
	_ =	sdelay $0x1  }
0x1b7: {  	[tilespmem:$0x1110] =	vst v1  }
0x1b8: {  	v1 =	vld [tilespmem:s19+$0x39A0];
	_ =	sdelay $0x4  }
0x1b9: {  	v1 =	vmul.f32 v1, v1;
	_ =	sdelay $0x1  }
0x1ba: {  	[tilespmem:$0x1120] =	vst v1  }
0x1bb: {  	v1 =	vld [tilespmem:s19+$0x39B0];
	_ =	sdelay $0x4  }
0x1bc: {  	v1 =	vmul.f32 v1, v1;
	_ =	sdelay $0x1  }
0x1bd: {  	[tilespmem:$0x1130] =	vst v1  }
0x1be: {  	v1 =	vld [tilespmem:s19+$0x39C0];
	_ =	sdelay $0x4  }
0x1bf: {  	v1 =	vmul.f32 v1, v1;
	_ =	sdelay $0x1  }
0x1c0: {  	[tilespmem:$0x1140] =	vst v1  }
0x1c1: {  	v1 =	vld [tilespmem:s19+$0x39D0];
	_ =	sdelay $0x4  }
0x1c2: {  	v1 =	vmul.f32 v1, v1;
	_ =	sdelay $0x1  }
0x1c3: {  	[tilespmem:$0x1150] =	vst v1  }
0x1c4: {  	v1 =	vld [tilespmem:s19+$0x39E0];
	_ =	sdelay $0x4  }
0x1c5: {  	v1 =	vmul.f32 v1, v1;
	_ =	sdelay $0x1  }
0x1c6: {  	[tilespmem:$0x1160] =	vst v1  }
0x1c7: {  	v1 =	vld [tilespmem:s19+$0x39F0];
	_ =	sdelay $0x4  }
0x1c8: {  	v1 =	vmul.f32 v1, v1;
	_ =	sdelay $0x1  }
0x1c9: {  	s20 =	rddreg [dreg:$0x10];
	[tilespmem:$0x1170] =	vst v1  }
0x1ca: {  	[hbm4b:s20+s2] =	stream.linear.scatter [tilespmem:s4], [sflag:$0x7], $0x80, $0x38;
	[tilespmem:$0x6180] =	vst v63  }
0x1cb: {  	_ =	swait.ge [sflag:s28], $0x80  }
0x1cc: {  	[sflag:s28] =	ssyncset.done $0x0  }
0x1cd: {  	s21 =	rddreg [dreg:$0x19];
	[sflag:s28] =	ssyncadd.s32 $0xFFFFFF80  }
0x1ce: {  	v1 =	vld [tilespmem:s21+$0x3980];
	_ =	sdelay $0x4  }
0x1cf: {  	v1 =	vmul.f32 v1, v1;
	_ =	sdelay $0x1  }
0x1d0: {  	[tilespmem:$0x1100] =	vst v1  }
0x1d1: {  	v1 =	vld [tilespmem:s21+$0x3990];
	_ =	sdelay $0x4  }
0x1d2: {  	v1 =	vmul.f32 v1, v1;
	_ =	sdelay $0x1  }
0x1d3: {  	[tilespmem:$0x1110] =	vst v1  }
0x1d4: {  	v1 =	vld [tilespmem:s21+$0x39A0];
	_ =	sdelay $0x4  }
0x1d5: {  	v1 =	vmul.f32 v1, v1;
	_ =	sdelay $0x1  }
0x1d6: {  	[tilespmem:$0x1120] =	vst v1  }
0x1d7: {  	v1 =	vld [tilespmem:s21+$0x39B0];
	_ =	sdelay $0x4  }
0x1d8: {  	v1 =	vmul.f32 v1, v1;
	_ =	sdelay $0x1  }
0x1d9: {  	[tilespmem:$0x1130] =	vst v1  }
0x1da: {  	v1 =	vld [tilespmem:s21+$0x39C0];
	_ =	sdelay $0x4  }
0x1db: {  	v1 =	vmul.f32 v1, v1;
	_ =	sdelay $0x1  }
0x1dc: {  	[tilespmem:$0x1140] =	vst v1  }
0x1dd: {  	v1 =	vld [tilespmem:s21+$0x39D0];
	_ =	sdelay $0x4  }
0x1de: {  	v1 =	vmul.f32 v1, v1;
	_ =	sdelay $0x1  }
0x1df: {  	[tilespmem:$0x1150] =	vst v1  }
0x1e0: {  	v1 =	vld [tilespmem:s21+$0x39E0];
	_ =	sdelay $0x4  }
0x1e1: {  	v1 =	vmul.f32 v1, v1;
	_ =	sdelay $0x1  }
0x1e2: {  	[tilespmem:$0x1160] =	vst v1  }
0x1e3: {  	v1 =	vld [tilespmem:s21+$0x39F0];
	_ =	sdelay $0x4  }
0x1e4: {  	v1 =	vmul.f32 v1, v1;
	_ =	sdelay $0x1  }
0x1e5: {  	s24 =	rddreg [dreg:$0x11];
	[tilespmem:$0x1170] =	vst v1  }
0x1e6: {  	[hbm4b:s24+s2] =	stream.linear.scatter [tilespmem:s4], [sflag:$0x7], $0x80, $0x38;
	[tilespmem:$0x6180] =	vst v63  }
0x1e7: {  	_ =	swait.ge [sflag:s28], $0x80  }
0x1e8: {  	[sflag:s28] =	ssyncset.done $0x0  }
0x1e9: {  	[sflag:s28] =	ssyncadd.s32 $0xFFFFFF80  }
0x1ea: {  	v1 =	vld [tilespmem:s22+$0x3980];
	_ =	sdelay $0x4  }
0x1eb: {  	v1 =	vmul.f32 v1, v1;
	_ =	sdelay $0x1  }
0x1ec: {  	[tilespmem:$0x1100] =	vst v1  }
0x1ed: {  	v1 =	vld [tilespmem:s22+$0x3990];
	_ =	sdelay $0x4  }
0x1ee: {  	v1 =	vmul.f32 v1, v1;
	_ =	sdelay $0x1  }
0x1ef: {  	[tilespmem:$0x1110] =	vst v1  }
0x1f0: {  	v1 =	vld [tilespmem:s22+$0x39A0];
	_ =	sdelay $0x4  }
0x1f1: {  	v1 =	vmul.f32 v1, v1;
	_ =	sdelay $0x1  }
0x1f2: {  	[tilespmem:$0x1120] =	vst v1  }
0x1f3: {  	v1 =	vld [tilespmem:s22+$0x39B0];
	_ =	sdelay $0x4  }
0x1f4: {  	v1 =	vmul.f32 v1, v1;
	_ =	sdelay $0x1  }
0x1f5: {  	[tilespmem:$0x1130] =	vst v1  }
0x1f6: {  	v1 =	vld [tilespmem:s22+$0x39C0];
	_ =	sdelay $0x4  }
0x1f7: {  	v1 =	vmul.f32 v1, v1;
	_ =	sdelay $0x1  }
0x1f8: {  	[tilespmem:$0x1140] =	vst v1  }
0x1f9: {  	v1 =	vld [tilespmem:s22+$0x39D0];
	_ =	sdelay $0x4  }
0x1fa: {  	v1 =	vmul.f32 v1, v1;
	_ =	sdelay $0x1  }
0x1fb: {  	[tilespmem:$0x1150] =	vst v1  }
0x1fc: {  	v1 =	vld [tilespmem:s22+$0x39E0];
	_ =	sdelay $0x4  }
0x1fd: {  	v1 =	vmul.f32 v1, v1;
	_ =	sdelay $0x1  }
0x1fe: {  	[tilespmem:$0x1160] =	vst v1  }
0x1ff: {  	v1 =	vld [tilespmem:s22+$0x39F0];
	_ =	sdelay $0x4  }
0x200: {  	v1 =	vmul.f32 v1, v1;
	_ =	sdelay $0x1  }
0x201: {  	s29 =	rddreg [dreg:$0x12];
	[tilespmem:$0x1170] =	vst v1  }
0x202: {  	[hbm4b:s29+s2] =	stream.linear.scatter [tilespmem:s4], [sflag:$0x7], $0x80, $0x38;
	[tilespmem:$0x6180] =	vst v63  }
0x203: {  	_ =	swait.ge [sflag:s28], $0x80  }
0x204: {  	[sflag:s28] =	ssyncset.done $0x0  }
0x205: {  	[sflag:s28] =	ssyncadd.s32 $0xFFFFFF80  }
0x206: {  	v1 =	vld [tilespmem:s23+$0x3980];
	_ =	sdelay $0x4  }
0x207: {  	v1 =	vmul.f32 v1, v1;
	_ =	sdelay $0x1  }
0x208: {  	[tilespmem:$0x1100] =	vst v1  }
0x209: {  	v1 =	vld [tilespmem:s23+$0x3990];
	_ =	sdelay $0x4  }
0x20a: {  	v1 =	vmul.f32 v1, v1;
	_ =	sdelay $0x1  }
0x20b: {  	[tilespmem:$0x1110] =	vst v1  }
0x20c: {  	v1 =	vld [tilespmem:s23+$0x39A0];
	_ =	sdelay $0x4  }
0x20d: {  	v1 =	vmul.f32 v1, v1;
	_ =	sdelay $0x1  }
0x20e: {  	[tilespmem:$0x1120] =	vst v1  }
0x20f: {  	v1 =	vld [tilespmem:s23+$0x39B0];
	_ =	sdelay $0x4  }
0x210: {  	v1 =	vmul.f32 v1, v1;
	_ =	sdelay $0x1  }
0x211: {  	[tilespmem:$0x1130] =	vst v1  }
0x212: {  	v1 =	vld [tilespmem:s23+$0x39C0];
	_ =	sdelay $0x4  }
0x213: {  	v1 =	vmul.f32 v1, v1;
	_ =	sdelay $0x1  }
0x214: {  	[tilespmem:$0x1140] =	vst v1  }
0x215: {  	v1 =	vld [tilespmem:s23+$0x39D0];
	_ =	sdelay $0x4  }
0x216: {  	v1 =	vmul.f32 v1, v1;
	_ =	sdelay $0x1  }
0x217: {  	[tilespmem:$0x1150] =	vst v1  }
0x218: {  	v1 =	vld [tilespmem:s23+$0x39E0];
	_ =	sdelay $0x4  }
0x219: {  	v1 =	vmul.f32 v1, v1;
	_ =	sdelay $0x1  }
0x21a: {  	[tilespmem:$0x1160] =	vst v1  }
0x21b: {  	v1 =	vld [tilespmem:s23+$0x39F0];
	_ =	sdelay $0x4  }
0x21c: {  	v1 =	vmul.f32 v1, v1;
	_ =	sdelay $0x1  }
0x21d: {  	s30 =	rddreg [dreg:$0x13];
	[tilespmem:$0x1170] =	vst v1  }
0x21e: {  	[hbm4b:s30+s2] =	stream.linear.scatter [tilespmem:s4], [sflag:$0x7], $0x80, $0x38;
	[tilespmem:$0x6180] =	vst v63  }
0x21f: {  	_ =	swait.ge [sflag:s28], $0x80  }
0x220: {  	[sflag:s28] =	ssyncset.done $0x0  }
0x221: {  	[sflag:s28] =	ssyncadd.s32 $0xFFFFFF80  }
.LBB2_7:
0x222: {  	s10 =	simm.s32 $0x0;
	s0 =	rddreg [dreg:$0x14];
	s4 =	simm.s32 $0xD00  }
0x223: {  	[tilespmem:s4], [sflag:$0x1] =	stream.linear.gather [hbm4b:s0+s10], $0x100, $0x38;
	[tilespmem:$0x6180] =	vst v63  }
.Ltmp5:
0x224: {  	_ = 	snop;
	(pc) =	sbr.rel .LBB2_8-.Ltmp5, $4  }
0x225: {  	s29 =	rddreg [dreg:$0x15];
	s11 =	simm.s32 $0x500  }
0x226: {  	[tilespmem:s11], [sflag:$0x1] =	stream.linear.gather [hbm4b:s29+s10], $0x100, $0x38;
	[tilespmem:$0x6180] =	vst v63  }
0x227: {  	s30 =	rddreg [dreg:$0x16];
	s12 =	simm.s32 $0x900;
	s7 =	simm.s32 $0x0  }
0x228: {  	[tilespmem:s12], [sflag:$0x1] =	stream.linear.gather [hbm4b:s30+s10], $0x100, $0x38;
	[tilespmem:$0x6180] =	vst v63  }
.LBB2_12:
0x229: {  	s7 =	sadd.s32 $0x400, s7  }
0x22a: {  	p0 =	sne.s32 s7, $0x5400  }
.Ltmp6:
0x22b: {  	_ = 	snop;
	(pc) =	sbr.rel @!p0 .LBB2_13-.Ltmp6, $2  }
0x22c: {  	_ =	sdelay $0x2  }
0x22d: {  	s10 =	sadd.s32 $0x20, s10  }
.LBB2_8:
0x22e: {  	p2 =	seq.s32 s7, $0x0  }
0x22f: {  	s0 =	simm.s32 @!p2 $0x5  }
0x230: {  	s5 =	sadd.s32 s10, s3;
	_ =	swait.ge @!p2 [sflag:s0], $0x100  }
0x231: {  	p0 =	sgt.u32 s5, $0x270;
	[sflag:s0] =	ssyncset.done @!p2 $0x0  }
0x232: {  	[sflag:s0] =	ssyncadd.s32 @!p2 $0xFFFFFF00;
	s0 =	simm.s32 @!p0 $0x1  }
0x233: {  	_ =	swait.ge @!p0 [sflag:s0], $0x100  }
0x234: {  	[sflag:s0] =	ssyncset.done @!p0 $0x0  }
0x235: {  	[sflag:s0] =	ssyncadd.s32 @!p0 $0xFFFFFF00  }
0x236: {  	_ =	swait.ge @!p0 [sflag:s0], $0x100  }
0x237: {  	[sflag:s0] =	ssyncset.done @!p0 $0x0  }
0x238: {  	[sflag:s0] =	ssyncadd.s32 @!p0 $0xFFFFFF00  }
0x239: {  	s4 =	sadd.s32 $0x10, s5;
	_ =	swait.ge @!p0 [sflag:s0], $0x100  }
0x23a: {  	p1 =	sgt.u32 s4, $0x270;
	[sflag:s0] =	ssyncset.done @!p0 $0x0  }
0x23b: {  	[sflag:s0] =	ssyncadd.s32 @!p0 $0xFFFFFF00;
	s0 =	sadd.s32 @!p1 s7, s15  }
0x23c: {  	s4 =	simm.s32 @!p1 $0x0;
	s6 =	simm.s32 @!p1 $0xE00;
	s0 =	sadd.s32 @!p1 $0x200, s0  }
0x23d: {  	[tilespmem:s6], [sflag:$0x2] =	stream.linear.gather @!p1 [hbm4b:s0+s4], $0x100, $0x38;
	[tilespmem:$0x6180] =	vst v63  }
0x23e: {  	s0 =	sadd.s32 @!p1 s7, s16  }
.Ltmp7:
0x23f: {  	s6 =	simm.s32 @!p1 $0x700;
	s0 =	sadd.s32 @!p1 $0x200, s0;
	(pc) =	sbr.rel @p0 .LBB2_10-.Ltmp7, $4  }
0x240: {  	[tilespmem:s6], [sflag:$0x2] =	stream.linear.gather @!p1 [hbm4b:s0+s4], $0x100, $0x38;
	[tilespmem:$0x6180] =	vst v63  }
0x241: {  	s0 =	sadd.s32 @!p1 s7, s17  }
0x242: {  	s6 =	simm.s32 @!p1 $0xB00;
	s0 =	sadd.s32 @!p1 $0x200, s0  }
0x243: {  	[tilespmem:s6], [sflag:$0x2] =	stream.linear.gather @!p1 [hbm4b:s0+s4], $0x100, $0x38;
	[tilespmem:$0x6180] =	vst v63  }
0x244: {  	v1 =	vld [tilespmem:$0xD00];
	_ =	sdelay $0x1  }
0x245: {  	v2 =	vld [tilespmem:$0x500];
	_ =	sdelay $0x4  }
0x246: {  	v3 =	vld [tilespmem:$0x900]  }
0x247: {  	v1 =	vld.idx.msk [tilespmem:v1+s8+$0x0], $0xffff  }
0x248: {  	v4 =	vld [tilespmem:$0xD10]  }
0x249: {  	v2 =	vld.idx.msk [tilespmem:v2+s8+$0x0], $0xffff;
	_ =	sdelay $0x1  }
0x24a: {  	v5 =	vld [tilespmem:$0x510]  }
0x24b: {  	v1 =	vmul.f32 v3, v1;
	_ =	sdelay $0x1  }
0x24c: {  	v1 =	vmul.f32 v1, v2;
	_ =	sdelay $0x1  }
0x24d: {  	v2 =	vld [tilespmem:$0x910];
	[tilespmem:$0xF00] =	vst v1  }
0x24e: {  	v1 =	vld.idx.msk [tilespmem:v4+s8+$0x0], $0xffff  }
0x24f: {  	v37 =	vld [tilespmem:$0xD20]  }
0x250: {  	v3 =	vld.idx.msk [tilespmem:v5+s8+$0x0], $0xffff;
	_ =	sdelay $0x1  }
0x251: {  	v38 =	vld [tilespmem:$0x520]  }
0x252: {  	v1 =	vmul.f32 v2, v1;
	_ =	sdelay $0x1  }
0x253: {  	v1 =	vmul.f32 v1, v3;
	_ =	sdelay $0x1  }
0x254: {  	v2 =	vld [tilespmem:$0x920];
	[tilespmem:$0xF10] =	vst v1  }
0x255: {  	v1 =	vld.idx.msk [tilespmem:v37+s8+$0x0], $0xffff  }
0x256: {  	v39 =	vld [tilespmem:$0xD30]  }
0x257: {  	v3 =	vld.idx.msk [tilespmem:v38+s8+$0x0], $0xffff;
	_ =	sdelay $0x1  }
0x258: {  	v40 =	vld [tilespmem:$0x530]  }
0x259: {  	v1 =	vmul.f32 v2, v1;
	_ =	sdelay $0x1  }
0x25a: {  	v1 =	vmul.f32 v1, v3;
	_ =	sdelay $0x1  }
0x25b: {  	v2 =	vld [tilespmem:$0x930];
	[tilespmem:$0xF20] =	vst v1  }
0x25c: {  	v1 =	vld.idx.msk [tilespmem:v39+s8+$0x0], $0xffff  }
0x25d: {  	v41 =	vld [tilespmem:$0xD40]  }
0x25e: {  	v3 =	vld.idx.msk [tilespmem:v40+s8+$0x0], $0xffff;
	_ =	sdelay $0x1  }
0x25f: {  	v42 =	vld [tilespmem:$0x540]  }
0x260: {  	v1 =	vmul.f32 v2, v1;
	_ =	sdelay $0x1  }
0x261: {  	v1 =	vmul.f32 v1, v3;
	_ =	sdelay $0x1  }
0x262: {  	v2 =	vld [tilespmem:$0x940];
	[tilespmem:$0xF30] =	vst v1  }
0x263: {  	v1 =	vld.idx.msk [tilespmem:v41+s8+$0x0], $0xffff  }
0x264: {  	v43 =	vld [tilespmem:$0xD50]  }
0x265: {  	v3 =	vld.idx.msk [tilespmem:v42+s8+$0x0], $0xffff;
	_ =	sdelay $0x1  }
0x266: {  	v44 =	vld [tilespmem:$0x550]  }
0x267: {  	v1 =	vmul.f32 v2, v1;
	_ =	sdelay $0x1  }
0x268: {  	v1 =	vmul.f32 v1, v3;
	_ =	sdelay $0x1  }
0x269: {  	v2 =	vld [tilespmem:$0x950];
	[tilespmem:$0xF40] =	vst v1  }
0x26a: {  	v1 =	vld.idx.msk [tilespmem:v43+s8+$0x0], $0xffff  }
0x26b: {  	v45 =	vld [tilespmem:$0xD60]  }
0x26c: {  	v3 =	vld.idx.msk [tilespmem:v44+s8+$0x0], $0xffff;
	_ =	sdelay $0x1  }
0x26d: {  	v46 =	vld [tilespmem:$0x560]  }
0x26e: {  	v1 =	vmul.f32 v2, v1;
	_ =	sdelay $0x1  }
0x26f: {  	v1 =	vmul.f32 v1, v3;
	_ =	sdelay $0x1  }
0x270: {  	v2 =	vld [tilespmem:$0x960];
	[tilespmem:$0xF50] =	vst v1  }
0x271: {  	v1 =	vld.idx.msk [tilespmem:v45+s8+$0x0], $0xffff  }
0x272: {  	v47 =	vld [tilespmem:$0xD70]  }
0x273: {  	v3 =	vld.idx.msk [tilespmem:v46+s8+$0x0], $0xffff;
	_ =	sdelay $0x1  }
0x274: {  	v48 =	vld [tilespmem:$0x570]  }
0x275: {  	v1 =	vmul.f32 v2, v1;
	_ =	sdelay $0x1  }
0x276: {  	v1 =	vmul.f32 v1, v3;
	_ =	sdelay $0x1  }
0x277: {  	v2 =	vld [tilespmem:$0x970];
	[tilespmem:$0xF60] =	vst v1  }
0x278: {  	v1 =	vld.idx.msk [tilespmem:v47+s8+$0x0], $0xffff  }
0x279: {  	v49 =	vld [tilespmem:$0xD80]  }
0x27a: {  	v3 =	vld.idx.msk [tilespmem:v48+s8+$0x0], $0xffff;
	_ =	sdelay $0x1  }
0x27b: {  	v50 =	vld [tilespmem:$0x580]  }
0x27c: {  	v1 =	vmul.f32 v2, v1;
	_ =	sdelay $0x1  }
0x27d: {  	v1 =	vmul.f32 v1, v3;
	_ =	sdelay $0x1  }
0x27e: {  	v2 =	vld [tilespmem:$0x980];
	[tilespmem:$0xF70] =	vst v1  }
0x27f: {  	v1 =	vld.idx.msk [tilespmem:v49+s8+$0x0], $0xffff  }
0x280: {  	v51 =	vld [tilespmem:$0xD90]  }
0x281: {  	v3 =	vld.idx.msk [tilespmem:v50+s8+$0x0], $0xffff;
	_ =	sdelay $0x1  }
0x282: {  	v52 =	vld [tilespmem:$0x590]  }
0x283: {  	v1 =	vmul.f32 v2, v1;
	_ =	sdelay $0x1  }
0x284: {  	v1 =	vmul.f32 v1, v3;
	_ =	sdelay $0x1  }
0x285: {  	v2 =	vld [tilespmem:$0x990];
	[tilespmem:$0xF80] =	vst v1  }
0x286: {  	v1 =	vld.idx.msk [tilespmem:v51+s8+$0x0], $0xffff  }
0x287: {  	v53 =	vld [tilespmem:$0xDA0]  }
0x288: {  	v3 =	vld.idx.msk [tilespmem:v52+s8+$0x0], $0xffff;
	_ =	sdelay $0x1  }
0x289: {  	v54 =	vld [tilespmem:$0x5A0]  }
0x28a: {  	v1 =	vmul.f32 v2, v1;
	_ =	sdelay $0x1  }
0x28b: {  	v1 =	vmul.f32 v1, v3;
	_ =	sdelay $0x1  }
0x28c: {  	v2 =	vld [tilespmem:$0x9A0];
	[tilespmem:$0xF90] =	vst v1  }
0x28d: {  	v1 =	vld.idx.msk [tilespmem:v53+s8+$0x0], $0xffff  }
0x28e: {  	v55 =	vld [tilespmem:$0xDB0]  }
0x28f: {  	v3 =	vld.idx.msk [tilespmem:v54+s8+$0x0], $0xffff;
	_ =	sdelay $0x1  }
0x290: {  	v56 =	vld [tilespmem:$0x5B0]  }
0x291: {  	v1 =	vmul.f32 v2, v1;
	_ =	sdelay $0x1  }
0x292: {  	v1 =	vmul.f32 v1, v3;
	_ =	sdelay $0x1  }
0x293: {  	v2 =	vld [tilespmem:$0x9B0];
	[tilespmem:$0xFA0] =	vst v1  }
0x294: {  	v1 =	vld.idx.msk [tilespmem:v55+s8+$0x0], $0xffff  }
0x295: {  	v57 =	vld [tilespmem:$0xDC0]  }
0x296: {  	v3 =	vld.idx.msk [tilespmem:v56+s8+$0x0], $0xffff;
	_ =	sdelay $0x1  }
0x297: {  	v58 =	vld [tilespmem:$0x5C0]  }
0x298: {  	v1 =	vmul.f32 v2, v1;
	_ =	sdelay $0x1  }
0x299: {  	v1 =	vmul.f32 v1, v3;
	_ =	sdelay $0x1  }
0x29a: {  	v2 =	vld [tilespmem:$0x9C0];
	[tilespmem:$0xFB0] =	vst v1  }
0x29b: {  	v1 =	vld.idx.msk [tilespmem:v57+s8+$0x0], $0xffff  }
0x29c: {  	v59 =	vld [tilespmem:$0xDD0]  }
0x29d: {  	v3 =	vld.idx.msk [tilespmem:v58+s8+$0x0], $0xffff;
	_ =	sdelay $0x1  }
0x29e: {  	v60 =	vld [tilespmem:$0x5D0]  }
0x29f: {  	v1 =	vmul.f32 v2, v1;
	_ =	sdelay $0x1  }
0x2a0: {  	v1 =	vmul.f32 v1, v3;
	_ =	sdelay $0x1  }
0x2a1: {  	v2 =	vld [tilespmem:$0x9D0];
	[tilespmem:$0xFC0] =	vst v1  }
0x2a2: {  	v1 =	vld.idx.msk [tilespmem:v59+s8+$0x0], $0xffff  }
0x2a3: {  	v61 =	vld [tilespmem:$0xDE0]  }
0x2a4: {  	v3 =	vld.idx.msk [tilespmem:v60+s8+$0x0], $0xffff;
	_ =	sdelay $0x2  }
0x2a5: {  	v62 =	vld [tilespmem:$0x5E0];
	v1 =	vmul.f32 v2, v1;
	_ =	sdelay $0x1  }
0x2a6: {  	v1 =	vmul.f32 v1, v3;
	_ =	sdelay $0x1  }
0x2a7: {  	v2 =	vld [tilespmem:$0x9E0];
	[tilespmem:$0xFD0] =	vst v1  }
0x2a8: {  	v1 =	vld.idx.msk [tilespmem:v61+s8+$0x0], $0xffff;
	_ =	sdelay $0x1  }
0x2a9: {  	v63 =	vld [tilespmem:$0xDF0]  }
0x2aa: {  	v3 =	vld.idx.msk [tilespmem:v62+s8+$0x0], $0xffff;
	_ =	sdelay $0x1  }
0x2ab: {  	v1 =	vmul.f32 v2, v1;
	v2 =	vld [tilespmem:$0x5F0];
	_ =	sdelay $0x2  }
0x2ac: {  	v1 =	vmul.f32 v1, v3;
	_ =	sdelay $0x1  }
0x2ad: {  	v3 =	vld [tilespmem:$0x9F0];
	[tilespmem:$0xFE0] =	vst v1  }
0x2ae: {  	v1 =	vld.idx.msk [tilespmem:v63+s8+$0x0], $0xffff;
	_ =	sdelay $0x1  }
0x2af: {  	v2 =	vld.idx.msk [tilespmem:v2+s8+$0x0], $0xffff;
	_ =	sdelay $0x2  }
0x2b0: {  	v1 =	vmul.f32 v3, v1;
	_ =	sdelay $0x1  }
0x2b1: {  	v1 =	vmul.f32 v1, v2;
	_ =	sdelay $0x1  }
0x2b2: {  	s0 =	sadd.s32 s7, s18;
	[tilespmem:$0xFF0] =	vst v1  }
0x2b3: {  	[hbm4b:s0+s2] =	stream.linear.scatter [tilespmem:s9], [sflag:$0x5], $0x100, $0x38;
	[tilespmem:$0x6180] =	vst v63  }
.LBB2_10:
0x2b4: {  	p0 =	sge.u32 @!p2 s10, s25  }
0x2b5: {  	p0 =	por p0, p2  }
0x2b6: {  	s0 =	simm.s32 @!p0 $0x6  }
0x2b7: {  	_ =	swait.ge @!p0 [sflag:s0], $0x100  }
0x2b8: {  	[sflag:s0] =	ssyncset.done @!p0 $0x0  }
0x2b9: {  	[sflag:s0] =	ssyncadd.s32 @!p0 $0xFFFFFF00;
	s0 =	simm.s32 @!p1 $0x2  }
0x2ba: {  	_ =	swait.ge @!p1 [sflag:s0], $0x100  }
0x2bb: {  	[sflag:s0] =	ssyncset.done @!p1 $0x0  }
0x2bc: {  	[sflag:s0] =	ssyncadd.s32 @!p1 $0xFFFFFF00  }
0x2bd: {  	_ =	swait.ge @!p1 [sflag:s0], $0x100  }
0x2be: {  	[sflag:s0] =	ssyncset.done @!p1 $0x0  }
0x2bf: {  	[sflag:s0] =	ssyncadd.s32 @!p1 $0xFFFFFF00  }
0x2c0: {  	s4 =	sadd.s32 $0x20, s5;
	_ =	swait.ge @!p1 [sflag:s0], $0x100  }
0x2c1: {  	p0 =	sgt.u32 s4, $0x270;
	[sflag:s0] =	ssyncset.done @!p1 $0x0  }
0x2c2: {  	[sflag:s0] =	ssyncadd.s32 @!p1 $0xFFFFFF00;
	s0 =	sadd.s32 @!p0 s7, s15  }
0x2c3: {  	s4 =	simm.s32 @!p0 $0x0;
	s5 =	simm.s32 @!p0 $0xD00;
	s0 =	sadd.s32 @!p0 $0x400, s0  }
0x2c4: {  	[tilespmem:s5], [sflag:$0x1] =	stream.linear.gather @!p0 [hbm4b:s0+s4], $0x100, $0x38;
	[tilespmem:$0x6180] =	vst v63  }
0x2c5: {  	s0 =	sadd.s32 @!p0 s7, s16  }
.Ltmp8:
0x2c6: {  	s5 =	simm.s32 @!p0 $0x500;
	s0 =	sadd.s32 @!p0 $0x400, s0;
	(pc) =	sbr.rel @p1 .LBB2_12-.Ltmp8, $4  }
0x2c7: {  	[tilespmem:s5], [sflag:$0x1] =	stream.linear.gather @!p0 [hbm4b:s0+s4], $0x100, $0x38;
	[tilespmem:$0x6180] =	vst v63  }
0x2c8: {  	s0 =	sadd.s32 @!p0 s7, s17  }
0x2c9: {  	s5 =	simm.s32 @!p0 $0x900;
	s0 =	sadd.s32 @!p0 $0x400, s0  }
0x2ca: {  	[tilespmem:s5], [sflag:$0x1] =	stream.linear.gather @!p0 [hbm4b:s0+s4], $0x100, $0x38;
	[tilespmem:$0x6180] =	vst v63  }
0x2cb: {  	v1 =	vld [tilespmem:$0xE00];
	_ =	sdelay $0x1  }
0x2cc: {  	v2 =	vld [tilespmem:$0x700];
	_ =	sdelay $0x4  }
0x2cd: {  	v3 =	vld [tilespmem:$0xB00]  }
0x2ce: {  	v1 =	vld.idx.msk [tilespmem:v1+s8+$0x0], $0xffff  }
0x2cf: {  	v4 =	vld [tilespmem:$0xE10]  }
0x2d0: {  	v2 =	vld.idx.msk [tilespmem:v2+s8+$0x0], $0xffff;
	_ =	sdelay $0x1  }
0x2d1: {  	v5 =	vld [tilespmem:$0x710]  }
0x2d2: {  	v1 =	vmul.f32 v3, v1;
	_ =	sdelay $0x1  }
0x2d3: {  	v1 =	vmul.f32 v1, v2;
	_ =	sdelay $0x1  }
0x2d4: {  	v2 =	vld [tilespmem:$0xB10];
	[tilespmem:$0x1000] =	vst v1  }
0x2d5: {  	v1 =	vld.idx.msk [tilespmem:v4+s8+$0x0], $0xffff  }
0x2d6: {  	v37 =	vld [tilespmem:$0xE20]  }
0x2d7: {  	v3 =	vld.idx.msk [tilespmem:v5+s8+$0x0], $0xffff;
	_ =	sdelay $0x1  }
0x2d8: {  	v38 =	vld [tilespmem:$0x720]  }
0x2d9: {  	v1 =	vmul.f32 v2, v1;
	_ =	sdelay $0x1  }
0x2da: {  	v1 =	vmul.f32 v1, v3;
	_ =	sdelay $0x1  }
0x2db: {  	v2 =	vld [tilespmem:$0xB20];
	[tilespmem:$0x1010] =	vst v1  }
0x2dc: {  	v1 =	vld.idx.msk [tilespmem:v37+s8+$0x0], $0xffff  }
0x2dd: {  	v39 =	vld [tilespmem:$0xE30]  }
0x2de: {  	v3 =	vld.idx.msk [tilespmem:v38+s8+$0x0], $0xffff;
	_ =	sdelay $0x1  }
0x2df: {  	v40 =	vld [tilespmem:$0x730]  }
0x2e0: {  	v1 =	vmul.f32 v2, v1;
	_ =	sdelay $0x1  }
0x2e1: {  	v1 =	vmul.f32 v1, v3;
	_ =	sdelay $0x1  }
0x2e2: {  	v2 =	vld [tilespmem:$0xB30];
	[tilespmem:$0x1020] =	vst v1  }
0x2e3: {  	v1 =	vld.idx.msk [tilespmem:v39+s8+$0x0], $0xffff  }
0x2e4: {  	v41 =	vld [tilespmem:$0xE40]  }
0x2e5: {  	v3 =	vld.idx.msk [tilespmem:v40+s8+$0x0], $0xffff;
	_ =	sdelay $0x1  }
0x2e6: {  	v42 =	vld [tilespmem:$0x740]  }
0x2e7: {  	v1 =	vmul.f32 v2, v1;
	_ =	sdelay $0x1  }
0x2e8: {  	v1 =	vmul.f32 v1, v3;
	_ =	sdelay $0x1  }
0x2e9: {  	v2 =	vld [tilespmem:$0xB40];
	[tilespmem:$0x1030] =	vst v1  }
0x2ea: {  	v1 =	vld.idx.msk [tilespmem:v41+s8+$0x0], $0xffff  }
0x2eb: {  	v43 =	vld [tilespmem:$0xE50]  }
0x2ec: {  	v3 =	vld.idx.msk [tilespmem:v42+s8+$0x0], $0xffff;
	_ =	sdelay $0x1  }
0x2ed: {  	v44 =	vld [tilespmem:$0x750]  }
0x2ee: {  	v1 =	vmul.f32 v2, v1;
	_ =	sdelay $0x1  }
0x2ef: {  	v1 =	vmul.f32 v1, v3;
	_ =	sdelay $0x1  }
0x2f0: {  	v2 =	vld [tilespmem:$0xB50];
	[tilespmem:$0x1040] =	vst v1  }
0x2f1: {  	v1 =	vld.idx.msk [tilespmem:v43+s8+$0x0], $0xffff  }
0x2f2: {  	v45 =	vld [tilespmem:$0xE60]  }
0x2f3: {  	v3 =	vld.idx.msk [tilespmem:v44+s8+$0x0], $0xffff;
	_ =	sdelay $0x1  }
0x2f4: {  	v46 =	vld [tilespmem:$0x760]  }
0x2f5: {  	v1 =	vmul.f32 v2, v1;
	_ =	sdelay $0x1  }
0x2f6: {  	v1 =	vmul.f32 v1, v3;
	_ =	sdelay $0x1  }
0x2f7: {  	v2 =	vld [tilespmem:$0xB60];
	[tilespmem:$0x1050] =	vst v1  }
0x2f8: {  	v1 =	vld.idx.msk [tilespmem:v45+s8+$0x0], $0xffff  }
0x2f9: {  	v47 =	vld [tilespmem:$0xE70]  }
0x2fa: {  	v3 =	vld.idx.msk [tilespmem:v46+s8+$0x0], $0xffff;
	_ =	sdelay $0x1  }
0x2fb: {  	v48 =	vld [tilespmem:$0x770]  }
0x2fc: {  	v1 =	vmul.f32 v2, v1;
	_ =	sdelay $0x1  }
0x2fd: {  	v1 =	vmul.f32 v1, v3;
	_ =	sdelay $0x1  }
0x2fe: {  	v2 =	vld [tilespmem:$0xB70];
	[tilespmem:$0x1060] =	vst v1  }
0x2ff: {  	v1 =	vld.idx.msk [tilespmem:v47+s8+$0x0], $0xffff  }
0x300: {  	v49 =	vld [tilespmem:$0xE80]  }
0x301: {  	v3 =	vld.idx.msk [tilespmem:v48+s8+$0x0], $0xffff;
	_ =	sdelay $0x1  }
0x302: {  	v50 =	vld [tilespmem:$0x780]  }
0x303: {  	v1 =	vmul.f32 v2, v1;
	_ =	sdelay $0x1  }
0x304: {  	v1 =	vmul.f32 v1, v3;
	_ =	sdelay $0x1  }
0x305: {  	v2 =	vld [tilespmem:$0xB80];
	[tilespmem:$0x1070] =	vst v1  }
0x306: {  	v1 =	vld.idx.msk [tilespmem:v49+s8+$0x0], $0xffff  }
0x307: {  	v51 =	vld [tilespmem:$0xE90]  }
0x308: {  	v3 =	vld.idx.msk [tilespmem:v50+s8+$0x0], $0xffff;
	_ =	sdelay $0x1  }
0x309: {  	v52 =	vld [tilespmem:$0x790]  }
0x30a: {  	v1 =	vmul.f32 v2, v1;
	_ =	sdelay $0x1  }
0x30b: {  	v1 =	vmul.f32 v1, v3;
	_ =	sdelay $0x1  }
0x30c: {  	v2 =	vld [tilespmem:$0xB90];
	[tilespmem:$0x1080] =	vst v1  }
0x30d: {  	v1 =	vld.idx.msk [tilespmem:v51+s8+$0x0], $0xffff  }
0x30e: {  	v53 =	vld [tilespmem:$0xEA0]  }
0x30f: {  	v3 =	vld.idx.msk [tilespmem:v52+s8+$0x0], $0xffff;
	_ =	sdelay $0x1  }
0x310: {  	v54 =	vld [tilespmem:$0x7A0]  }
0x311: {  	v1 =	vmul.f32 v2, v1;
	_ =	sdelay $0x1  }
0x312: {  	v1 =	vmul.f32 v1, v3;
	_ =	sdelay $0x1  }
0x313: {  	v2 =	vld [tilespmem:$0xBA0];
	[tilespmem:$0x1090] =	vst v1  }
0x314: {  	v1 =	vld.idx.msk [tilespmem:v53+s8+$0x0], $0xffff  }
0x315: {  	v55 =	vld [tilespmem:$0xEB0]  }
0x316: {  	v3 =	vld.idx.msk [tilespmem:v54+s8+$0x0], $0xffff;
	_ =	sdelay $0x1  }
0x317: {  	v56 =	vld [tilespmem:$0x7B0]  }
0x318: {  	v1 =	vmul.f32 v2, v1;
	_ =	sdelay $0x1  }
0x319: {  	v1 =	vmul.f32 v1, v3;
	_ =	sdelay $0x1  }
0x31a: {  	v2 =	vld [tilespmem:$0xBB0];
	[tilespmem:$0x10A0] =	vst v1  }
0x31b: {  	v1 =	vld.idx.msk [tilespmem:v55+s8+$0x0], $0xffff  }
0x31c: {  	v57 =	vld [tilespmem:$0xEC0]  }
0x31d: {  	v3 =	vld.idx.msk [tilespmem:v56+s8+$0x0], $0xffff;
	_ =	sdelay $0x1  }
0x31e: {  	v58 =	vld [tilespmem:$0x7C0]  }
0x31f: {  	v1 =	vmul.f32 v2, v1;
	_ =	sdelay $0x1  }
0x320: {  	v1 =	vmul.f32 v1, v3;
	_ =	sdelay $0x1  }
0x321: {  	v2 =	vld [tilespmem:$0xBC0];
	[tilespmem:$0x10B0] =	vst v1  }
0x322: {  	v1 =	vld.idx.msk [tilespmem:v57+s8+$0x0], $0xffff  }
0x323: {  	v59 =	vld [tilespmem:$0xED0]  }
0x324: {  	v3 =	vld.idx.msk [tilespmem:v58+s8+$0x0], $0xffff;
	_ =	sdelay $0x1  }
0x325: {  	v60 =	vld [tilespmem:$0x7D0]  }
0x326: {  	v1 =	vmul.f32 v2, v1;
	_ =	sdelay $0x1  }
0x327: {  	v1 =	vmul.f32 v1, v3;
	_ =	sdelay $0x1  }
0x328: {  	v2 =	vld [tilespmem:$0xBD0];
	[tilespmem:$0x10C0] =	vst v1  }
0x329: {  	v1 =	vld.idx.msk [tilespmem:v59+s8+$0x0], $0xffff  }
0x32a: {  	v61 =	vld [tilespmem:$0xEE0]  }
0x32b: {  	v3 =	vld.idx.msk [tilespmem:v60+s8+$0x0], $0xffff;
	_ =	sdelay $0x2  }
0x32c: {  	v62 =	vld [tilespmem:$0x7E0];
	v1 =	vmul.f32 v2, v1;
	_ =	sdelay $0x1  }
0x32d: {  	v1 =	vmul.f32 v1, v3;
	_ =	sdelay $0x1  }
0x32e: {  	v2 =	vld [tilespmem:$0xBE0];
	[tilespmem:$0x10D0] =	vst v1  }
0x32f: {  	v1 =	vld.idx.msk [tilespmem:v61+s8+$0x0], $0xffff;
	_ =	sdelay $0x1  }
0x330: {  	v63 =	vld [tilespmem:$0xEF0]  }
0x331: {  	v3 =	vld.idx.msk [tilespmem:v62+s8+$0x0], $0xffff;
	_ =	sdelay $0x1  }
0x332: {  	v1 =	vmul.f32 v2, v1;
	v2 =	vld [tilespmem:$0x7F0];
	_ =	sdelay $0x2  }
0x333: {  	v1 =	vmul.f32 v1, v3;
	_ =	sdelay $0x1  }
0x334: {  	v3 =	vld [tilespmem:$0xBF0];
	[tilespmem:$0x10E0] =	vst v1  }
0x335: {  	v1 =	vld.idx.msk [tilespmem:v63+s8+$0x0], $0xffff;
	_ =	sdelay $0x1  }
0x336: {  	v2 =	vld.idx.msk [tilespmem:v2+s8+$0x0], $0xffff;
	_ =	sdelay $0x2  }
0x337: {  	v1 =	vmul.f32 v3, v1  }
.Ltmp9:
0x338: {  	_ = 	snop;
	(pc) =	sbr.rel .LBB2_12-.Ltmp9, $4  }
0x339: {  	v1 =	vmul.f32 v1, v2  }
0x33a: {  	s0 =	sadd.s32 s7, s18  }
0x33b: {  	s0 =	sadd.s32 $0x200, s0;
	[tilespmem:$0x10F0] =	vst v1  }
0x33c: {  	[hbm4b:s0+s2] =	stream.linear.scatter [tilespmem:s26], [sflag:$0x6], $0x100, $0x38;
	[tilespmem:$0x6180] =	vst v63  }
.LBB2_14:
0x33d: {  	_ =	sfence.sel $0x180000  }
0x33e: {  	[bflag:$0x0] =	sbarrier.arrive $0xFFFF  }
0x33f: {  	_ =	strace $0x90000047  }
0x340: {  	[bflag:$0x2] =	sbarrier.arrive $0xFFFF  }
0x341: {  	p0 =	sne.s32 s3, $0x0;
	s0 =	rddreg [dreg:$0x6]  }
0x342: {  	s0 =	sadd.s32 @!p0 $0x100000, s0  }
0x343: {  	[sflag:s0] =	ssyncadd.tile.s32 @!p0 $0x1;
	_ =	shalt  }
.Lfunc_end2:
_tile_overlayer_lowered:
.L_overlay_start_2:
0x344: {  	(tag) =	ssettag $0x2  }
0x345: {  	s0 =	rddreg [dreg:$0x0];
	s2 =	stileid.u32  }
0x346: {  	s1 =	rddreg [dreg:$0x1];
	p0 =	sne.s32 s2, $0x0  }
0x347: {  	s3 =	rddreg [dreg:$0x2];
	[bflag:$0x3] =	sbarrier.arrive $0xFFFF;
	s2 =	simm.s32 @!p0 $0x1C07  }
0x348: {  	[timem:s3], [sflag:s2] =	dma.local @!p0 [hbm:s0], s1  }
0x349: {  	s0 =	simm.s32 @!p0 $0x7  }
0x34a: {  	_ =	swait.ge @!p0 [sflag:s0], s1  }
0x34b: {  	s1 =	ssub.s32 @!p0 $0x0, s1;
	[sflag:s0] =	ssyncset.done @!p0 $0x0  }
0x34c: {  	[sflag:s0] =	ssyncadd.s32 @!p0 s1  }
0x34d: {  	[bflag:$0x3] =	sbarrier.arrive $0xFFFF  }
0x34e: {  	_ =	shalt  }

</sc_bundles>
